<compile_context>
chip_gen: v7x
topology: tpu7x:2x2x1
jax: 0.10.2.dev20260603
libtpu: 0.0.44.dev20260713+nightly
codegen_flags: <defaults>
</compile_context>

<pallas_src>
import jax
import jax.numpy as jnp
from jax import lax
from jax.experimental import pallas as pl
from jax.experimental.pallas import tpu as pltpu
from jax.experimental.pallas import tpu_sc as plsc

ROWS = 256
PER_ROW = 3 * 224 * 224
LANE = 128
SUB = PER_ROW // LANE
CHUNKS = ROWS // 16

GRP = 8
NSLOT = 2


def _gather16(vec, idx):
    return lax.gather(
        vec,
        idx[:, None],
        lax.GatherDimensionNumbers(
            offset_dims=(),
            collapsed_slice_dims=(0,),
            start_index_map=(0,),
        ),
        slice_sizes=(1,),
        mode=lax.GatherScatterMode.PROMISE_IN_BOUNDS,
    )


def _compact_body(y_hbm, perm_hbm, n_hbm, y_v, perm_v, n_v):
    cid = lax.axis_index("c")
    sid = lax.axis_index("s")

    @pl.when(jnp.logical_and(cid == 0, sid == 0))
    def _():
        pltpu.sync_copy(y_hbm, y_v)
        lane = lax.iota(jnp.int32, 16)
        last = jnp.full((16,), 15, jnp.int32)
        zero = jnp.zeros((16,), jnp.int32)
        one = jnp.full((16,), 1, jnp.int32)
        for i in range(CHUNKS):
            perm_v[pl.ds(i * 16, 16)] = zero
        base = zero
        for i in range(CHUNKS):
            yv = y_v[pl.ds(i * 16, 16)]
            m = yv == one
            mi = jnp.where(m, one, zero)
            c = plsc.cumsum(mi)
            pos = base + c - mi
            plsc.store_scatter(perm_v, [pos], lane + (i * 16), mask=m)
            base = base + _gather16(c, last)
        n_v[...] = base
        pltpu.sync_copy(perm_v, perm_hbm)
        pltpu.sync_copy(n_v, n_hbm)


_COMPACT_CACHE = []


def _compact(y):
    if not _COMPACT_CACHE:
        _COMPACT_CACHE.append(
            pl.kernel(
                _compact_body,
                out_type=(
                    jax.ShapeDtypeStruct((ROWS,), jnp.int32),
                    jax.ShapeDtypeStruct((16,), jnp.int32),
                ),
                mesh=plsc.VectorSubcoreMesh(
                    core_axis_name="c", subcore_axis_name="s"
                ),
                compiler_params=pltpu.CompilerParams(needs_layout_passes=False),
                scratch_types=[
                    pltpu.VMEM((ROWS,), jnp.int32),
                    pltpu.VMEM((ROWS,), jnp.int32),
                    pltpu.VMEM((16,), jnp.int32),
                ],
            )
        )
    return _COMPACT_CACHE[0](y)


def _loss_body(perm_ref, n_ref, r_hbm, x_hbm, out_ref, rbuf, xbuf, acc, sems):
    n = n_ref[0]
    ngrp = (n + GRP - 1) // GRP

    def row_of(k):
        return perm_ref[lax.min(k, lax.max(n - 1, jnp.int32(0)))]

    def start(g):
        slot = lax.rem(g, NSLOT)
        for j in range(GRP):
            row = row_of(g * GRP + j)
            pltpu.make_async_copy(
                r_hbm.at[row], rbuf.at[slot, j], sems.at[0, slot, j]
            ).start()
            pltpu.make_async_copy(
                x_hbm.at[row], xbuf.at[slot, j], sems.at[1, slot, j]
            ).start()

    for s in range(NSLOT):
        @pl.when(s < ngrp)
        def _():
            start(jnp.int32(s))

    acc[...] = jnp.zeros((8, LANE), jnp.float32)

    def step(g, carry):
        slot = lax.rem(g, NSLOT)
        for j in range(GRP):
            row = row_of(g * GRP + j)
            pltpu.make_async_copy(
                r_hbm.at[row], rbuf.at[slot, j], sems.at[0, slot, j]
            ).wait()
            pltpu.make_async_copy(
                x_hbm.at[row], xbuf.at[slot, j], sems.at[1, slot, j]
            ).wait()
        part = jnp.zeros((8, LANE), jnp.float32)
        for j in range(GRP):
            w = (g * GRP + j < n).astype(jnp.float32)
            d = jnp.abs(rbuf[slot, j] - xbuf[slot, j])
            part = part + w * jnp.sum(d.reshape(SUB // 8, 8, LANE), axis=0)
        acc[...] += part

        @pl.when(g + NSLOT < ngrp)
        def _():
            start(g + NSLOT)

        return carry

    lax.fori_loop(0, ngrp, step, 0)
    total = jnp.sum(acc[...])
    denom = n.astype(jnp.float32) * jnp.float32(PER_ROW)
    out_ref[0, 0] = jnp.where(n > 0, total / denom, jnp.float32(0.0))


_loss = pl.pallas_call(
    _loss_body,
    grid_spec=pltpu.PrefetchScalarGridSpec(
        num_scalar_prefetch=2,
        grid=(1,),
        in_specs=[
            pl.BlockSpec(memory_space=pl.ANY),
            pl.BlockSpec(memory_space=pl.ANY),
        ],
        out_specs=pl.BlockSpec(memory_space=pltpu.SMEM),
        scratch_shapes=[
            pltpu.VMEM((NSLOT, GRP, SUB, LANE), jnp.float32),
            pltpu.VMEM((NSLOT, GRP, SUB, LANE), jnp.float32),
            pltpu.VMEM((8, LANE), jnp.float32),
            pltpu.SemaphoreType.DMA((2, NSLOT, GRP)),
        ],
    ),
    out_shape=jax.ShapeDtypeStruct((1, 1), jnp.float32),
)


def kernel(recons, x, y):
    perm, nvec = _compact(y)
    r3 = recons.reshape(ROWS, SUB, LANE)
    x3 = x.reshape(ROWS, SUB, LANE)
    out = _loss(perm, nvec, r3, x3)
    return out[0, 0]

# --- scband reference (transcript-rebuilt; emitter-appended) ---
"""Pipeline reference for scband-real-recon-loss-75728863363528 (READ-ONLY COPY).

The authoritative reference and input builder live on the scoring server;
editing this copy changes nothing except your own understanding.
"""

import jax, jax.numpy as jnp
import numpy as np


def setup_inputs(seed: int = 0) -> dict:
    key = jax.random.key(seed)
    k1, k2, k3 = jax.random.split(key, 3)
    recons = jax.random.normal(k1, (256, 3, 224, 224), dtype=jnp.float32)
    x = jax.random.normal(k2, (256, 3, 224, 224), dtype=jnp.float32)
    y = jax.random.randint(k3, (256,), 0, 2, dtype=jnp.int32)
    return {"recons": recons, "x": x, "y": y}


def reference(recons, x, y):
    # Faithful to: real_index = (y == 1); loss = mean(|recons[real] - x[real]|); 0 if none.
    # mean over the selected rows == sum(|diff| over selected rows) / (n_selected * per_row_elems)
    mask = (y == 1).astype(recons.dtype)
    diff = jnp.abs(recons - x)
    diff2d = diff.reshape(diff.shape[0], -1)
    per_row = jnp.sum(diff2d, axis=1)
    total = jnp.sum(per_row * mask)
    per_row_elems = diff2d.shape[1]
    denom = jnp.sum(mask) * per_row_elems
    loss_real = jnp.where(denom > 0, total / denom, jnp.array(0.0, dtype=recons.dtype))
    return loss_real

if __name__ == "__main__":
    import jax
    _d = setup_inputs()
    print(jax.jit(kernel)(*tuple(_d.values())))

</pallas_src>

<mosaic_0001>
#map = affine_map<(d0, d1) -> (0)>
module attributes {stable_mosaic.version = 14 : i64} {
  func.func @_compact_body(%arg0: i32, %arg1: i32, %arg2: memref<256xi32, #tpu.memory_space<hbm>>, %arg3: memref<256xi32, #tpu.memory_space<hbm>>, %arg4: memref<16xi32, #tpu.memory_space<hbm>>, %arg5: memref<256xi32, #tpu.memory_space<vmem>>, %arg6: memref<256xi32, #tpu.memory_space<vmem>>, %arg7: memref<16xi32, #tpu.memory_space<vmem>>) attributes {dimension_semantics = [#tpu.dimension_semantics<core_parallel>, #tpu.dimension_semantics<subcore_parallel>], iteration_bounds = array<i64: 2, 16>, scalar_prefetch = 0 : i64, scratch_operands = 3 : i64, tpu.core_type = #tpu.core_type<sc_vector_subcore>, window_params = [{transform_indices = #map}, {transform_indices = #map}, {transform_indices = #map}]} {
    %eq3A = arith.constant 0 : i32
    %eq3A_0 = arith.cmpi eq, %arg0, %eq3A : i32
    %eq3A_1 = arith.constant 0 : i32
    %eq3A_2 = arith.cmpi eq, %arg1, %eq3A_1 : i32
    %and3A = arith.andi %eq3A_0, %eq3A_2 : i1
    %convert_element_type3A = arith.extui %and3A : i1 to i32
    %cond3A = arith.constant 0 : i32
    %cond3A_3 = arith.cmpi ne, %convert_element_type3A, %cond3A : i32
    scf.if %cond3A_3 {
      "tpu.region"() ({
        %run_scoped3A = tpu.sem_alloc : memref<!tpu.dma_semaphore, #tpu.memory_space<semaphore_mem>>
        tpu.enqueue_dma source(%arg2 : memref<256xi32, #tpu.memory_space<hbm>>) target(%arg5 : memref<256xi32, #tpu.memory_space<vmem>>) target_semaphore(%run_scoped3A : memref<!tpu.dma_semaphore, #tpu.memory_space<semaphore_mem>>)
        tpu.wait_dma2 semaphore(%run_scoped3A : memref<!tpu.dma_semaphore, #tpu.memory_space<semaphore_mem>>) src(%arg2 : memref<256xi32, #tpu.memory_space<hbm>>) dst(%arg5 : memref<256xi32, #tpu.memory_space<vmem>>)
        tpu.yield
      }) : () -> ()
      %iota3A = tpu.iota {dimensions = array<i32: 0>} : vector<16xi32>
      %broadcast_in_dim3A = arith.constant 15 : i32
      %broadcast_in_dim3A_4 = vector.broadcast %broadcast_in_dim3A : i32 to vector<16xi32>
      %broadcast_in_dim3A_5 = arith.constant 0 : i32
      %broadcast_in_dim3A_6 = vector.broadcast %broadcast_in_dim3A_5 : i32 to vector<16xi32>
      %broadcast_in_dim3A_7 = arith.constant 1 : i32
      %broadcast_in_dim3A_8 = vector.broadcast %broadcast_in_dim3A_7 : i32 to vector<16xi32>
      %swap3A = arith.constant 0 : index
      %swap3A_9 = tpu.vector_load %arg6[%swap3A] {strides = array<i32>} : memref<256xi32, #tpu.memory_space<vmem>>, vector<16xi32>,
      tpu.vector_store %arg6[%swap3A], %broadcast_in_dim3A_6 {strides = array<i32>} : memref<256xi32, #tpu.memory_space<vmem>>, vector<16xi32>,
      %swap3A_10 = arith.constant 16 : index
      %swap3A_11 = tpu.vector_load %arg6[%swap3A_10] {strides = array<i32>} : memref<256xi32, #tpu.memory_space<vmem>>, vector<16xi32>,
      tpu.vector_store %arg6[%swap3A_10], %broadcast_in_dim3A_6 {strides = array<i32>} : memref<256xi32, #tpu.memory_space<vmem>>, vector<16xi32>,
      %swap3A_12 = arith.constant 32 : index
      %swap3A_13 = tpu.vector_load %arg6[%swap3A_12] {strides = array<i32>} : memref<256xi32, #tpu.memory_space<vmem>>, vector<16xi32>,
      tpu.vector_store %arg6[%swap3A_12], %broadcast_in_dim3A_6 {strides = array<i32>} : memref<256xi32, #tpu.memory_space<vmem>>, vector<16xi32>,
      %swap3A_14 = arith.constant 48 : index
      %swap3A_15 = tpu.vector_load %arg6[%swap3A_14] {strides = array<i32>} : memref<256xi32, #tpu.memory_space<vmem>>, vector<16xi32>,
      tpu.vector_store %arg6[%swap3A_14], %broadcast_in_dim3A_6 {strides = array<i32>} : memref<256xi32, #tpu.memory_space<vmem>>, vector<16xi32>,
      %swap3A_16 = arith.constant 64 : index
      %swap3A_17 = tpu.vector_load %arg6[%swap3A_16] {strides = array<i32>} : memref<256xi32, #tpu.memory_space<vmem>>, vector<16xi32>,
      tpu.vector_store %arg6[%swap3A_16], %broadcast_in_dim3A_6 {strides = array<i32>} : memref<256xi32, #tpu.memory_space<vmem>>, vector<16xi32>,
      %swap3A_18 = arith.constant 80 : index
      %swap3A_19 = tpu.vector_load %arg6[%swap3A_18] {strides = array<i32>} : memref<256xi32, #tpu.memory_space<vmem>>, vector<16xi32>,
      tpu.vector_store %arg6[%swap3A_18], %broadcast_in_dim3A_6 {strides = array<i32>} : memref<256xi32, #tpu.memory_space<vmem>>, vector<16xi32>,
      %swap3A_20 = arith.constant 96 : index
      %swap3A_21 = tpu.vector_load %arg6[%swap3A_20] {strides = array<i32>} : memref<256xi32, #tpu.memory_space<vmem>>, vector<16xi32>,
      tpu.vector_store %arg6[%swap3A_20], %broadcast_in_dim3A_6 {strides = array<i32>} : memref<256xi32, #tpu.memory_space<vmem>>, vector<16xi32>,
      %swap3A_22 = arith.constant 112 : index
      %swap3A_23 = tpu.vector_load %arg6[%swap3A_22] {strides = array<i32>} : memref<256xi32, #tpu.memory_space<vmem>>, vector<16xi32>,
      tpu.vector_store %arg6[%swap3A_22], %broadcast_in_dim3A_6 {strides = array<i32>} : memref<256xi32, #tpu.memory_space<vmem>>, vector<16xi32>,
      %swap3A_24 = arith.constant 128 : index
      %swap3A_25 = tpu.vector_load %arg6[%swap3A_24] {strides = array<i32>} : memref<256xi32, #tpu.memory_space<vmem>>, vector<16xi32>,
      tpu.vector_store %arg6[%swap3A_24], %broadcast_in_dim3A_6 {strides = array<i32>} : memref<256xi32, #tpu.memory_space<vmem>>, vector<16xi32>,
      %swap3A_26 = arith.constant 144 : index
      %swap3A_27 = tpu.vector_load %arg6[%swap3A_26] {strides = array<i32>} : memref<256xi32, #tpu.memory_space<vmem>>, vector<16xi32>,
      tpu.vector_store %arg6[%swap3A_26], %broadcast_in_dim3A_6 {strides = array<i32>} : memref<256xi32, #tpu.memory_space<vmem>>, vector<16xi32>,
      %swap3A_28 = arith.constant 160 : index
      %swap3A_29 = tpu.vector_load %arg6[%swap3A_28] {strides = array<i32>} : memref<256xi32, #tpu.memory_space<vmem>>, vector<16xi32>,
      tpu.vector_store %arg6[%swap3A_28], %broadcast_in_dim3A_6 {strides = array<i32>} : memref<256xi32, #tpu.memory_space<vmem>>, vector<16xi32>,
      %swap3A_30 = arith.constant 176 : index
      %swap3A_31 = tpu.vector_load %arg6[%swap3A_30] {strides = array<i32>} : memref<256xi32, #tpu.memory_space<vmem>>, vector<16xi32>,
      tpu.vector_store %arg6[%swap3A_30], %broadcast_in_dim3A_6 {strides = array<i32>} : memref<256xi32, #tpu.memory_space<vmem>>, vector<16xi32>,
      %swap3A_32 = arith.constant 192 : index
      %swap3A_33 = tpu.vector_load %arg6[%swap3A_32] {strides = array<i32>} : memref<256xi32, #tpu.memory_space<vmem>>, vector<16xi32>,
      tpu.vector_store %arg6[%swap3A_32], %broadcast_in_dim3A_6 {strides = array<i32>} : memref<256xi32, #tpu.memory_space<vmem>>, vector<16xi32>,
      %swap3A_34 = arith.constant 208 : index
      %swap3A_35 = tpu.vector_load %arg6[%swap3A_34] {strides = array<i32>} : memref<256xi32, #tpu.memory_space<vmem>>, vector<16xi32>,
      tpu.vector_store %arg6[%swap3A_34], %broadcast_in_dim3A_6 {strides = array<i32>} : memref<256xi32, #tpu.memory_space<vmem>>, vector<16xi32>,
      %swap3A_36 = arith.constant 224 : index
      %swap3A_37 = tpu.vector_load %arg6[%swap3A_36] {strides = array<i32>} : memref<256xi32, #tpu.memory_space<vmem>>, vector<16xi32>,
      tpu.vector_store %arg6[%swap3A_36], %broadcast_in_dim3A_6 {strides = array<i32>} : memref<256xi32, #tpu.memory_space<vmem>>, vector<16xi32>,
      %swap3A_38 = arith.constant 240 : index
      %swap3A_39 = tpu.vector_load %arg6[%swap3A_38] {strides = array<i32>} : memref<256xi32, #tpu.memory_space<vmem>>, vector<16xi32>,
      tpu.vector_store %arg6[%swap3A_38], %broadcast_in_dim3A_6 {strides = array<i32>} : memref<256xi32, #tpu.memory_space<vmem>>, vector<16xi32>,
      %get3A = arith.constant 0 : index
      %get3A_40 = tpu.vector_load %arg5[%get3A] {strides = array<i32>} : memref<256xi32, #tpu.memory_space<vmem>>, vector<16xi32>,
      %eq3A_41 = arith.cmpi eq, %get3A_40, %broadcast_in_dim3A_8 : vector<16xi32>
      %select_n3A = arith.select %eq3A_41, %broadcast_in_dim3A_8, %broadcast_in_dim3A_6 : vector<16xi1>, vector<16xi32>
      %broadcast_in_dim3A_42 = arith.constant true
      %broadcast_in_dim3A_43 = vector.broadcast %broadcast_in_dim3A_42 : i1 to vector<16xi1>
      %masked_cumsum3A = tpu.scan <sum>, %select_n3A masked %broadcast_in_dim3A_43 : vector<16xi32>, vector<16xi1> -> vector<16xi32>
      %add3A = arith.addi %broadcast_in_dim3A_6, %masked_cumsum3A : vector<16xi32>
      %sub3A = arith.subi %add3A, %select_n3A : vector<16xi32>
      %add3A_44 = arith.constant 0 : i32
      %add3A_45 = vector.broadcast %add3A_44 : i32 to vector<16xi32>
      %add3A_46 = arith.addi %iota3A, %add3A_45 : vector<16xi32>
      tpu.vector_store_idx %arg6[%sub3A], %add3A_46 masked %eq3A_41 : memref<256xi32, #tpu.memory_space<vmem>>[vector<16xi32>], vector<16xi32>, vector<16xi1>
      %broadcast_in_dim3A_47 = vector.shape_cast %broadcast_in_dim3A_4 : vector<16xi32> to vector<16x1xi32>
      %gather3A = vector.shape_cast %broadcast_in_dim3A_47 : vector<16x1xi32> to vector<16xi32>
      %gather3A_48 = tpu.dynamic_gather %masked_cumsum3A[%gather3A] in [0] : vector<16xi32>, vector<16xi32> -> vector<16xi32>
      %add3A_49 = arith.addi %broadcast_in_dim3A_6, %gather3A_48 : vector<16xi32>
      %get3A_50 = arith.constant 16 : index
      %get3A_51 = tpu.vector_load %arg5[%get3A_50] {strides = array<i32>} : memref<256xi32, #tpu.memory_space<vmem>>, vector<16xi32>,
      %eq3A_52 = arith.cmpi eq, %get3A_51, %broadcast_in_dim3A_8 : vector<16xi32>
      %select_n3A_53 = arith.select %eq3A_52, %broadcast_in_dim3A_8, %broadcast_in_dim3A_6 : vector<16xi1>, vector<16xi32>
      %broadcast_in_dim3A_54 = arith.constant true
      %broadcast_in_dim3A_55 = vector.broadcast %broadcast_in_dim3A_54 : i1 to vector<16xi1>
      %masked_cumsum3A_56 = tpu.scan <sum>, %select_n3A_53 masked %broadcast_in_dim3A_55 : vector<16xi32>, vector<16xi1> -> vector<16xi32>
      %add3A_57 = arith.addi %add3A_49, %masked_cumsum3A_56 : vector<16xi32>
      %sub3A_58 = arith.subi %add3A_57, %select_n3A_53 : vector<16xi32>
      %add3A_59 = arith.constant 16 : i32
      %add3A_60 = vector.broadcast %add3A_59 : i32 to vector<16xi32>
      %add3A_61 = arith.addi %iota3A, %add3A_60 : vector<16xi32>
      tpu.vector_store_idx %arg6[%sub3A_58], %add3A_61 masked %eq3A_52 : memref<256xi32, #tpu.memory_space<vmem>>[vector<16xi32>], vector<16xi32>, vector<16xi1>
      %broadcast_in_dim3A_62 = vector.shape_cast %broadcast_in_dim3A_4 : vector<16xi32> to vector<16x1xi32>
      %gather3A_63 = vector.shape_cast %broadcast_in_dim3A_62 : vector<16x1xi32> to vector<16xi32>
      %gather3A_64 = tpu.dynamic_gather %masked_cumsum3A_56[%gather3A_63] in [0] : vector<16xi32>, vector<16xi32> -> vector<16xi32>
      %add3A_65 = arith.addi %add3A_49, %gather3A_64 : vector<16xi32>
      %get3A_66 = arith.constant 32 : index
      %get3A_67 = tpu.vector_load %arg5[%get3A_66] {strides = array<i32>} : memref<256xi32, #tpu.memory_space<vmem>>, vector<16xi32>,
      %eq3A_68 = arith.cmpi eq, %get3A_67, %broadcast_in_dim3A_8 : vector<16xi32>
      %select_n3A_69 = arith.select %eq3A_68, %broadcast_in_dim3A_8, %broadcast_in_dim3A_6 : vector<16xi1>, vector<16xi32>
      %broadcast_in_dim3A_70 = arith.constant true
      %broadcast_in_dim3A_71 = vector.broadcast %broadcast_in_dim3A_70 : i1 to vector<16xi1>
      %masked_cumsum3A_72 = tpu.scan <sum>, %select_n3A_69 masked %broadcast_in_dim3A_71 : vector<16xi32>, vector<16xi1> -> vector<16xi32>
      %add3A_73 = arith.addi %add3A_65, %masked_cumsum3A_72 : vector<16xi32>
      %sub3A_74 = arith.subi %add3A_73, %select_n3A_69 : vector<16xi32>
      %add3A_75 = arith.constant 32 : i32
      %add3A_76 = vector.broadcast %add3A_75 : i32 to vector<16xi32>
      %add3A_77 = arith.addi %iota3A, %add3A_76 : vector<16xi32>
      tpu.vector_store_idx %arg6[%sub3A_74], %add3A_77 masked %eq3A_68 : memref<256xi32, #tpu.memory_space<vmem>>[vector<16xi32>], vector<16xi32>, vector<16xi1>
      %broadcast_in_dim3A_78 = vector.shape_cast %broadcast_in_dim3A_4 : vector<16xi32> to vector<16x1xi32>
      %gather3A_79 = vector.shape_cast %broadcast_in_dim3A_78 : vector<16x1xi32> to vector<16xi32>
      %gather3A_80 = tpu.dynamic_gather %masked_cumsum3A_72[%gather3A_79] in [0] : vector<16xi32>, vector<16xi32> -> vector<16xi32>
      %add3A_81 = arith.addi %add3A_65, %gather3A_80 : vector<16xi32>
      %get3A_82 = arith.constant 48 : index
      %get3A_83 = tpu.vector_load %arg5[%get3A_82] {strides = array<i32>} : memref<256xi32, #tpu.memory_space<vmem>>, vector<16xi32>,
      %eq3A_84 = arith.cmpi eq, %get3A_83, %broadcast_in_dim3A_8 : vector<16xi32>
      %select_n3A_85 = arith.select %eq3A_84, %broadcast_in_dim3A_8, %broadcast_in_dim3A_6 : vector<16xi1>, vector<16xi32>
      %broadcast_in_dim3A_86 = arith.constant true
      %broadcast_in_dim3A_87 = vector.broadcast %broadcast_in_dim3A_86 : i1 to vector<16xi1>
      %masked_cumsum3A_88 = tpu.scan <sum>, %select_n3A_85 masked %broadcast_in_dim3A_87 : vector<16xi32>, vector<16xi1> -> vector<16xi32>
      %add3A_89 = arith.addi %add3A_81, %masked_cumsum3A_88 : vector<16xi32>
      %sub3A_90 = arith.subi %add3A_89, %select_n3A_85 : vector<16xi32>
      %add3A_91 = arith.constant 48 : i32
      %add3A_92 = vector.broadcast %add3A_91 : i32 to vector<16xi32>
      %add3A_93 = arith.addi %iota3A, %add3A_92 : vector<16xi32>
      tpu.vector_store_idx %arg6[%sub3A_90], %add3A_93 masked %eq3A_84 : memref<256xi32, #tpu.memory_space<vmem>>[vector<16xi32>], vector<16xi32>, vector<16xi1>
      %broadcast_in_dim3A_94 = vector.shape_cast %broadcast_in_dim3A_4 : vector<16xi32> to vector<16x1xi32>
      %gather3A_95 = vector.shape_cast %broadcast_in_dim3A_94 : vector<16x1xi32> to vector<16xi32>
      %gather3A_96 = tpu.dynamic_gather %masked_cumsum3A_88[%gather3A_95] in [0] : vector<16xi32>, vector<16xi32> -> vector<16xi32>
      %add3A_97 = arith.addi %add3A_81, %gather3A_96 : vector<16xi32>
      %get3A_98 = arith.constant 64 : index
      %get3A_99 = tpu.vector_load %arg5[%get3A_98] {strides = array<i32>} : memref<256xi32, #tpu.memory_space<vmem>>, vector<16xi32>,
      %eq3A_100 = arith.cmpi eq, %get3A_99, %broadcast_in_dim3A_8 : vector<16xi32>
      %select_n3A_101 = arith.select %eq3A_100, %broadcast_in_dim3A_8, %broadcast_in_dim3A_6 : vector<16xi1>, vector<16xi32>
      %broadcast_in_dim3A_102 = arith.constant true
      %broadcast_in_dim3A_103 = vector.broadcast %broadcast_in_dim3A_102 : i1 to vector<16xi1>
      %masked_cumsum3A_104 = tpu.scan <sum>, %select_n3A_101 masked %broadcast_in_dim3A_103 : vector<16xi32>, vector<16xi1> -> vector<16xi32>
      %add3A_105 = arith.addi %add3A_97, %masked_cumsum3A_104 : vector<16xi32>
      %sub3A_106 = arith.subi %add3A_105, %select_n3A_101 : vector<16xi32>
      %add3A_107 = arith.constant 64 : i32
      %add3A_108 = vector.broadcast %add3A_107 : i32 to vector<16xi32>
      %add3A_109 = arith.addi %iota3A, %add3A_108 : vector<16xi32>
      tpu.vector_store_idx %arg6[%sub3A_106], %add3A_109 masked %eq3A_100 : memref<256xi32, #tpu.memory_space<vmem>>[vector<16xi32>], vector<16xi32>, vector<16xi1>
      %broadcast_in_dim3A_110 = vector.shape_cast %broadcast_in_dim3A_4 : vector<16xi32> to vector<16x1xi32>
      %gather3A_111 = vector.shape_cast %broadcast_in_dim3A_110 : vector<16x1xi32> to vector<16xi32>
      %gather3A_112 = tpu.dynamic_gather %masked_cumsum3A_104[%gather3A_111] in [0] : vector<16xi32>, vector<16xi32> -> vector<16xi32>
      %add3A_113 = arith.addi %add3A_97, %gather3A_112 : vector<16xi32>
      %get3A_114 = arith.constant 80 : index
      %get3A_115 = tpu.vector_load %arg5[%get3A_114] {strides = array<i32>} : memref<256xi32, #tpu.memory_space<vmem>>, vector<16xi32>,
      %eq3A_116 = arith.cmpi eq, %get3A_115, %broadcast_in_dim3A_8 : vector<16xi32>
      %select_n3A_117 = arith.select %eq3A_116, %broadcast_in_dim3A_8, %broadcast_in_dim3A_6 : vector<16xi1>, vector<16xi32>
      %broadcast_in_dim3A_118 = arith.constant true
      %broadcast_in_dim3A_119 = vector.broadcast %broadcast_in_dim3A_118 : i1 to vector<16xi1>
      %masked_cumsum3A_120 = tpu.scan <sum>, %select_n3A_117 masked %broadcast_in_dim3A_119 : vector<16xi32>, vector<16xi1> -> vector<16xi32>
      %add3A_121 = arith.addi %add3A_113, %masked_cumsum3A_120 : vector<16xi32>
      %sub3A_122 = arith.subi %add3A_121, %select_n3A_117 : vector<16xi32>
      %add3A_123 = arith.constant 80 : i32
      %add3A_124 = vector.broadcast %add3A_123 : i32 to vector<16xi32>
      %add3A_125 = arith.addi %iota3A, %add3A_124 : vector<16xi32>
      tpu.vector_store_idx %arg6[%sub3A_122], %add3A_125 masked %eq3A_116 : memref<256xi32, #tpu.memory_space<vmem>>[vector<16xi32>], vector<16xi32>, vector<16xi1>
      %broadcast_in_dim3A_126 = vector.shape_cast %broadcast_in_dim3A_4 : vector<16xi32> to vector<16x1xi32>
      %gather3A_127 = vector.shape_cast %broadcast_in_dim3A_126 : vector<16x1xi32> to vector<16xi32>
      %gather3A_128 = tpu.dynamic_gather %masked_cumsum3A_120[%gather3A_127] in [0] : vector<16xi32>, vector<16xi32> -> vector<16xi32>
      %add3A_129 = arith.addi %add3A_113, %gather3A_128 : vector<16xi32>
      %get3A_130 = arith.constant 96 : index
      %get3A_131 = tpu.vector_load %arg5[%get3A_130] {strides = array<i32>} : memref<256xi32, #tpu.memory_space<vmem>>, vector<16xi32>,
      %eq3A_132 = arith.cmpi eq, %get3A_131, %broadcast_in_dim3A_8 : vector<16xi32>
      %select_n3A_133 = arith.select %eq3A_132, %broadcast_in_dim3A_8, %broadcast_in_dim3A_6 : vector<16xi1>, vector<16xi32>
      %broadcast_in_dim3A_134 = arith.constant true
      %broadcast_in_dim3A_135 = vector.broadcast %broadcast_in_dim3A_134 : i1 to vector<16xi1>
      %masked_cumsum3A_136 = tpu.scan <sum>, %select_n3A_133 masked %broadcast_in_dim3A_135 : vector<16xi32>, vector<16xi1> -> vector<16xi32>
      %add3A_137 = arith.addi %add3A_129, %masked_cumsum3A_136 : vector<16xi32>
      %sub3A_138 = arith.subi %add3A_137, %select_n3A_133 : vector<16xi32>
      %add3A_139 = arith.constant 96 : i32
      %add3A_140 = vector.broadcast %add3A_139 : i32 to vector<16xi32>
      %add3A_141 = arith.addi %iota3A, %add3A_140 : vector<16xi32>
      tpu.vector_store_idx %arg6[%sub3A_138], %add3A_141 masked %eq3A_132 : memref<256xi32, #tpu.memory_space<vmem>>[vector<16xi32>], vector<16xi32>, vector<16xi1>
      %broadcast_in_dim3A_142 = vector.shape_cast %broadcast_in_dim3A_4 : vector<16xi32> to vector<16x1xi32>
      %gather3A_143 = vector.shape_cast %broadcast_in_dim3A_142 : vector<16x1xi32> to vector<16xi32>
      %gather3A_144 = tpu.dynamic_gather %masked_cumsum3A_136[%gather3A_143] in [0] : vector<16xi32>, vector<16xi32> -> vector<16xi32>
      %add3A_145 = arith.addi %add3A_129, %gather3A_144 : vector<16xi32>
      %get3A_146 = arith.constant 112 : index
      %get3A_147 = tpu.vector_load %arg5[%get3A_146] {strides = array<i32>} : memref<256xi32, #tpu.memory_space<vmem>>, vector<16xi32>,
      %eq3A_148 = arith.cmpi eq, %get3A_147, %broadcast_in_dim3A_8 : vector<16xi32>
      %select_n3A_149 = arith.select %eq3A_148, %broadcast_in_dim3A_8, %broadcast_in_dim3A_6 : vector<16xi1>, vector<16xi32>
      %broadcast_in_dim3A_150 = arith.constant true
      %broadcast_in_dim3A_151 = vector.broadcast %broadcast_in_dim3A_150 : i1 to vector<16xi1>
      %masked_cumsum3A_152 = tpu.scan <sum>, %select_n3A_149 masked %broadcast_in_dim3A_151 : vector<16xi32>, vector<16xi1> -> vector<16xi32>
      %add3A_153 = arith.addi %add3A_145, %masked_cumsum3A_152 : vector<16xi32>
      %sub3A_154 = arith.subi %add3A_153, %select_n3A_149 : vector<16xi32>
      %add3A_155 = arith.constant 112 : i32
      %add3A_156 = vector.broadcast %add3A_155 : i32 to vector<16xi32>
      %add3A_157 = arith.addi %iota3A, %add3A_156 : vector<16xi32>
      tpu.vector_store_idx %arg6[%sub3A_154], %add3A_157 masked %eq3A_148 : memref<256xi32, #tpu.memory_space<vmem>>[vector<16xi32>], vector<16xi32>, vector<16xi1>
      %broadcast_in_dim3A_158 = vector.shape_cast %broadcast_in_dim3A_4 : vector<16xi32> to vector<16x1xi32>
      %gather3A_159 = vector.shape_cast %broadcast_in_dim3A_158 : vector<16x1xi32> to vector<16xi32>
      %gather3A_160 = tpu.dynamic_gather %masked_cumsum3A_152[%gather3A_159] in [0] : vector<16xi32>, vector<16xi32> -> vector<16xi32>
      %add3A_161 = arith.addi %add3A_145, %gather3A_160 : vector<16xi32>
      %get3A_162 = arith.constant 128 : index
      %get3A_163 = tpu.vector_load %arg5[%get3A_162] {strides = array<i32>} : memref<256xi32, #tpu.memory_space<vmem>>, vector<16xi32>,
      %eq3A_164 = arith.cmpi eq, %get3A_163, %broadcast_in_dim3A_8 : vector<16xi32>
      %select_n3A_165 = arith.select %eq3A_164, %broadcast_in_dim3A_8, %broadcast_in_dim3A_6 : vector<16xi1>, vector<16xi32>
      %broadcast_in_dim3A_166 = arith.constant true
      %broadcast_in_dim3A_167 = vector.broadcast %broadcast_in_dim3A_166 : i1 to vector<16xi1>
      %masked_cumsum3A_168 = tpu.scan <sum>, %select_n3A_165 masked %broadcast_in_dim3A_167 : vector<16xi32>, vector<16xi1> -> vector<16xi32>
      %add3A_169 = arith.addi %add3A_161, %masked_cumsum3A_168 : vector<16xi32>
      %sub3A_170 = arith.subi %add3A_169, %select_n3A_165 : vector<16xi32>
      %add3A_171 = arith.constant 128 : i32
      %add3A_172 = vector.broadcast %add3A_171 : i32 to vector<16xi32>
      %add3A_173 = arith.addi %iota3A, %add3A_172 : vector<16xi32>
      tpu.vector_store_idx %arg6[%sub3A_170], %add3A_173 masked %eq3A_164 : memref<256xi32, #tpu.memory_space<vmem>>[vector<16xi32>], vector<16xi32>, vector<16xi1>
      %broadcast_in_dim3A_174 = vector.shape_cast %broadcast_in_dim3A_4 : vector<16xi32> to vector<16x1xi32>
      %gather3A_175 = vector.shape_cast %broadcast_in_dim3A_174 : vector<16x1xi32> to vector<16xi32>
      %gather3A_176 = tpu.dynamic_gather %masked_cumsum3A_168[%gather3A_175] in [0] : vector<16xi32>, vector<16xi32> -> vector<16xi32>
      %add3A_177 = arith.addi %add3A_161, %gather3A_176 : vector<16xi32>
      %get3A_178 = arith.constant 144 : index
      %get3A_179 = tpu.vector_load %arg5[%get3A_178] {strides = array<i32>} : memref<256xi32, #tpu.memory_space<vmem>>, vector<16xi32>,
      %eq3A_180 = arith.cmpi eq, %get3A_179, %broadcast_in_dim3A_8 : vector<16xi32>
      %select_n3A_181 = arith.select %eq3A_180, %broadcast_in_dim3A_8, %broadcast_in_dim3A_6 : vector<16xi1>, vector<16xi32>
      %broadcast_in_dim3A_182 = arith.constant true
      %broadcast_in_dim3A_183 = vector.broadcast %broadcast_in_dim3A_182 : i1 to vector<16xi1>
      %masked_cumsum3A_184 = tpu.scan <sum>, %select_n3A_181 masked %broadcast_in_dim3A_183 : vector<16xi32>, vector<16xi1> -> vector<16xi32>
      %add3A_185 = arith.addi %add3A_177, %masked_cumsum3A_184 : vector<16xi32>
      %sub3A_186 = arith.subi %add3A_185, %select_n3A_181 : vector<16xi32>
      %add3A_187 = arith.constant 144 : i32
      %add3A_188 = vector.broadcast %add3A_187 : i32 to vector<16xi32>
      %add3A_189 = arith.addi %iota3A, %add3A_188 : vector<16xi32>
      tpu.vector_store_idx %arg6[%sub3A_186], %add3A_189 masked %eq3A_180 : memref<256xi32, #tpu.memory_space<vmem>>[vector<16xi32>], vector<16xi32>, vector<16xi1>
      %broadcast_in_dim3A_190 = vector.shape_cast %broadcast_in_dim3A_4 : vector<16xi32> to vector<16x1xi32>
      %gather3A_191 = vector.shape_cast %broadcast_in_dim3A_190 : vector<16x1xi32> to vector<16xi32>
      %gather3A_192 = tpu.dynamic_gather %masked_cumsum3A_184[%gather3A_191] in [0] : vector<16xi32>, vector<16xi32> -> vector<16xi32>
      %add3A_193 = arith.addi %add3A_177, %gather3A_192 : vector<16xi32>
      %get3A_194 = arith.constant 160 : index
      %get3A_195 = tpu.vector_load %arg5[%get3A_194] {strides = array<i32>} : memref<256xi32, #tpu.memory_space<vmem>>, vector<16xi32>,
      %eq3A_196 = arith.cmpi eq, %get3A_195, %broadcast_in_dim3A_8 : vector<16xi32>
      %select_n3A_197 = arith.select %eq3A_196, %broadcast_in_dim3A_8, %broadcast_in_dim3A_6 : vector<16xi1>, vector<16xi32>
      %broadcast_in_dim3A_198 = arith.constant true
      %broadcast_in_dim3A_199 = vector.broadcast %broadcast_in_dim3A_198 : i1 to vector<16xi1>
      %masked_cumsum3A_200 = tpu.scan <sum>, %select_n3A_197 masked %broadcast_in_dim3A_199 : vector<16xi32>, vector<16xi1> -> vector<16xi32>
      %add3A_201 = arith.addi %add3A_193, %masked_cumsum3A_200 : vector<16xi32>
      %sub3A_202 = arith.subi %add3A_201, %select_n3A_197 : vector<16xi32>
      %add3A_203 = arith.constant 160 : i32
      %add3A_204 = vector.broadcast %add3A_203 : i32 to vector<16xi32>
      %add3A_205 = arith.addi %iota3A, %add3A_204 : vector<16xi32>
      tpu.vector_store_idx %arg6[%sub3A_202], %add3A_205 masked %eq3A_196 : memref<256xi32, #tpu.memory_space<vmem>>[vector<16xi32>], vector<16xi32>, vector<16xi1>
      %broadcast_in_dim3A_206 = vector.shape_cast %broadcast_in_dim3A_4 : vector<16xi32> to vector<16x1xi32>
      %gather3A_207 = vector.shape_cast %broadcast_in_dim3A_206 : vector<16x1xi32> to vector<16xi32>
      %gather3A_208 = tpu.dynamic_gather %masked_cumsum3A_200[%gather3A_207] in [0] : vector<16xi32>, vector<16xi32> -> vector<16xi32>
      %add3A_209 = arith.addi %add3A_193, %gather3A_208 : vector<16xi32>
      %get3A_210 = arith.constant 176 : index
      %get3A_211 = tpu.vector_load %arg5[%get3A_210] {strides = array<i32>} : memref<256xi32, #tpu.memory_space<vmem>>, vector<16xi32>,
      %eq3A_212 = arith.cmpi eq, %get3A_211, %broadcast_in_dim3A_8 : vector<16xi32>
      %select_n3A_213 = arith.select %eq3A_212, %broadcast_in_dim3A_8, %broadcast_in_dim3A_6 : vector<16xi1>, vector<16xi32>
      %broadcast_in_dim3A_214 = arith.constant true
      %broadcast_in_dim3A_215 = vector.broadcast %broadcast_in_dim3A_214 : i1 to vector<16xi1>
      %masked_cumsum3A_216 = tpu.scan <sum>, %select_n3A_213 masked %broadcast_in_dim3A_215 : vector<16xi32>, vector<16xi1> -> vector<16xi32>
      %add3A_217 = arith.addi %add3A_209, %masked_cumsum3A_216 : vector<16xi32>
      %sub3A_218 = arith.subi %add3A_217, %select_n3A_213 : vector<16xi32>
      %add3A_219 = arith.constant 176 : i32
      %add3A_220 = vector.broadcast %add3A_219 : i32 to vector<16xi32>
      %add3A_221 = arith.addi %iota3A, %add3A_220 : vector<16xi32>
      tpu.vector_store_idx %arg6[%sub3A_218], %add3A_221 masked %eq3A_212 : memref<256xi32, #tpu.memory_space<vmem>>[vector<16xi32>], vector<16xi32>, vector<16xi1>
      %broadcast_in_dim3A_222 = vector.shape_cast %broadcast_in_dim3A_4 : vector<16xi32> to vector<16x1xi32>
      %gather3A_223 = vector.shape_cast %broadcast_in_dim3A_222 : vector<16x1xi32> to vector<16xi32>
      %gather3A_224 = tpu.dynamic_gather %masked_cumsum3A_216[%gather3A_223] in [0] : vector<16xi32>, vector<16xi32> -> vector<16xi32>
      %add3A_225 = arith.addi %add3A_209, %gather3A_224 : vector<16xi32>
      %get3A_226 = arith.constant 192 : index
      %get3A_227 = tpu.vector_load %arg5[%get3A_226] {strides = array<i32>} : memref<256xi32, #tpu.memory_space<vmem>>, vector<16xi32>,
      %eq3A_228 = arith.cmpi eq, %get3A_227, %broadcast_in_dim3A_8 : vector<16xi32>
      %select_n3A_229 = arith.select %eq3A_228, %broadcast_in_dim3A_8, %broadcast_in_dim3A_6 : vector<16xi1>, vector<16xi32>
      %broadcast_in_dim3A_230 = arith.constant true
      %broadcast_in_dim3A_231 = vector.broadcast %broadcast_in_dim3A_230 : i1 to vector<16xi1>
      %masked_cumsum3A_232 = tpu.scan <sum>, %select_n3A_229 masked %broadcast_in_dim3A_231 : vector<16xi32>, vector<16xi1> -> vector<16xi32>
      %add3A_233 = arith.addi %add3A_225, %masked_cumsum3A_232 : vector<16xi32>
      %sub3A_234 = arith.subi %add3A_233, %select_n3A_229 : vector<16xi32>
      %add3A_235 = arith.constant 192 : i32
      %add3A_236 = vector.broadcast %add3A_235 : i32 to vector<16xi32>
      %add3A_237 = arith.addi %iota3A, %add3A_236 : vector<16xi32>
      tpu.vector_store_idx %arg6[%sub3A_234], %add3A_237 masked %eq3A_228 : memref<256xi32, #tpu.memory_space<vmem>>[vector<16xi32>], vector<16xi32>, vector<16xi1>
      %broadcast_in_dim3A_238 = vector.shape_cast %broadcast_in_dim3A_4 : vector<16xi32> to vector<16x1xi32>
      %gather3A_239 = vector.shape_cast %broadcast_in_dim3A_238 : vector<16x1xi32> to vector<16xi32>
      %gather3A_240 = tpu.dynamic_gather %masked_cumsum3A_232[%gather3A_239] in [0] : vector<16xi32>, vector<16xi32> -> vector<16xi32>
      %add3A_241 = arith.addi %add3A_225, %gather3A_240 : vector<16xi32>
      %get3A_242 = arith.constant 208 : index
      %get3A_243 = tpu.vector_load %arg5[%get3A_242] {strides = array<i32>} : memref<256xi32, #tpu.memory_space<vmem>>, vector<16xi32>,
      %eq3A_244 = arith.cmpi eq, %get3A_243, %broadcast_in_dim3A_8 : vector<16xi32>
      %select_n3A_245 = arith.select %eq3A_244, %broadcast_in_dim3A_8, %broadcast_in_dim3A_6 : vector<16xi1>, vector<16xi32>
      %broadcast_in_dim3A_246 = arith.constant true
      %broadcast_in_dim3A_247 = vector.broadcast %broadcast_in_dim3A_246 : i1 to vector<16xi1>
      %masked_cumsum3A_248 = tpu.scan <sum>, %select_n3A_245 masked %broadcast_in_dim3A_247 : vector<16xi32>, vector<16xi1> -> vector<16xi32>
      %add3A_249 = arith.addi %add3A_241, %masked_cumsum3A_248 : vector<16xi32>
      %sub3A_250 = arith.subi %add3A_249, %select_n3A_245 : vector<16xi32>
      %add3A_251 = arith.constant 208 : i32
      %add3A_252 = vector.broadcast %add3A_251 : i32 to vector<16xi32>
      %add3A_253 = arith.addi %iota3A, %add3A_252 : vector<16xi32>
      tpu.vector_store_idx %arg6[%sub3A_250], %add3A_253 masked %eq3A_244 : memref<256xi32, #tpu.memory_space<vmem>>[vector<16xi32>], vector<16xi32>, vector<16xi1>
      %broadcast_in_dim3A_254 = vector.shape_cast %broadcast_in_dim3A_4 : vector<16xi32> to vector<16x1xi32>
      %gather3A_255 = vector.shape_cast %broadcast_in_dim3A_254 : vector<16x1xi32> to vector<16xi32>
      %gather3A_256 = tpu.dynamic_gather %masked_cumsum3A_248[%gather3A_255] in [0] : vector<16xi32>, vector<16xi32> -> vector<16xi32>
      %add3A_257 = arith.addi %add3A_241, %gather3A_256 : vector<16xi32>
      %get3A_258 = arith.constant 224 : index
      %get3A_259 = tpu.vector_load %arg5[%get3A_258] {strides = array<i32>} : memref<256xi32, #tpu.memory_space<vmem>>, vector<16xi32>,
      %eq3A_260 = arith.cmpi eq, %get3A_259, %broadcast_in_dim3A_8 : vector<16xi32>
      %select_n3A_261 = arith.select %eq3A_260, %broadcast_in_dim3A_8, %broadcast_in_dim3A_6 : vector<16xi1>, vector<16xi32>
      %broadcast_in_dim3A_262 = arith.constant true
      %broadcast_in_dim3A_263 = vector.broadcast %broadcast_in_dim3A_262 : i1 to vector<16xi1>
      %masked_cumsum3A_264 = tpu.scan <sum>, %select_n3A_261 masked %broadcast_in_dim3A_263 : vector<16xi32>, vector<16xi1> -> vector<16xi32>
      %add3A_265 = arith.addi %add3A_257, %masked_cumsum3A_264 : vector<16xi32>
      %sub3A_266 = arith.subi %add3A_265, %select_n3A_261 : vector<16xi32>
      %add3A_267 = arith.constant 224 : i32
      %add3A_268 = vector.broadcast %add3A_267 : i32 to vector<16xi32>
      %add3A_269 = arith.addi %iota3A, %add3A_268 : vector<16xi32>
      tpu.vector_store_idx %arg6[%sub3A_266], %add3A_269 masked %eq3A_260 : memref<256xi32, #tpu.memory_space<vmem>>[vector<16xi32>], vector<16xi32>, vector<16xi1>
      %broadcast_in_dim3A_270 = vector.shape_cast %broadcast_in_dim3A_4 : vector<16xi32> to vector<16x1xi32>
      %gather3A_271 = vector.shape_cast %broadcast_in_dim3A_270 : vector<16x1xi32> to vector<16xi32>
      %gather3A_272 = tpu.dynamic_gather %masked_cumsum3A_264[%gather3A_271] in [0] : vector<16xi32>, vector<16xi32> -> vector<16xi32>
      %add3A_273 = arith.addi %add3A_257, %gather3A_272 : vector<16xi32>
      %get3A_274 = arith.constant 240 : index
      %get3A_275 = tpu.vector_load %arg5[%get3A_274] {strides = array<i32>} : memref<256xi32, #tpu.memory_space<vmem>>, vector<16xi32>,
      %eq3A_276 = arith.cmpi eq, %get3A_275, %broadcast_in_dim3A_8 : vector<16xi32>
      %select_n3A_277 = arith.select %eq3A_276, %broadcast_in_dim3A_8, %broadcast_in_dim3A_6 : vector<16xi1>, vector<16xi32>
      %broadcast_in_dim3A_278 = arith.constant true
      %broadcast_in_dim3A_279 = vector.broadcast %broadcast_in_dim3A_278 : i1 to vector<16xi1>
      %masked_cumsum3A_280 = tpu.scan <sum>, %select_n3A_277 masked %broadcast_in_dim3A_279 : vector<16xi32>, vector<16xi1> -> vector<16xi32>
      %add3A_281 = arith.addi %add3A_273, %masked_cumsum3A_280 : vector<16xi32>
      %sub3A_282 = arith.subi %add3A_281, %select_n3A_277 : vector<16xi32>
      %add3A_283 = arith.constant 240 : i32
      %add3A_284 = vector.broadcast %add3A_283 : i32 to vector<16xi32>
      %add3A_285 = arith.addi %iota3A, %add3A_284 : vector<16xi32>
      tpu.vector_store_idx %arg6[%sub3A_282], %add3A_285 masked %eq3A_276 : memref<256xi32, #tpu.memory_space<vmem>>[vector<16xi32>], vector<16xi32>, vector<16xi1>
      %broadcast_in_dim3A_286 = vector.shape_cast %broadcast_in_dim3A_4 : vector<16xi32> to vector<16x1xi32>
      %gather3A_287 = vector.shape_cast %broadcast_in_dim3A_286 : vector<16x1xi32> to vector<16xi32>
      %gather3A_288 = tpu.dynamic_gather %masked_cumsum3A_280[%gather3A_287] in [0] : vector<16xi32>, vector<16xi32> -> vector<16xi32>
      %add3A_289 = arith.addi %add3A_273, %gather3A_288 : vector<16xi32>
      %swap3A_290 = arith.constant 0 : index
      %swap3A_291 = tpu.vector_load %arg7[%swap3A_290] {strides = array<i32>} : memref<16xi32, #tpu.memory_space<vmem>>, vector<16xi32>,
      tpu.vector_store %arg7[%swap3A_290], %add3A_289 {strides = array<i32>} : memref<16xi32, #tpu.memory_space<vmem>>, vector<16xi32>,
      "tpu.region"() ({
        %run_scoped3A = tpu.sem_alloc : memref<!tpu.dma_semaphore, #tpu.memory_space<semaphore_mem>>
        tpu.enqueue_dma source(%arg6 : memref<256xi32, #tpu.memory_space<vmem>>) target(%arg3 : memref<256xi32, #tpu.memory_space<hbm>>) target_semaphore(%run_scoped3A : memref<!tpu.dma_semaphore, #tpu.memory_space<semaphore_mem>>)
        tpu.wait_dma2 semaphore(%run_scoped3A : memref<!tpu.dma_semaphore, #tpu.memory_space<semaphore_mem>>) src(%arg6 : memref<256xi32, #tpu.memory_space<vmem>>) dst(%arg3 : memref<256xi32, #tpu.memory_space<hbm>>)
        tpu.yield
      }) : () -> ()
      "tpu.region"() ({
        %run_scoped3A = tpu.sem_alloc : memref<!tpu.dma_semaphore, #tpu.memory_space<semaphore_mem>>
        tpu.enqueue_dma source(%arg7 : memref<16xi32, #tpu.memory_space<vmem>>) target(%arg4 : memref<16xi32, #tpu.memory_space<hbm>>) target_semaphore(%run_scoped3A : memref<!tpu.dma_semaphore, #tpu.memory_space<semaphore_mem>>)
        tpu.wait_dma2 semaphore(%run_scoped3A : memref<!tpu.dma_semaphore, #tpu.memory_space<semaphore_mem>>) src(%arg7 : memref<16xi32, #tpu.memory_space<vmem>>) dst(%arg4 : memref<16xi32, #tpu.memory_space<hbm>>)
        tpu.yield
      }) : () -> ()
    } else {
    }
    return
  }
}

module attributes {stable_mosaic.version = 14 : i64} {
  func.func @_loss_body(%arg0: i32, %arg1: memref<256xi32, #tpu.memory_space<smem>>, %arg2: memref<16xi32, #tpu.memory_space<smem>>, %arg3: memref<256x1176x128xf32, #tpu.memory_space<any>>, %arg4: memref<256x1176x128xf32, #tpu.memory_space<any>>, %arg5: memref<1x1xf32, #tpu.memory_space<smem>>, %arg6: memref<2x8x1176x128xf32, #tpu.memory_space<vmem>>, %arg7: memref<2x8x1176x128xf32, #tpu.memory_space<vmem>>, %arg8: memref<8x128xf32, #tpu.memory_space<vmem>>, %arg9: memref<2x2x8x!tpu.dma_semaphore, #tpu.memory_space<semaphore_mem>>) attributes {dimension_semantics = [#tpu.dimension_semantics<arbitrary>], iteration_bounds = array<i64: 1>, scalar_prefetch = 2 : i64, scratch_operands = 4 : i64, tpu.core_type = #tpu.core_type<tc>, window_params = [{}, {}, {transform_indices = @transform_2, window_bounds = array<i64: 1, 1>}]} {
    %get3A = arith.constant 0 : index
    %get3A_0 = memref.load %arg2[%get3A] : memref<16xi32, #tpu.memory_space<smem>>
    %add3A = arith.constant 8 : i32
    %add3A_1 = arith.addi %get3A_0, %add3A : i32
    %sub3A = arith.constant 1 : i32
    %sub3A_2 = arith.subi %add3A_1, %sub3A : i32
    %jit3A = arith.constant 8 : i32
    %div3A = arith.divsi %sub3A_2, %jit3A : i32
    %sign3A = arith.constant 0 : i32
    %sign3A_3 = arith.cmpi sgt, %sub3A_2, %sign3A : i32
    %sign3A_4 = arith.extui %sign3A_3 : i1 to i32
    %sign3A_5 = arith.constant 0 : i32
    %sign3A_6 = arith.cmpi slt, %sub3A_2, %sign3A_5 : i32
    %sign3A_7 = arith.extui %sign3A_6 : i1 to i32
    %sign3A_8 = arith.subi %sign3A_4, %sign3A_7 : i32
    %sign3A_9 = arith.constant 0 : i32
    %sign3A_10 = arith.cmpi sgt, %jit3A, %sign3A_9 : i32
    %sign3A_11 = arith.extui %sign3A_10 : i1 to i32
    %sign3A_12 = arith.constant 0 : i32
    %sign3A_13 = arith.cmpi slt, %jit3A, %sign3A_12 : i32
    %sign3A_14 = arith.extui %sign3A_13 : i1 to i32
    %sign3A_15 = arith.subi %sign3A_11, %sign3A_14 : i32
    %ne3A = arith.cmpi ne, %sign3A_8, %sign3A_15 : i32
    %rem3A = arith.remsi %sub3A_2, %jit3A : i32
    %ne3A_16 = arith.constant 0 : i32
    %ne3A_17 = arith.cmpi ne, %rem3A, %ne3A_16 : i32
    %and3A = arith.andi %ne3A, %ne3A_17 : i1
    %sub3A_18 = arith.constant 1 : i32
    %sub3A_19 = arith.subi %div3A, %sub3A_18 : i32
    %select_n3A = arith.select %and3A, %sub3A_19, %div3A : i32
    %gt3A = arith.constant 0 : i32
    %gt3A_20 = arith.cmpi sgt, %select_n3A, %gt3A : i32
    %convert_element_type3A = arith.extui %gt3A_20 : i1 to i32
    %cond3A = arith.constant 0 : i32
    %cond3A_21 = arith.cmpi ne, %convert_element_type3A, %cond3A : i32
    scf.if %cond3A_21 {
      %rem3A_56 = arith.constant 0 : i32
      %rem3A_57 = arith.constant 2 : i32
      %rem3A_58 = arith.remsi %rem3A_56, %rem3A_57 : i32
      %mul3A_59 = arith.constant 0 : i32
      %mul3A_60 = arith.constant 8 : i32
      %mul3A_61 = arith.muli %mul3A_59, %mul3A_60 : i32
      %add3A_62 = arith.constant 0 : i32
      %add3A_63 = arith.addi %mul3A_61, %add3A_62 : i32
      %sub3A_64 = arith.constant 1 : i32
      %sub3A_65 = arith.subi %get3A_0, %sub3A_64 : i32
      %max3A = arith.constant 0 : i32
      %max3A_66 = arith.maxsi %sub3A_65, %max3A : i32
      %min3A = arith.minsi %add3A_63, %max3A_66 : i32
      %get3A_67 = arith.index_cast %min3A : i32 to index
      %get3A_68 = memref.load %arg1[%get3A_67] : memref<256xi32, #tpu.memory_space<smem>>
      %dma_start3A = arith.constant 0 : i32
      %dma_start3A_69 = arith.constant 0 : i32
      %dma_start3A_70 = arith.constant 0 : i32
      %dma_start3A_71 = tpu.memref_slice %arg9[%dma_start3A_69, %rem3A_58, %dma_start3A_70] : memref<2x2x8x!tpu.dma_semaphore, #tpu.memory_space<semaphore_mem>> -> memref<1x1x1x!tpu.dma_semaphore, #tpu.memory_space<semaphore_mem>>
      %dma_start3A_72 = tpu.memref_squeeze %dma_start3A_71 : memref<1x1x1x!tpu.dma_semaphore, #tpu.memory_space<semaphore_mem>> -> memref<!tpu.dma_semaphore, #tpu.memory_space<semaphore_mem>>
      %dma_start3A_73 = arith.constant 0 : i32
      %dma_start3A_74 = arith.constant 0 : i32
      %dma_start3A_75 = tpu.memref_slice %arg6[%rem3A_58, %dma_start3A, %dma_start3A_73, %dma_start3A_74] : memref<2x8x1176x128xf32, #tpu.memory_space<vmem>> -> memref<1x1x1176x128xf32, #tpu.memory_space<vmem>>
      %dma_start3A_76 = tpu.memref_squeeze %dma_start3A_75 : memref<1x1x1176x128xf32, #tpu.memory_space<vmem>> -> memref<1176x128xf32, #tpu.memory_space<vmem>>
      %dma_start3A_77 = arith.constant 0 : i32
      %dma_start3A_78 = arith.constant 0 : i32
      %dma_start3A_79 = tpu.memref_slice %arg3[%get3A_68, %dma_start3A_77, %dma_start3A_78] : memref<256x1176x128xf32, #tpu.memory_space<any>> -> memref<1x1176x128xf32, #tpu.memory_space<any>>
      %dma_start3A_80 = tpu.memref_squeeze %dma_start3A_79 : memref<1x1176x128xf32, #tpu.memory_space<any>> -> memref<1176x128xf32, #tpu.memory_space<any>>
      tpu.enqueue_dma source(%dma_start3A_80 : memref<1176x128xf32, #tpu.memory_space<any>>) target(%dma_start3A_76 : memref<1176x128xf32, #tpu.memory_space<vmem>>) target_semaphore(%dma_start3A_72 : memref<!tpu.dma_semaphore, #tpu.memory_space<semaphore_mem>>)
      %dma_start3A_81 = arith.constant 0 : i32
      %dma_start3A_82 = arith.constant 1 : i32
      %dma_start3A_83 = arith.constant 0 : i32
      %dma_start3A_84 = tpu.memref_slice %arg9[%dma_start3A_82, %rem3A_58, %dma_start3A_83] : memref<2x2x8x!tpu.dma_semaphore, #tpu.memory_space<semaphore_mem>> -> memref<1x1x1x!tpu.dma_semaphore, #tpu.memory_space<semaphore_mem>>
      %dma_start3A_85 = tpu.memref_squeeze %dma_start3A_84 : memref<1x1x1x!tpu.dma_semaphore, #tpu.memory_space<semaphore_mem>> -> memref<!tpu.dma_semaphore, #tpu.memory_space<semaphore_mem>>
      %dma_start3A_86 = arith.constant 0 : i32
      %dma_start3A_87 = arith.constant 0 : i32
      %dma_start3A_88 = tpu.memref_slice %arg7[%rem3A_58, %dma_start3A_81, %dma_start3A_86, %dma_start3A_87] : memref<2x8x1176x128xf32, #tpu.memory_space<vmem>> -> memref<1x1x1176x128xf32, #tpu.memory_space<vmem>>
      %dma_start3A_89 = tpu.memref_squeeze %dma_start3A_88 : memref<1x1x1176x128xf32, #tpu.memory_space<vmem>> -> memref<1176x128xf32, #tpu.memory_space<vmem>>
      %dma_start3A_90 = arith.constant 0 : i32
      %dma_start3A_91 = arith.constant 0 : i32
      %dma_start3A_92 = tpu.memref_slice %arg4[%get3A_68, %dma_start3A_90, %dma_start3A_91] : memref<256x1176x128xf32, #tpu.memory_space<any>> -> memref<1x1176x128xf32, #tpu.memory_space<any>>
      %dma_start3A_93 = tpu.memref_squeeze %dma_start3A_92 : memref<1x1176x128xf32, #tpu.memory_space<any>> -> memref<1176x128xf32, #tpu.memory_space<any>>
      tpu.enqueue_dma source(%dma_start3A_93 : memref<1176x128xf32, #tpu.memory_space<any>>) target(%dma_start3A_89 : memref<1176x128xf32, #tpu.memory_space<vmem>>) target_semaphore(%dma_start3A_85 : memref<!tpu.dma_semaphore, #tpu.memory_space<semaphore_mem>>)
      %mul3A_94 = arith.constant 0 : i32
      %mul3A_95 = arith.constant 8 : i32
      %mul3A_96 = arith.muli %mul3A_94, %mul3A_95 : i32
      %add3A_97 = arith.constant 1 : i32
      %add3A_98 = arith.addi %mul3A_96, %add3A_97 : i32
      %sub3A_99 = arith.constant 1 : i32
      %sub3A_100 = arith.subi %get3A_0, %sub3A_99 : i32
      %max3A_101 = arith.constant 0 : i32
      %max3A_102 = arith.maxsi %sub3A_100, %max3A_101 : i32
      %min3A_103 = arith.minsi %add3A_98, %max3A_102 : i32
      %get3A_104 = arith.index_cast %min3A_103 : i32 to index
      %get3A_105 = memref.load %arg1[%get3A_104] : memref<256xi32, #tpu.memory_space<smem>>
      %dma_start3A_106 = arith.constant 1 : i32
      %dma_start3A_107 = arith.constant 0 : i32
      %dma_start3A_108 = arith.constant 1 : i32
      %dma_start3A_109 = tpu.memref_slice %arg9[%dma_start3A_107, %rem3A_58, %dma_start3A_108] : memref<2x2x8x!tpu.dma_semaphore, #tpu.memory_space<semaphore_mem>> -> memref<1x1x1x!tpu.dma_semaphore, #tpu.memory_space<semaphore_mem>>
      %dma_start3A_110 = tpu.memref_squeeze %dma_start3A_109 : memref<1x1x1x!tpu.dma_semaphore, #tpu.memory_space<semaphore_mem>> -> memref<!tpu.dma_semaphore, #tpu.memory_space<semaphore_mem>>
      %dma_start3A_111 = arith.constant 0 : i32
      %dma_start3A_112 = arith.constant 0 : i32
      %dma_start3A_113 = tpu.memref_slice %arg6[%rem3A_58, %dma_start3A_106, %dma_start3A_111, %dma_start3A_112] : memref<2x8x1176x128xf32, #tpu.memory_space<vmem>> -> memref<1x1x1176x128xf32, #tpu.memory_space<vmem>>
      %dma_start3A_114 = tpu.memref_squeeze %dma_start3A_113 : memref<1x1x1176x128xf32, #tpu.memory_space<vmem>> -> memref<1176x128xf32, #tpu.memory_space<vmem>>
      %dma_start3A_115 = arith.constant 0 : i32
      %dma_start3A_116 = arith.constant 0 : i32
      %dma_start3A_117 = tpu.memref_slice %arg3[%get3A_105, %dma_start3A_115, %dma_start3A_116] : memref<256x1176x128xf32, #tpu.memory_space<any>> -> memref<1x1176x128xf32, #tpu.memory_space<any>>
      %dma_start3A_118 = tpu.memref_squeeze %dma_start3A_117 : memref<1x1176x128xf32, #tpu.memory_space<any>> -> memref<1176x128xf32, #tpu.memory_space<any>>
      tpu.enqueue_dma source(%dma_start3A_118 : memref<1176x128xf32, #tpu.memory_space<any>>) target(%dma_start3A_114 : memref<1176x128xf32, #tpu.memory_space<vmem>>) target_semaphore(%dma_start3A_110 : memref<!tpu.dma_semaphore, #tpu.memory_space<semaphore_mem>>)
      %dma_start3A_119 = arith.constant 1 : i32
      %dma_start3A_120 = arith.constant 1 : i32
      %dma_start3A_121 = arith.constant 1 : i32
      %dma_start3A_122 = tpu.memref_slice %arg9[%dma_start3A_120, %rem3A_58, %dma_start3A_121] : memref<2x2x8x!tpu.dma_semaphore, #tpu.memory_space<semaphore_mem>> -> memref<1x1x1x!tpu.dma_semaphore, #tpu.memory_space<semaphore_mem>>
      %dma_start3A_123 = tpu.memref_squeeze %dma_start3A_122 : memref<1x1x1x!tpu.dma_semaphore, #tpu.memory_space<semaphore_mem>> -> memref<!tpu.dma_semaphore, #tpu.memory_space<semaphore_mem>>
      %dma_start3A_124 = arith.constant 0 : i32
      %dma_start3A_125 = arith.constant 0 : i32
      %dma_start3A_126 = tpu.memref_slice %arg7[%rem3A_58, %dma_start3A_119, %dma_start3A_124, %dma_start3A_125] : memref<2x8x1176x128xf32, #tpu.memory_space<vmem>> -> memref<1x1x1176x128xf32, #tpu.memory_space<vmem>>
      %dma_start3A_127 = tpu.memref_squeeze %dma_start3A_126 : memref<1x1x1176x128xf32, #tpu.memory_space<vmem>> -> memref<1176x128xf32, #tpu.memory_space<vmem>>
      %dma_start3A_128 = arith.constant 0 : i32
      %dma_start3A_129 = arith.constant 0 : i32
      %dma_start3A_130 = tpu.memref_slice %arg4[%get3A_105, %dma_start3A_128, %dma_start3A_129] : memref<256x1176x128xf32, #tpu.memory_space<any>> -> memref<1x1176x128xf32, #tpu.memory_space<any>>
      %dma_start3A_131 = tpu.memref_squeeze %dma_start3A_130 : memref<1x1176x128xf32, #tpu.memory_space<any>> -> memref<1176x128xf32, #tpu.memory_space<any>>
      tpu.enqueue_dma source(%dma_start3A_131 : memref<1176x128xf32, #tpu.memory_space<any>>) target(%dma_start3A_127 : memref<1176x128xf32, #tpu.memory_space<vmem>>) target_semaphore(%dma_start3A_123 : memref<!tpu.dma_semaphore, #tpu.memory_space<semaphore_mem>>)
      %mul3A_132 = arith.constant 0 : i32
      %mul3A_133 = arith.constant 8 : i32
      %mul3A_134 = arith.muli %mul3A_132, %mul3A_133 : i32
      %add3A_135 = arith.constant 2 : i32
      %add3A_136 = arith.addi %mul3A_134, %add3A_135 : i32
      %sub3A_137 = arith.constant 1 : i32
      %sub3A_138 = arith.subi %get3A_0, %sub3A_137 : i32
      %max3A_139 = arith.constant 0 : i32
      %max3A_140 = arith.maxsi %sub3A_138, %max3A_139 : i32
      %min3A_141 = arith.minsi %add3A_136, %max3A_140 : i32
      %get3A_142 = arith.index_cast %min3A_141 : i32 to index
      %get3A_143 = memref.load %arg1[%get3A_142] : memref<256xi32, #tpu.memory_space<smem>>
      %dma_start3A_144 = arith.constant 2 : i32
      %dma_start3A_145 = arith.constant 0 : i32
      %dma_start3A_146 = arith.constant 2 : i32
      %dma_start3A_147 = tpu.memref_slice %arg9[%dma_start3A_145, %rem3A_58, %dma_start3A_146] : memref<2x2x8x!tpu.dma_semaphore, #tpu.memory_space<semaphore_mem>> -> memref<1x1x1x!tpu.dma_semaphore, #tpu.memory_space<semaphore_mem>>
      %dma_start3A_148 = tpu.memref_squeeze %dma_start3A_147 : memref<1x1x1x!tpu.dma_semaphore, #tpu.memory_space<semaphore_mem>> -> memref<!tpu.dma_semaphore, #tpu.memory_space<semaphore_mem>>
      %dma_start3A_149 = arith.constant 0 : i32
      %dma_start3A_150 = arith.constant 0 : i32
      %dma_start3A_151 = tpu.memref_slice %arg6[%rem3A_58, %dma_start3A_144, %dma_start3A_149, %dma_start3A_150] : memref<2x8x1176x128xf32, #tpu.memory_space<vmem>> -> memref<1x1x1176x128xf32, #tpu.memory_space<vmem>>
      %dma_start3A_152 = tpu.memref_squeeze %dma_start3A_151 : memref<1x1x1176x128xf32, #tpu.memory_space<vmem>> -> memref<1176x128xf32, #tpu.memory_space<vmem>>
      %dma_start3A_153 = arith.constant 0 : i32
      %dma_start3A_154 = arith.constant 0 : i32
      %dma_start3A_155 = tpu.memref_slice %arg3[%get3A_143, %dma_start3A_153, %dma_start3A_154] : memref<256x1176x128xf32, #tpu.memory_space<any>> -> memref<1x1176x128xf32, #tpu.memory_space<any>>
      %dma_start3A_156 = tpu.memref_squeeze %dma_start3A_155 : memref<1x1176x128xf32, #tpu.memory_space<any>> -> memref<1176x128xf32, #tpu.memory_space<any>>
      tpu.enqueue_dma source(%dma_start3A_156 : memref<1176x128xf32, #tpu.memory_space<any>>) target(%dma_start3A_152 : memref<1176x128xf32, #tpu.memory_space<vmem>>) target_semaphore(%dma_start3A_148 : memref<!tpu.dma_semaphore, #tpu.memory_space<semaphore_mem>>)
      %dma_start3A_157 = arith.constant 2 : i32
      %dma_start3A_158 = arith.constant 1 : i32
      %dma_start3A_159 = arith.constant 2 : i32
      %dma_start3A_160 = tpu.memref_slice %arg9[%dma_start3A_158, %rem3A_58, %dma_start3A_159] : memref<2x2x8x!tpu.dma_semaphore, #tpu.memory_space<semaphore_mem>> -> memref<1x1x1x!tpu.dma_semaphore, #tpu.memory_space<semaphore_mem>>
      %dma_start3A_161 = tpu.memref_squeeze %dma_start3A_160 : memref<1x1x1x!tpu.dma_semaphore, #tpu.memory_space<semaphore_mem>> -> memref<!tpu.dma_semaphore, #tpu.memory_space<semaphore_mem>>
      %dma_start3A_162 = arith.constant 0 : i32
      %dma_start3A_163 = arith.constant 0 : i32
      %dma_start3A_164 = tpu.memref_slice %arg7[%rem3A_58, %dma_start3A_157, %dma_start3A_162, %dma_start3A_163] : memref<2x8x1176x128xf32, #tpu.memory_space<vmem>> -> memref<1x1x1176x128xf32, #tpu.memory_space<vmem>>
      %dma_start3A_165 = tpu.memref_squeeze %dma_start3A_164 : memref<1x1x1176x128xf32, #tpu.memory_space<vmem>> -> memref<1176x128xf32, #tpu.memory_space<vmem>>
      %dma_start3A_166 = arith.constant 0 : i32
      %dma_start3A_167 = arith.constant 0 : i32
      %dma_start3A_168 = tpu.memref_slice %arg4[%get3A_143, %dma_start3A_166, %dma_start3A_167] : memref<256x1176x128xf32, #tpu.memory_space<any>> -> memref<1x1176x128xf32, #tpu.memory_space<any>>
      %dma_start3A_169 = tpu.memref_squeeze %dma_start3A_168 : memref<1x1176x128xf32, #tpu.memory_space<any>> -> memref<1176x128xf32, #tpu.memory_space<any>>
      tpu.enqueue_dma source(%dma_start3A_169 : memref<1176x128xf32, #tpu.memory_space<any>>) target(%dma_start3A_165 : memref<1176x128xf32, #tpu.memory_space<vmem>>) target_semaphore(%dma_start3A_161 : memref<!tpu.dma_semaphore, #tpu.memory_space<semaphore_mem>>)
      %mul3A_170 = arith.constant 0 : i32
      %mul3A_171 = arith.constant 8 : i32
      %mul3A_172 = arith.muli %mul3A_170, %mul3A_171 : i32
      %add3A_173 = arith.constant 3 : i32
      %add3A_174 = arith.addi %mul3A_172, %add3A_173 : i32
      %sub3A_175 = arith.constant 1 : i32
      %sub3A_176 = arith.subi %get3A_0, %sub3A_175 : i32
      %max3A_177 = arith.constant 0 : i32
      %max3A_178 = arith.maxsi %sub3A_176, %max3A_177 : i32
      %min3A_179 = arith.minsi %add3A_174, %max3A_178 : i32
      %get3A_180 = arith.index_cast %min3A_179 : i32 to index
      %get3A_181 = memref.load %arg1[%get3A_180] : memref<256xi32, #tpu.memory_space<smem>>
      %dma_start3A_182 = arith.constant 3 : i32
      %dma_start3A_183 = arith.constant 0 : i32
      %dma_start3A_184 = arith.constant 3 : i32
      %dma_start3A_185 = tpu.memref_slice %arg9[%dma_start3A_183, %rem3A_58, %dma_start3A_184] : memref<2x2x8x!tpu.dma_semaphore, #tpu.memory_space<semaphore_mem>> -> memref<1x1x1x!tpu.dma_semaphore, #tpu.memory_space<semaphore_mem>>
      %dma_start3A_186 = tpu.memref_squeeze %dma_start3A_185 : memref<1x1x1x!tpu.dma_semaphore, #tpu.memory_space<semaphore_mem>> -> memref<!tpu.dma_semaphore, #tpu.memory_space<semaphore_mem>>
      %dma_start3A_187 = arith.constant 0 : i32
      %dma_start3A_188 = arith.constant 0 : i32
      %dma_start3A_189 = tpu.memref_slice %arg6[%rem3A_58, %dma_start3A_182, %dma_start3A_187, %dma_start3A_188] : memref<2x8x1176x128xf32, #tpu.memory_space<vmem>> -> memref<1x1x1176x128xf32, #tpu.memory_space<vmem>>
      %dma_start3A_190 = tpu.memref_squeeze %dma_start3A_189 : memref<1x1x1176x128xf32, #tpu.memory_space<vmem>> -> memref<1176x128xf32, #tpu.memory_space<vmem>>
      %dma_start3A_191 = arith.constant 0 : i32
      %dma_start3A_192 = arith.constant 0 : i32
      %dma_start3A_193 = tpu.memref_slice %arg3[%get3A_181, %dma_start3A_191, %dma_start3A_192] : memref<256x1176x128xf32, #tpu.memory_space<any>> -> memref<1x1176x128xf32, #tpu.memory_space<any>>
      %dma_start3A_194 = tpu.memref_squeeze %dma_start3A_193 : memref<1x1176x128xf32, #tpu.memory_space<any>> -> memref<1176x128xf32, #tpu.memory_space<any>>
      tpu.enqueue_dma source(%dma_start3A_194 : memref<1176x128xf32, #tpu.memory_space<any>>) target(%dma_start3A_190 : memref<1176x128xf32, #tpu.memory_space<vmem>>) target_semaphore(%dma_start3A_186 : memref<!tpu.dma_semaphore, #tpu.memory_space<semaphore_mem>>)
      %dma_start3A_195 = arith.constant 3 : i32
      %dma_start3A_196 = arith.constant 1 : i32
      %dma_start3A_197 = arith.constant 3 : i32
      %dma_start3A_198 = tpu.memref_slice %arg9[%dma_start3A_196, %rem3A_58, %dma_start3A_197] : memref<2x2x8x!tpu.dma_semaphore, #tpu.memory_space<semaphore_mem>> -> memref<1x1x1x!tpu.dma_semaphore, #tpu.memory_space<semaphore_mem>>
      %dma_start3A_199 = tpu.memref_squeeze %dma_start3A_198 : memref<1x1x1x!tpu.dma_semaphore, #tpu.memory_space<semaphore_mem>> -> memref<!tpu.dma_semaphore, #tpu.memory_space<semaphore_mem>>
      %dma_start3A_200 = arith.constant 0 : i32
      %dma_start3A_201 = arith.constant 0 : i32
      %dma_start3A_202 = tpu.memref_slice %arg7[%rem3A_58, %dma_start3A_195, %dma_start3A_200, %dma_start3A_201] : memref<2x8x1176x128xf32, #tpu.memory_space<vmem>> -> memref<1x1x1176x128xf32, #tpu.memory_space<vmem>>
      %dma_start3A_203 = tpu.memref_squeeze %dma_start3A_202 : memref<1x1x1176x128xf32, #tpu.memory_space<vmem>> -> memref<1176x128xf32, #tpu.memory_space<vmem>>
      %dma_start3A_204 = arith.constant 0 : i32
      %dma_start3A_205 = arith.constant 0 : i32
      %dma_start3A_206 = tpu.memref_slice %arg4[%get3A_181, %dma_start3A_204, %dma_start3A_205] : memref<256x1176x128xf32, #tpu.memory_space<any>> -> memref<1x1176x128xf32, #tpu.memory_space<any>>
      %dma_start3A_207 = tpu.memref_squeeze %dma_start3A_206 : memref<1x1176x128xf32, #tpu.memory_space<any>> -> memref<1176x128xf32, #tpu.memory_space<any>>
      tpu.enqueue_dma source(%dma_start3A_207 : memref<1176x128xf32, #tpu.memory_space<any>>) target(%dma_start3A_203 : memref<1176x128xf32, #tpu.memory_space<vmem>>) target_semaphore(%dma_start3A_199 : memref<!tpu.dma_semaphore, #tpu.memory_space<semaphore_mem>>)
      %mul3A_208 = arith.constant 0 : i32
      %mul3A_209 = arith.constant 8 : i32
      %mul3A_210 = arith.muli %mul3A_208, %mul3A_209 : i32
      %add3A_211 = arith.constant 4 : i32
      %add3A_212 = arith.addi %mul3A_210, %add3A_211 : i32
      %sub3A_213 = arith.constant 1 : i32
      %sub3A_214 = arith.subi %get3A_0, %sub3A_213 : i32
      %max3A_215 = arith.constant 0 : i32
      %max3A_216 = arith.maxsi %sub3A_214, %max3A_215 : i32
      %min3A_217 = arith.minsi %add3A_212, %max3A_216 : i32
      %get3A_218 = arith.index_cast %min3A_217 : i32 to index
      %get3A_219 = memref.load %arg1[%get3A_218] : memref<256xi32, #tpu.memory_space<smem>>
      %dma_start3A_220 = arith.constant 4 : i32
      %dma_start3A_221 = arith.constant 0 : i32
      %dma_start3A_222 = arith.constant 4 : i32
      %dma_start3A_223 = tpu.memref_slice %arg9[%dma_start3A_221, %rem3A_58, %dma_start3A_222] : memref<2x2x8x!tpu.dma_semaphore, #tpu.memory_space<semaphore_mem>> -> memref<1x1x1x!tpu.dma_semaphore, #tpu.memory_space<semaphore_mem>>
      %dma_start3A_224 = tpu.memref_squeeze %dma_start3A_223 : memref<1x1x1x!tpu.dma_semaphore, #tpu.memory_space<semaphore_mem>> -> memref<!tpu.dma_semaphore, #tpu.memory_space<semaphore_mem>>
      %dma_start3A_225 = arith.constant 0 : i32
      %dma_start3A_226 = arith.constant 0 : i32
      %dma_start3A_227 = tpu.memref_slice %arg6[%rem3A_58, %dma_start3A_220, %dma_start3A_225, %dma_start3A_226] : memref<2x8x1176x128xf32, #tpu.memory_space<vmem>> -> memref<1x1x1176x128xf32, #tpu.memory_space<vmem>>
      %dma_start3A_228 = tpu.memref_squeeze %dma_start3A_227 : memref<1x1x1176x128xf32, #tpu.memory_space<vmem>> -> memref<1176x128xf32, #tpu.memory_space<vmem>>
      %dma_start3A_229 = arith.constant 0 : i32
      %dma_start3A_230 = arith.constant 0 : i32
      %dma_start3A_231 = tpu.memref_slice %arg3[%get3A_219, %dma_start3A_229, %dma_start3A_230] : memref<256x1176x128xf32, #tpu.memory_space<any>> -> memref<1x1176x128xf32, #tpu.memory_space<any>>
      %dma_start3A_232 = tpu.memref_squeeze %dma_start3A_231 : memref<1x1176x128xf32, #tpu.memory_space<any>> -> memref<1176x128xf32, #tpu.memory_space<any>>
      tpu.enqueue_dma source(%dma_start3A_232 : memref<1176x128xf32, #tpu.memory_space<any>>) target(%dma_start3A_228 : memref<1176x128xf32, #tpu.memory_space<vmem>>) target_semaphore(%dma_start3A_224 : memref<!tpu.dma_semaphore, #tpu.memory_space<semaphore_mem>>)
      %dma_start3A_233 = arith.constant 4 : i32
      %dma_start3A_234 = arith.constant 1 : i32
      %dma_start3A_235 = arith.constant 4 : i32
      %dma_start3A_236 = tpu.memref_slice %arg9[%dma_start3A_234, %rem3A_58, %dma_start3A_235] : memref<2x2x8x!tpu.dma_semaphore, #tpu.memory_space<semaphore_mem>> -> memref<1x1x1x!tpu.dma_semaphore, #tpu.memory_space<semaphore_mem>>
      %dma_start3A_237 = tpu.memref_squeeze %dma_start3A_236 : memref<1x1x1x!tpu.dma_semaphore, #tpu.memory_space<semaphore_mem>> -> memref<!tpu.dma_semaphore, #tpu.memory_space<semaphore_mem>>
      %dma_start3A_238 = arith.constant 0 : i32
      %dma_start3A_239 = arith.constant 0 : i32
      %dma_start3A_240 = tpu.memref_slice %arg7[%rem3A_58, %dma_start3A_233, %dma_start3A_238, %dma_start3A_239] : memref<2x8x1176x128xf32, #tpu.memory_space<vmem>> -> memref<1x1x1176x128xf32, #tpu.memory_space<vmem>>
      %dma_start3A_241 = tpu.memref_squeeze %dma_start3A_240 : memref<1x1x1176x128xf32, #tpu.memory_space<vmem>> -> memref<1176x128xf32, #tpu.memory_space<vmem>>
      %dma_start3A_242 = arith.constant 0 : i32
      %dma_start3A_243 = arith.constant 0 : i32
      %dma_start3A_244 = tpu.memref_slice %arg4[%get3A_219, %dma_start3A_242, %dma_start3A_243] : memref<256x1176x128xf32, #tpu.memory_space<any>> -> memref<1x1176x128xf32, #tpu.memory_space<any>>
      %dma_start3A_245 = tpu.memref_squeeze %dma_start3A_244 : memref<1x1176x128xf32, #tpu.memory_space<any>> -> memref<1176x128xf32, #tpu.memory_space<any>>
      tpu.enqueue_dma source(%dma_start3A_245 : memref<1176x128xf32, #tpu.memory_space<any>>) target(%dma_start3A_241 : memref<1176x128xf32, #tpu.memory_space<vmem>>) target_semaphore(%dma_start3A_237 : memref<!tpu.dma_semaphore, #tpu.memory_space<semaphore_mem>>)
      %mul3A_246 = arith.constant 0 : i32
      %mul3A_247 = arith.constant 8 : i32
      %mul3A_248 = arith.muli %mul3A_246, %mul3A_247 : i32
      %add3A_249 = arith.constant 5 : i32
      %add3A_250 = arith.addi %mul3A_248, %add3A_249 : i32
      %sub3A_251 = arith.constant 1 : i32
      %sub3A_252 = arith.subi %get3A_0, %sub3A_251 : i32
      %max3A_253 = arith.constant 0 : i32
      %max3A_254 = arith.maxsi %sub3A_252, %max3A_253 : i32
      %min3A_255 = arith.minsi %add3A_250, %max3A_254 : i32
      %get3A_256 = arith.index_cast %min3A_255 : i32 to index
      %get3A_257 = memref.load %arg1[%get3A_256] : memref<256xi32, #tpu.memory_space<smem>>
      %dma_start3A_258 = arith.constant 5 : i32
      %dma_start3A_259 = arith.constant 0 : i32
      %dma_start3A_260 = arith.constant 5 : i32
      %dma_start3A_261 = tpu.memref_slice %arg9[%dma_start3A_259, %rem3A_58, %dma_start3A_260] : memref<2x2x8x!tpu.dma_semaphore, #tpu.memory_space<semaphore_mem>> -> memref<1x1x1x!tpu.dma_semaphore, #tpu.memory_space<semaphore_mem>>
      %dma_start3A_262 = tpu.memref_squeeze %dma_start3A_261 : memref<1x1x1x!tpu.dma_semaphore, #tpu.memory_space<semaphore_mem>> -> memref<!tpu.dma_semaphore, #tpu.memory_space<semaphore_mem>>
      %dma_start3A_263 = arith.constant 0 : i32
      %dma_start3A_264 = arith.constant 0 : i32
      %dma_start3A_265 = tpu.memref_slice %arg6[%rem3A_58, %dma_start3A_258, %dma_start3A_263, %dma_start3A_264] : memref<2x8x1176x128xf32, #tpu.memory_space<vmem>> -> memref<1x1x1176x128xf32, #tpu.memory_space<vmem>>
      %dma_start3A_266 = tpu.memref_squeeze %dma_start3A_265 : memref<1x1x1176x128xf32, #tpu.memory_space<vmem>> -> memref<1176x128xf32, #tpu.memory_space<vmem>>
      %dma_start3A_267 = arith.constant 0 : i32
      %dma_start3A_268 = arith.constant 0 : i32
      %dma_start3A_269 = tpu.memref_slice %arg3[%get3A_257, %dma_start3A_267, %dma_start3A_268] : memref<256x1176x128xf32, #tpu.memory_space<any>> -> memref<1x1176x128xf32, #tpu.memory_space<any>>
      %dma_start3A_270 = tpu.memref_squeeze %dma_start3A_269 : memref<1x1176x128xf32, #tpu.memory_space<any>> -> memref<1176x128xf32, #tpu.memory_space<any>>
      tpu.enqueue_dma source(%dma_start3A_270 : memref<1176x128xf32, #tpu.memory_space<any>>) target(%dma_start3A_266 : memref<1176x128xf32, #tpu.memory_space<vmem>>) target_semaphore(%dma_start3A_262 : memref<!tpu.dma_semaphore, #tpu.memory_space<semaphore_mem>>)
      %dma_start3A_271 = arith.constant 5 : i32
      %dma_start3A_272 = arith.constant 1 : i32
      %dma_start3A_273 = arith.constant 5 : i32
      %dma_start3A_274 = tpu.memref_slice %arg9[%dma_start3A_272, %rem3A_58, %dma_start3A_273] : memref<2x2x8x!tpu.dma_semaphore, #tpu.memory_space<semaphore_mem>> -> memref<1x1x1x!tpu.dma_semaphore, #tpu.memory_space<semaphore_mem>>
      %dma_start3A_275 = tpu.memref_squeeze %dma_start3A_274 : memref<1x1x1x!tpu.dma_semaphore, #tpu.memory_space<semaphore_mem>> -> memref<!tpu.dma_semaphore, #tpu.memory_space<semaphore_mem>>
      %dma_start3A_276 = arith.constant 0 : i32
      %dma_start3A_277 = arith.constant 0 : i32
      %dma_start3A_278 = tpu.memref_slice %arg7[%rem3A_58, %dma_start3A_271, %dma_start3A_276, %dma_start3A_277] : memref<2x8x1176x128xf32, #tpu.memory_space<vmem>> -> memref<1x1x1176x128xf32, #tpu.memory_space<vmem>>
      %dma_start3A_279 = tpu.memref_squeeze %dma_start3A_278 : memref<1x1x1176x128xf32, #tpu.memory_space<vmem>> -> memref<1176x128xf32, #tpu.memory_space<vmem>>
      %dma_start3A_280 = arith.constant 0 : i32
      %dma_start3A_281 = arith.constant 0 : i32
      %dma_start3A_282 = tpu.memref_slice %arg4[%get3A_257, %dma_start3A_280, %dma_start3A_281] : memref<256x1176x128xf32, #tpu.memory_space<any>> -> memref<1x1176x128xf32, #tpu.memory_space<any>>
      %dma_start3A_283 = tpu.memref_squeeze %dma_start3A_282 : memref<1x1176x128xf32, #tpu.memory_space<any>> -> memref<1176x128xf32, #tpu.memory_space<any>>
      tpu.enqueue_dma source(%dma_start3A_283 : memref<1176x128xf32, #tpu.memory_space<any>>) target(%dma_start3A_279 : memref<1176x128xf32, #tpu.memory_space<vmem>>) target_semaphore(%dma_start3A_275 : memref<!tpu.dma_semaphore, #tpu.memory_space<semaphore_mem>>)
      %mul3A_284 = arith.constant 0 : i32
      %mul3A_285 = arith.constant 8 : i32
      %mul3A_286 = arith.muli %mul3A_284, %mul3A_285 : i32
      %add3A_287 = arith.constant 6 : i32
      %add3A_288 = arith.addi %mul3A_286, %add3A_287 : i32
      %sub3A_289 = arith.constant 1 : i32
      %sub3A_290 = arith.subi %get3A_0, %sub3A_289 : i32
      %max3A_291 = arith.constant 0 : i32
      %max3A_292 = arith.maxsi %sub3A_290, %max3A_291 : i32
      %min3A_293 = arith.minsi %add3A_288, %max3A_292 : i32
      %get3A_294 = arith.index_cast %min3A_293 : i32 to index
      %get3A_295 = memref.load %arg1[%get3A_294] : memref<256xi32, #tpu.memory_space<smem>>
      %dma_start3A_296 = arith.constant 6 : i32
      %dma_start3A_297 = arith.constant 0 : i32
      %dma_start3A_298 = arith.constant 6 : i32
      %dma_start3A_299 = tpu.memref_slice %arg9[%dma_start3A_297, %rem3A_58, %dma_start3A_298] : memref<2x2x8x!tpu.dma_semaphore, #tpu.memory_space<semaphore_mem>> -> memref<1x1x1x!tpu.dma_semaphore, #tpu.memory_space<semaphore_mem>>
      %dma_start3A_300 = tpu.memref_squeeze %dma_start3A_299 : memref<1x1x1x!tpu.dma_semaphore, #tpu.memory_space<semaphore_mem>> -> memref<!tpu.dma_semaphore, #tpu.memory_space<semaphore_mem>>
      %dma_start3A_301 = arith.constant 0 : i32
      %dma_start3A_302 = arith.constant 0 : i32
      %dma_start3A_303 = tpu.memref_slice %arg6[%rem3A_58, %dma_start3A_296, %dma_start3A_301, %dma_start3A_302] : memref<2x8x1176x128xf32, #tpu.memory_space<vmem>> -> memref<1x1x1176x128xf32, #tpu.memory_space<vmem>>
      %dma_start3A_304 = tpu.memref_squeeze %dma_start3A_303 : memref<1x1x1176x128xf32, #tpu.memory_space<vmem>> -> memref<1176x128xf32, #tpu.memory_space<vmem>>
      %dma_start3A_305 = arith.constant 0 : i32
      %dma_start3A_306 = arith.constant 0 : i32
      %dma_start3A_307 = tpu.memref_slice %arg3[%get3A_295, %dma_start3A_305, %dma_start3A_306] : memref<256x1176x128xf32, #tpu.memory_space<any>> -> memref<1x1176x128xf32, #tpu.memory_space<any>>
      %dma_start3A_308 = tpu.memref_squeeze %dma_start3A_307 : memref<1x1176x128xf32, #tpu.memory_space<any>> -> memref<1176x128xf32, #tpu.memory_space<any>>
      tpu.enqueue_dma source(%dma_start3A_308 : memref<1176x128xf32, #tpu.memory_space<any>>) target(%dma_start3A_304 : memref<1176x128xf32, #tpu.memory_space<vmem>>) target_semaphore(%dma_start3A_300 : memref<!tpu.dma_semaphore, #tpu.memory_space<semaphore_mem>>)
      %dma_start3A_309 = arith.constant 6 : i32
      %dma_start3A_310 = arith.constant 1 : i32
      %dma_start3A_311 = arith.constant 6 : i32
      %dma_start3A_312 = tpu.memref_slice %arg9[%dma_start3A_310, %rem3A_58, %dma_start3A_311] : memref<2x2x8x!tpu.dma_semaphore, #tpu.memory_space<semaphore_mem>> -> memref<1x1x1x!tpu.dma_semaphore, #tpu.memory_space<semaphore_mem>>
      %dma_start3A_313 = tpu.memref_squeeze %dma_start3A_312 : memref<1x1x1x!tpu.dma_semaphore, #tpu.memory_space<semaphore_mem>> -> memref<!tpu.dma_semaphore, #tpu.memory_space<semaphore_mem>>
      %dma_start3A_314 = arith.constant 0 : i32
      %dma_start3A_315 = arith.constant 0 : i32
      %dma_start3A_316 = tpu.memref_slice %arg7[%rem3A_58, %dma_start3A_309, %dma_start3A_314, %dma_start3A_315] : memref<2x8x1176x128xf32, #tpu.memory_space<vmem>> -> memref<1x1x1176x128xf32, #tpu.memory_space<vmem>>
      %dma_start3A_317 = tpu.memref_squeeze %dma_start3A_316 : memref<1x1x1176x128xf32, #tpu.memory_space<vmem>> -> memref<1176x128xf32, #tpu.memory_space<vmem>>
      %dma_start3A_318 = arith.constant 0 : i32
      %dma_start3A_319 = arith.constant 0 : i32
      %dma_start3A_320 = tpu.memref_slice %arg4[%get3A_295, %dma_start3A_318, %dma_start3A_319] : memref<256x1176x128xf32, #tpu.memory_space<any>> -> memref<1x1176x128xf32, #tpu.memory_space<any>>
      %dma_start3A_321 = tpu.memref_squeeze %dma_start3A_320 : memref<1x1176x128xf32, #tpu.memory_space<any>> -> memref<1176x128xf32, #tpu.memory_space<any>>
      tpu.enqueue_dma source(%dma_start3A_321 : memref<1176x128xf32, #tpu.memory_space<any>>) target(%dma_start3A_317 : memref<1176x128xf32, #tpu.memory_space<vmem>>) target_semaphore(%dma_start3A_313 : memref<!tpu.dma_semaphore, #tpu.memory_space<semaphore_mem>>)
      %mul3A_322 = arith.constant 0 : i32
      %mul3A_323 = arith.constant 8 : i32
      %mul3A_324 = arith.muli %mul3A_322, %mul3A_323 : i32
      %add3A_325 = arith.constant 7 : i32
      %add3A_326 = arith.addi %mul3A_324, %add3A_325 : i32
      %sub3A_327 = arith.constant 1 : i32
      %sub3A_328 = arith.subi %get3A_0, %sub3A_327 : i32
      %max3A_329 = arith.constant 0 : i32
      %max3A_330 = arith.maxsi %sub3A_328, %max3A_329 : i32
      %min3A_331 = arith.minsi %add3A_326, %max3A_330 : i32
      %get3A_332 = arith.index_cast %min3A_331 : i32 to index
      %get3A_333 = memref.load %arg1[%get3A_332] : memref<256xi32, #tpu.memory_space<smem>>
      %dma_start3A_334 = arith.constant 7 : i32
      %dma_start3A_335 = arith.constant 0 : i32
      %dma_start3A_336 = arith.constant 7 : i32
      %dma_start3A_337 = tpu.memref_slice %arg9[%dma_start3A_335, %rem3A_58, %dma_start3A_336] : memref<2x2x8x!tpu.dma_semaphore, #tpu.memory_space<semaphore_mem>> -> memref<1x1x1x!tpu.dma_semaphore, #tpu.memory_space<semaphore_mem>>
      %dma_start3A_338 = tpu.memref_squeeze %dma_start3A_337 : memref<1x1x1x!tpu.dma_semaphore, #tpu.memory_space<semaphore_mem>> -> memref<!tpu.dma_semaphore, #tpu.memory_space<semaphore_mem>>
      %dma_start3A_339 = arith.constant 0 : i32
      %dma_start3A_340 = arith.constant 0 : i32
      %dma_start3A_341 = tpu.memref_slice %arg6[%rem3A_58, %dma_start3A_334, %dma_start3A_339, %dma_start3A_340] : memref<2x8x1176x128xf32, #tpu.memory_space<vmem>> -> memref<1x1x1176x128xf32, #tpu.memory_space<vmem>>
      %dma_start3A_342 = tpu.memref_squeeze %dma_start3A_341 : memref<1x1x1176x128xf32, #tpu.memory_space<vmem>> -> memref<1176x128xf32, #tpu.memory_space<vmem>>
      %dma_start3A_343 = arith.constant 0 : i32
      %dma_start3A_344 = arith.constant 0 : i32
      %dma_start3A_345 = tpu.memref_slice %arg3[%get3A_333, %dma_start3A_343, %dma_start3A_344] : memref<256x1176x128xf32, #tpu.memory_space<any>> -> memref<1x1176x128xf32, #tpu.memory_space<any>>
      %dma_start3A_346 = tpu.memref_squeeze %dma_start3A_345 : memref<1x1176x128xf32, #tpu.memory_space<any>> -> memref<1176x128xf32, #tpu.memory_space<any>>
      tpu.enqueue_dma source(%dma_start3A_346 : memref<1176x128xf32, #tpu.memory_space<any>>) target(%dma_start3A_342 : memref<1176x128xf32, #tpu.memory_space<vmem>>) target_semaphore(%dma_start3A_338 : memref<!tpu.dma_semaphore, #tpu.memory_space<semaphore_mem>>)
      %dma_start3A_347 = arith.constant 7 : i32
      %dma_start3A_348 = arith.constant 1 : i32
      %dma_start3A_349 = arith.constant 7 : i32
      %dma_start3A_350 = tpu.memref_slice %arg9[%dma_start3A_348, %rem3A_58, %dma_start3A_349] : memref<2x2x8x!tpu.dma_semaphore, #tpu.memory_space<semaphore_mem>> -> memref<1x1x1x!tpu.dma_semaphore, #tpu.memory_space<semaphore_mem>>
      %dma_start3A_351 = tpu.memref_squeeze %dma_start3A_350 : memref<1x1x1x!tpu.dma_semaphore, #tpu.memory_space<semaphore_mem>> -> memref<!tpu.dma_semaphore, #tpu.memory_space<semaphore_mem>>
      %dma_start3A_352 = arith.constant 0 : i32
      %dma_start3A_353 = arith.constant 0 : i32
      %dma_start3A_354 = tpu.memref_slice %arg7[%rem3A_58, %dma_start3A_347, %dma_start3A_352, %dma_start3A_353] : memref<2x8x1176x128xf32, #tpu.memory_space<vmem>> -> memref<1x1x1176x128xf32, #tpu.memory_space<vmem>>
      %dma_start3A_355 = tpu.memref_squeeze %dma_start3A_354 : memref<1x1x1176x128xf32, #tpu.memory_space<vmem>> -> memref<1176x128xf32, #tpu.memory_space<vmem>>
      %dma_start3A_356 = arith.constant 0 : i32
      %dma_start3A_357 = arith.constant 0 : i32
      %dma_start3A_358 = tpu.memref_slice %arg4[%get3A_333, %dma_start3A_356, %dma_start3A_357] : memref<256x1176x128xf32, #tpu.memory_space<any>> -> memref<1x1176x128xf32, #tpu.memory_space<any>>
      %dma_start3A_359 = tpu.memref_squeeze %dma_start3A_358 : memref<1x1176x128xf32, #tpu.memory_space<any>> -> memref<1176x128xf32, #tpu.memory_space<any>>
      tpu.enqueue_dma source(%dma_start3A_359 : memref<1176x128xf32, #tpu.memory_space<any>>) target(%dma_start3A_355 : memref<1176x128xf32, #tpu.memory_space<vmem>>) target_semaphore(%dma_start3A_351 : memref<!tpu.dma_semaphore, #tpu.memory_space<semaphore_mem>>)
    } else {
    }
    %gt3A_22 = arith.constant 1 : i32
    %gt3A_23 = arith.cmpi sgt, %select_n3A, %gt3A_22 : i32
    %convert_element_type3A_24 = arith.extui %gt3A_23 : i1 to i32
    %cond3A_25 = arith.constant 0 : i32
    %cond3A_26 = arith.cmpi ne, %convert_element_type3A_24, %cond3A_25 : i32
    scf.if %cond3A_26 {
      %rem3A_56 = arith.constant 1 : i32
      %rem3A_57 = arith.constant 2 : i32
      %rem3A_58 = arith.remsi %rem3A_56, %rem3A_57 : i32
      %mul3A_59 = arith.constant 1 : i32
      %mul3A_60 = arith.constant 8 : i32
      %mul3A_61 = arith.muli %mul3A_59, %mul3A_60 : i32
      %add3A_62 = arith.constant 0 : i32
      %add3A_63 = arith.addi %mul3A_61, %add3A_62 : i32
      %sub3A_64 = arith.constant 1 : i32
      %sub3A_65 = arith.subi %get3A_0, %sub3A_64 : i32
      %max3A = arith.constant 0 : i32
      %max3A_66 = arith.maxsi %sub3A_65, %max3A : i32
      %min3A = arith.minsi %add3A_63, %max3A_66 : i32
      %get3A_67 = arith.index_cast %min3A : i32 to index
      %get3A_68 = memref.load %arg1[%get3A_67] : memref<256xi32, #tpu.memory_space<smem>>
      %dma_start3A = arith.constant 0 : i32
      %dma_start3A_69 = arith.constant 0 : i32
      %dma_start3A_70 = arith.constant 0 : i32
      %dma_start3A_71 = tpu.memref_slice %arg9[%dma_start3A_69, %rem3A_58, %dma_start3A_70] : memref<2x2x8x!tpu.dma_semaphore, #tpu.memory_space<semaphore_mem>> -> memref<1x1x1x!tpu.dma_semaphore, #tpu.memory_space<semaphore_mem>>
      %dma_start3A_72 = tpu.memref_squeeze %dma_start3A_71 : memref<1x1x1x!tpu.dma_semaphore, #tpu.memory_space<semaphore_mem>> -> memref<!tpu.dma_semaphore, #tpu.memory_space<semaphore_mem>>
      %dma_start3A_73 = arith.constant 0 : i32
      %dma_start3A_74 = arith.constant 0 : i32
      %dma_start3A_75 = tpu.memref_slice %arg6[%rem3A_58, %dma_start3A, %dma_start3A_73, %dma_start3A_74] : memref<2x8x1176x128xf32, #tpu.memory_space<vmem>> -> memref<1x1x1176x128xf32, #tpu.memory_space<vmem>>
      %dma_start3A_76 = tpu.memref_squeeze %dma_start3A_75 : memref<1x1x1176x128xf32, #tpu.memory_space<vmem>> -> memref<1176x128xf32, #tpu.memory_space<vmem>>
      %dma_start3A_77 = arith.constant 0 : i32
      %dma_start3A_78 = arith.constant 0 : i32
      %dma_start3A_79 = tpu.memref_slice %arg3[%get3A_68, %dma_start3A_77, %dma_start3A_78] : memref<256x1176x128xf32, #tpu.memory_space<any>> -> memref<1x1176x128xf32, #tpu.memory_space<any>>
      %dma_start3A_80 = tpu.memref_squeeze %dma_start3A_79 : memref<1x1176x128xf32, #tpu.memory_space<any>> -> memref<1176x128xf32, #tpu.memory_space<any>>
      tpu.enqueue_dma source(%dma_start3A_80 : memref<1176x128xf32, #tpu.memory_space<any>>) target(%dma_start3A_76 : memref<1176x128xf32, #tpu.memory_space<vmem>>) target_semaphore(%dma_start3A_72 : memref<!tpu.dma_semaphore, #tpu.memory_space<semaphore_mem>>)
      %dma_start3A_81 = arith.constant 0 : i32
      %dma_start3A_82 = arith.constant 1 : i32
      %dma_start3A_83 = arith.constant 0 : i32
      %dma_start3A_84 = tpu.memref_slice %arg9[%dma_start3A_82, %rem3A_58, %dma_start3A_83] : memref<2x2x8x!tpu.dma_semaphore, #tpu.memory_space<semaphore_mem>> -> memref<1x1x1x!tpu.dma_semaphore, #tpu.memory_space<semaphore_mem>>
      %dma_start3A_85 = tpu.memref_squeeze %dma_start3A_84 : memref<1x1x1x!tpu.dma_semaphore, #tpu.memory_space<semaphore_mem>> -> memref<!tpu.dma_semaphore, #tpu.memory_space<semaphore_mem>>
      %dma_start3A_86 = arith.constant 0 : i32
      %dma_start3A_87 = arith.constant 0 : i32
      %dma_start3A_88 = tpu.memref_slice %arg7[%rem3A_58, %dma_start3A_81, %dma_start3A_86, %dma_start3A_87] : memref<2x8x1176x128xf32, #tpu.memory_space<vmem>> -> memref<1x1x1176x128xf32, #tpu.memory_space<vmem>>
      %dma_start3A_89 = tpu.memref_squeeze %dma_start3A_88 : memref<1x1x1176x128xf32, #tpu.memory_space<vmem>> -> memref<1176x128xf32, #tpu.memory_space<vmem>>
      %dma_start3A_90 = arith.constant 0 : i32
      %dma_start3A_91 = arith.constant 0 : i32
      %dma_start3A_92 = tpu.memref_slice %arg4[%get3A_68, %dma_start3A_90, %dma_start3A_91] : memref<256x1176x128xf32, #tpu.memory_space<any>> -> memref<1x1176x128xf32, #tpu.memory_space<any>>
      %dma_start3A_93 = tpu.memref_squeeze %dma_start3A_92 : memref<1x1176x128xf32, #tpu.memory_space<any>> -> memref<1176x128xf32, #tpu.memory_space<any>>
      tpu.enqueue_dma source(%dma_start3A_93 : memref<1176x128xf32, #tpu.memory_space<any>>) target(%dma_start3A_89 : memref<1176x128xf32, #tpu.memory_space<vmem>>) target_semaphore(%dma_start3A_85 : memref<!tpu.dma_semaphore, #tpu.memory_space<semaphore_mem>>)
      %mul3A_94 = arith.constant 1 : i32
      %mul3A_95 = arith.constant 8 : i32
      %mul3A_96 = arith.muli %mul3A_94, %mul3A_95 : i32
      %add3A_97 = arith.constant 1 : i32
      %add3A_98 = arith.addi %mul3A_96, %add3A_97 : i32
      %sub3A_99 = arith.constant 1 : i32
      %sub3A_100 = arith.subi %get3A_0, %sub3A_99 : i32
      %max3A_101 = arith.constant 0 : i32
      %max3A_102 = arith.maxsi %sub3A_100, %max3A_101 : i32
      %min3A_103 = arith.minsi %add3A_98, %max3A_102 : i32
      %get3A_104 = arith.index_cast %min3A_103 : i32 to index
      %get3A_105 = memref.load %arg1[%get3A_104] : memref<256xi32, #tpu.memory_space<smem>>
      %dma_start3A_106 = arith.constant 1 : i32
      %dma_start3A_107 = arith.constant 0 : i32
      %dma_start3A_108 = arith.constant 1 : i32
      %dma_start3A_109 = tpu.memref_slice %arg9[%dma_start3A_107, %rem3A_58, %dma_start3A_108] : memref<2x2x8x!tpu.dma_semaphore, #tpu.memory_space<semaphore_mem>> -> memref<1x1x1x!tpu.dma_semaphore, #tpu.memory_space<semaphore_mem>>
      %dma_start3A_110 = tpu.memref_squeeze %dma_start3A_109 : memref<1x1x1x!tpu.dma_semaphore, #tpu.memory_space<semaphore_mem>> -> memref<!tpu.dma_semaphore, #tpu.memory_space<semaphore_mem>>
      %dma_start3A_111 = arith.constant 0 : i32
      %dma_start3A_112 = arith.constant 0 : i32
      %dma_start3A_113 = tpu.memref_slice %arg6[%rem3A_58, %dma_start3A_106, %dma_start3A_111, %dma_start3A_112] : memref<2x8x1176x128xf32, #tpu.memory_space<vmem>> -> memref<1x1x1176x128xf32, #tpu.memory_space<vmem>>
      %dma_start3A_114 = tpu.memref_squeeze %dma_start3A_113 : memref<1x1x1176x128xf32, #tpu.memory_space<vmem>> -> memref<1176x128xf32, #tpu.memory_space<vmem>>
      %dma_start3A_115 = arith.constant 0 : i32
      %dma_start3A_116 = arith.constant 0 : i32
      %dma_start3A_117 = tpu.memref_slice %arg3[%get3A_105, %dma_start3A_115, %dma_start3A_116] : memref<256x1176x128xf32, #tpu.memory_space<any>> -> memref<1x1176x128xf32, #tpu.memory_space<any>>
      %dma_start3A_118 = tpu.memref_squeeze %dma_start3A_117 : memref<1x1176x128xf32, #tpu.memory_space<any>> -> memref<1176x128xf32, #tpu.memory_space<any>>
      tpu.enqueue_dma source(%dma_start3A_118 : memref<1176x128xf32, #tpu.memory_space<any>>) target(%dma_start3A_114 : memref<1176x128xf32, #tpu.memory_space<vmem>>) target_semaphore(%dma_start3A_110 : memref<!tpu.dma_semaphore, #tpu.memory_space<semaphore_mem>>)
      %dma_start3A_119 = arith.constant 1 : i32
      %dma_start3A_120 = arith.constant 1 : i32
      %dma_start3A_121 = arith.constant 1 : i32
      %dma_start3A_122 = tpu.memref_slice %arg9[%dma_start3A_120, %rem3A_58, %dma_start3A_121] : memref<2x2x8x!tpu.dma_semaphore, #tpu.memory_space<semaphore_mem>> -> memref<1x1x1x!tpu.dma_semaphore, #tpu.memory_space<semaphore_mem>>
      %dma_start3A_123 = tpu.memref_squeeze %dma_start3A_122 : memref<1x1x1x!tpu.dma_semaphore, #tpu.memory_space<semaphore_mem>> -> memref<!tpu.dma_semaphore, #tpu.memory_space<semaphore_mem>>
      %dma_start3A_124 = arith.constant 0 : i32
      %dma_start3A_125 = arith.constant 0 : i32
      %dma_start3A_126 = tpu.memref_slice %arg7[%rem3A_58, %dma_start3A_119, %dma_start3A_124, %dma_start3A_125] : memref<2x8x1176x128xf32, #tpu.memory_space<vmem>> -> memref<1x1x1176x128xf32, #tpu.memory_space<vmem>>
      %dma_start3A_127 = tpu.memref_squeeze %dma_start3A_126 : memref<1x1x1176x128xf32, #tpu.memory_space<vmem>> -> memref<1176x128xf32, #tpu.memory_space<vmem>>
      %dma_start3A_128 = arith.constant 0 : i32
      %dma_start3A_129 = arith.constant 0 : i32
      %dma_start3A_130 = tpu.memref_slice %arg4[%get3A_105, %dma_start3A_128, %dma_start3A_129] : memref<256x1176x128xf32, #tpu.memory_space<any>> -> memref<1x1176x128xf32, #tpu.memory_space<any>>
      %dma_start3A_131 = tpu.memref_squeeze %dma_start3A_130 : memref<1x1176x128xf32, #tpu.memory_space<any>> -> memref<1176x128xf32, #tpu.memory_space<any>>
      tpu.enqueue_dma source(%dma_start3A_131 : memref<1176x128xf32, #tpu.memory_space<any>>) target(%dma_start3A_127 : memref<1176x128xf32, #tpu.memory_space<vmem>>) target_semaphore(%dma_start3A_123 : memref<!tpu.dma_semaphore, #tpu.memory_space<semaphore_mem>>)
      %mul3A_132 = arith.constant 1 : i32
      %mul3A_133 = arith.constant 8 : i32
      %mul3A_134 = arith.muli %mul3A_132, %mul3A_133 : i32
      %add3A_135 = arith.constant 2 : i32
      %add3A_136 = arith.addi %mul3A_134, %add3A_135 : i32
      %sub3A_137 = arith.constant 1 : i32
      %sub3A_138 = arith.subi %get3A_0, %sub3A_137 : i32
      %max3A_139 = arith.constant 0 : i32
      %max3A_140 = arith.maxsi %sub3A_138, %max3A_139 : i32
      %min3A_141 = arith.minsi %add3A_136, %max3A_140 : i32
      %get3A_142 = arith.index_cast %min3A_141 : i32 to index
      %get3A_143 = memref.load %arg1[%get3A_142] : memref<256xi32, #tpu.memory_space<smem>>
      %dma_start3A_144 = arith.constant 2 : i32
      %dma_start3A_145 = arith.constant 0 : i32
      %dma_start3A_146 = arith.constant 2 : i32
      %dma_start3A_147 = tpu.memref_slice %arg9[%dma_start3A_145, %rem3A_58, %dma_start3A_146] : memref<2x2x8x!tpu.dma_semaphore, #tpu.memory_space<semaphore_mem>> -> memref<1x1x1x!tpu.dma_semaphore, #tpu.memory_space<semaphore_mem>>
      %dma_start3A_148 = tpu.memref_squeeze %dma_start3A_147 : memref<1x1x1x!tpu.dma_semaphore, #tpu.memory_space<semaphore_mem>> -> memref<!tpu.dma_semaphore, #tpu.memory_space<semaphore_mem>>
      %dma_start3A_149 = arith.constant 0 : i32
      %dma_start3A_150 = arith.constant 0 : i32
      %dma_start3A_151 = tpu.memref_slice %arg6[%rem3A_58, %dma_start3A_144, %dma_start3A_149, %dma_start3A_150] : memref<2x8x1176x128xf32, #tpu.memory_space<vmem>> -> memref<1x1x1176x128xf32, #tpu.memory_space<vmem>>
      %dma_start3A_152 = tpu.memref_squeeze %dma_start3A_151 : memref<1x1x1176x128xf32, #tpu.memory_space<vmem>> -> memref<1176x128xf32, #tpu.memory_space<vmem>>
      %dma_start3A_153 = arith.constant 0 : i32
      %dma_start3A_154 = arith.constant 0 : i32
      %dma_start3A_155 = tpu.memref_slice %arg3[%get3A_143, %dma_start3A_153, %dma_start3A_154] : memref<256x1176x128xf32, #tpu.memory_space<any>> -> memref<1x1176x128xf32, #tpu.memory_space<any>>
      %dma_start3A_156 = tpu.memref_squeeze %dma_start3A_155 : memref<1x1176x128xf32, #tpu.memory_space<any>> -> memref<1176x128xf32, #tpu.memory_space<any>>
      tpu.enqueue_dma source(%dma_start3A_156 : memref<1176x128xf32, #tpu.memory_space<any>>) target(%dma_start3A_152 : memref<1176x128xf32, #tpu.memory_space<vmem>>) target_semaphore(%dma_start3A_148 : memref<!tpu.dma_semaphore, #tpu.memory_space<semaphore_mem>>)
      %dma_start3A_157 = arith.constant 2 : i32
      %dma_start3A_158 = arith.constant 1 : i32
      %dma_start3A_159 = arith.constant 2 : i32
      %dma_start3A_160 = tpu.memref_slice %arg9[%dma_start3A_158, %rem3A_58, %dma_start3A_159] : memref<2x2x8x!tpu.dma_semaphore, #tpu.memory_space<semaphore_mem>> -> memref<1x1x1x!tpu.dma_semaphore, #tpu.memory_space<semaphore_mem>>
      %dma_start3A_161 = tpu.memref_squeeze %dma_start3A_160 : memref<1x1x1x!tpu.dma_semaphore, #tpu.memory_space<semaphore_mem>> -> memref<!tpu.dma_semaphore, #tpu.memory_space<semaphore_mem>>
      %dma_start3A_162 = arith.constant 0 : i32
      %dma_start3A_163 = arith.constant 0 : i32
      %dma_start3A_164 = tpu.memref_slice %arg7[%rem3A_58, %dma_start3A_157, %dma_start3A_162, %dma_start3A_163] : memref<2x8x1176x128xf32, #tpu.memory_space<vmem>> -> memref<1x1x1176x128xf32, #tpu.memory_space<vmem>>
      %dma_start3A_165 = tpu.memref_squeeze %dma_start3A_164 : memref<1x1x1176x128xf32, #tpu.memory_space<vmem>> -> memref<1176x128xf32, #tpu.memory_space<vmem>>
      %dma_start3A_166 = arith.constant 0 : i32
      %dma_start3A_167 = arith.constant 0 : i32
      %dma_start3A_168 = tpu.memref_slice %arg4[%get3A_143, %dma_start3A_166, %dma_start3A_167] : memref<256x1176x128xf32, #tpu.memory_space<any>> -> memref<1x1176x128xf32, #tpu.memory_space<any>>
      %dma_start3A_169 = tpu.memref_squeeze %dma_start3A_168 : memref<1x1176x128xf32, #tpu.memory_space<any>> -> memref<1176x128xf32, #tpu.memory_space<any>>
      tpu.enqueue_dma source(%dma_start3A_169 : memref<1176x128xf32, #tpu.memory_space<any>>) target(%dma_start3A_165 : memref<1176x128xf32, #tpu.memory_space<vmem>>) target_semaphore(%dma_start3A_161 : memref<!tpu.dma_semaphore, #tpu.memory_space<semaphore_mem>>)
      %mul3A_170 = arith.constant 1 : i32
      %mul3A_171 = arith.constant 8 : i32
      %mul3A_172 = arith.muli %mul3A_170, %mul3A_171 : i32
      %add3A_173 = arith.constant 3 : i32
      %add3A_174 = arith.addi %mul3A_172, %add3A_173 : i32
      %sub3A_175 = arith.constant 1 : i32
      %sub3A_176 = arith.subi %get3A_0, %sub3A_175 : i32
      %max3A_177 = arith.constant 0 : i32
      %max3A_178 = arith.maxsi %sub3A_176, %max3A_177 : i32
      %min3A_179 = arith.minsi %add3A_174, %max3A_178 : i32
      %get3A_180 = arith.index_cast %min3A_179 : i32 to index
      %get3A_181 = memref.load %arg1[%get3A_180] : memref<256xi32, #tpu.memory_space<smem>>
      %dma_start3A_182 = arith.constant 3 : i32
      %dma_start3A_183 = arith.constant 0 : i32
      %dma_start3A_184 = arith.constant 3 : i32
      %dma_start3A_185 = tpu.memref_slice %arg9[%dma_start3A_183, %rem3A_58, %dma_start3A_184] : memref<2x2x8x!tpu.dma_semaphore, #tpu.memory_space<semaphore_mem>> -> memref<1x1x1x!tpu.dma_semaphore, #tpu.memory_space<semaphore_mem>>
      %dma_start3A_186 = tpu.memref_squeeze %dma_start3A_185 : memref<1x1x1x!tpu.dma_semaphore, #tpu.memory_space<semaphore_mem>> -> memref<!tpu.dma_semaphore, #tpu.memory_space<semaphore_mem>>
      %dma_start3A_187 = arith.constant 0 : i32
      %dma_start3A_188 = arith.constant 0 : i32
      %dma_start3A_189 = tpu.memref_slice %arg6[%rem3A_58, %dma_start3A_182, %dma_start3A_187, %dma_start3A_188] : memref<2x8x1176x128xf32, #tpu.memory_space<vmem>> -> memref<1x1x1176x128xf32, #tpu.memory_space<vmem>>
      %dma_start3A_190 = tpu.memref_squeeze %dma_start3A_189 : memref<1x1x1176x128xf32, #tpu.memory_space<vmem>> -> memref<1176x128xf32, #tpu.memory_space<vmem>>
      %dma_start3A_191 = arith.constant 0 : i32
      %dma_start3A_192 = arith.constant 0 : i32
      %dma_start3A_193 = tpu.memref_slice %arg3[%get3A_181, %dma_start3A_191, %dma_start3A_192] : memref<256x1176x128xf32, #tpu.memory_space<any>> -> memref<1x1176x128xf32, #tpu.memory_space<any>>
      %dma_start3A_194 = tpu.memref_squeeze %dma_start3A_193 : memref<1x1176x128xf32, #tpu.memory_space<any>> -> memref<1176x128xf32, #tpu.memory_space<any>>
      tpu.enqueue_dma source(%dma_start3A_194 : memref<1176x128xf32, #tpu.memory_space<any>>) target(%dma_start3A_190 : memref<1176x128xf32, #tpu.memory_space<vmem>>) target_semaphore(%dma_start3A_186 : memref<!tpu.dma_semaphore, #tpu.memory_space<semaphore_mem>>)
      %dma_start3A_195 = arith.constant 3 : i32
      %dma_start3A_196 = arith.constant 1 : i32
      %dma_start3A_197 = arith.constant 3 : i32
      %dma_start3A_198 = tpu.memref_slice %arg9[%dma_start3A_196, %rem3A_58, %dma_start3A_197] : memref<2x2x8x!tpu.dma_semaphore, #tpu.memory_space<semaphore_mem>> -> memref<1x1x1x!tpu.dma_semaphore, #tpu.memory_space<semaphore_mem>>
      %dma_start3A_199 = tpu.memref_squeeze %dma_start3A_198 : memref<1x1x1x!tpu.dma_semaphore, #tpu.memory_space<semaphore_mem>> -> memref<!tpu.dma_semaphore, #tpu.memory_space<semaphore_mem>>
      %dma_start3A_200 = arith.constant 0 : i32
      %dma_start3A_201 = arith.constant 0 : i32
      %dma_start3A_202 = tpu.memref_slice %arg7[%rem3A_58, %dma_start3A_195, %dma_start3A_200, %dma_start3A_201] : memref<2x8x1176x128xf32, #tpu.memory_space<vmem>> -> memref<1x1x1176x128xf32, #tpu.memory_space<vmem>>
      %dma_start3A_203 = tpu.memref_squeeze %dma_start3A_202 : memref<1x1x1176x128xf32, #tpu.memory_space<vmem>> -> memref<1176x128xf32, #tpu.memory_space<vmem>>
      %dma_start3A_204 = arith.constant 0 : i32
      %dma_start3A_205 = arith.constant 0 : i32
      %dma_start3A_206 = tpu.memref_slice %arg4[%get3A_181, %dma_start3A_204, %dma_start3A_205] : memref<256x1176x128xf32, #tpu.memory_space<any>> -> memref<1x1176x128xf32, #tpu.memory_space<any>>
      %dma_start3A_207 = tpu.memref_squeeze %dma_start3A_206 : memref<1x1176x128xf32, #tpu.memory_space<any>> -> memref<1176x128xf32, #tpu.memory_space<any>>
      tpu.enqueue_dma source(%dma_start3A_207 : memref<1176x128xf32, #tpu.memory_space<any>>) target(%dma_start3A_203 : memref<1176x128xf32, #tpu.memory_space<vmem>>) target_semaphore(%dma_start3A_199 : memref<!tpu.dma_semaphore, #tpu.memory_space<semaphore_mem>>)
      %mul3A_208 = arith.constant 1 : i32
      %mul3A_209 = arith.constant 8 : i32
      %mul3A_210 = arith.muli %mul3A_208, %mul3A_209 : i32
      %add3A_211 = arith.constant 4 : i32
      %add3A_212 = arith.addi %mul3A_210, %add3A_211 : i32
      %sub3A_213 = arith.constant 1 : i32
      %sub3A_214 = arith.subi %get3A_0, %sub3A_213 : i32
      %max3A_215 = arith.constant 0 : i32
      %max3A_216 = arith.maxsi %sub3A_214, %max3A_215 : i32
      %min3A_217 = arith.minsi %add3A_212, %max3A_216 : i32
      %get3A_218 = arith.index_cast %min3A_217 : i32 to index
      %get3A_219 = memref.load %arg1[%get3A_218] : memref<256xi32, #tpu.memory_space<smem>>
      %dma_start3A_220 = arith.constant 4 : i32
      %dma_start3A_221 = arith.constant 0 : i32
      %dma_start3A_222 = arith.constant 4 : i32
      %dma_start3A_223 = tpu.memref_slice %arg9[%dma_start3A_221, %rem3A_58, %dma_start3A_222] : memref<2x2x8x!tpu.dma_semaphore, #tpu.memory_space<semaphore_mem>> -> memref<1x1x1x!tpu.dma_semaphore, #tpu.memory_space<semaphore_mem>>
      %dma_start3A_224 = tpu.memref_squeeze %dma_start3A_223 : memref<1x1x1x!tpu.dma_semaphore, #tpu.memory_space<semaphore_mem>> -> memref<!tpu.dma_semaphore, #tpu.memory_space<semaphore_mem>>
      %dma_start3A_225 = arith.constant 0 : i32
      %dma_start3A_226 = arith.constant 0 : i32
      %dma_start3A_227 = tpu.memref_slice %arg6[%rem3A_58, %dma_start3A_220, %dma_start3A_225, %dma_start3A_226] : memref<2x8x1176x128xf32, #tpu.memory_space<vmem>> -> memref<1x1x1176x128xf32, #tpu.memory_space<vmem>>
      %dma_start3A_228 = tpu.memref_squeeze %dma_start3A_227 : memref<1x1x1176x128xf32, #tpu.memory_space<vmem>> -> memref<1176x128xf32, #tpu.memory_space<vmem>>
      %dma_start3A_229 = arith.constant 0 : i32
      %dma_start3A_230 = arith.constant 0 : i32
      %dma_start3A_231 = tpu.memref_slice %arg3[%get3A_219, %dma_start3A_229, %dma_start3A_230] : memref<256x1176x128xf32, #tpu.memory_space<any>> -> memref<1x1176x128xf32, #tpu.memory_space<any>>
      %dma_start3A_232 = tpu.memref_squeeze %dma_start3A_231 : memref<1x1176x128xf32, #tpu.memory_space<any>> -> memref<1176x128xf32, #tpu.memory_space<any>>
      tpu.enqueue_dma source(%dma_start3A_232 : memref<1176x128xf32, #tpu.memory_space<any>>) target(%dma_start3A_228 : memref<1176x128xf32, #tpu.memory_space<vmem>>) target_semaphore(%dma_start3A_224 : memref<!tpu.dma_semaphore, #tpu.memory_space<semaphore_mem>>)
      %dma_start3A_233 = arith.constant 4 : i32
      %dma_start3A_234 = arith.constant 1 : i32
      %dma_start3A_235 = arith.constant 4 : i32
      %dma_start3A_236 = tpu.memref_slice %arg9[%dma_start3A_234, %rem3A_58, %dma_start3A_235] : memref<2x2x8x!tpu.dma_semaphore, #tpu.memory_space<semaphore_mem>> -> memref<1x1x1x!tpu.dma_semaphore, #tpu.memory_space<semaphore_mem>>
      %dma_start3A_237 = tpu.memref_squeeze %dma_start3A_236 : memref<1x1x1x!tpu.dma_semaphore, #tpu.memory_space<semaphore_mem>> -> memref<!tpu.dma_semaphore, #tpu.memory_space<semaphore_mem>>
      %dma_start3A_238 = arith.constant 0 : i32
      %dma_start3A_239 = arith.constant 0 : i32
      %dma_start3A_240 = tpu.memref_slice %arg7[%rem3A_58, %dma_start3A_233, %dma_start3A_238, %dma_start3A_239] : memref<2x8x1176x128xf32, #tpu.memory_space<vmem>> -> memref<1x1x1176x128xf32, #tpu.memory_space<vmem>>
      %dma_start3A_241 = tpu.memref_squeeze %dma_start3A_240 : memref<1x1x1176x128xf32, #tpu.memory_space<vmem>> -> memref<1176x128xf32, #tpu.memory_space<vmem>>
      %dma_start3A_242 = arith.constant 0 : i32
      %dma_start3A_243 = arith.constant 0 : i32
      %dma_start3A_244 = tpu.memref_slice %arg4[%get3A_219, %dma_start3A_242, %dma_start3A_243] : memref<256x1176x128xf32, #tpu.memory_space<any>> -> memref<1x1176x128xf32, #tpu.memory_space<any>>
      %dma_start3A_245 = tpu.memref_squeeze %dma_start3A_244 : memref<1x1176x128xf32, #tpu.memory_space<any>> -> memref<1176x128xf32, #tpu.memory_space<any>>
      tpu.enqueue_dma source(%dma_start3A_245 : memref<1176x128xf32, #tpu.memory_space<any>>) target(%dma_start3A_241 : memref<1176x128xf32, #tpu.memory_space<vmem>>) target_semaphore(%dma_start3A_237 : memref<!tpu.dma_semaphore, #tpu.memory_space<semaphore_mem>>)
      %mul3A_246 = arith.constant 1 : i32
      %mul3A_247 = arith.constant 8 : i32
      %mul3A_248 = arith.muli %mul3A_246, %mul3A_247 : i32
      %add3A_249 = arith.constant 5 : i32
      %add3A_250 = arith.addi %mul3A_248, %add3A_249 : i32
      %sub3A_251 = arith.constant 1 : i32
      %sub3A_252 = arith.subi %get3A_0, %sub3A_251 : i32
      %max3A_253 = arith.constant 0 : i32
      %max3A_254 = arith.maxsi %sub3A_252, %max3A_253 : i32
      %min3A_255 = arith.minsi %add3A_250, %max3A_254 : i32
      %get3A_256 = arith.index_cast %min3A_255 : i32 to index
      %get3A_257 = memref.load %arg1[%get3A_256] : memref<256xi32, #tpu.memory_space<smem>>
      %dma_start3A_258 = arith.constant 5 : i32
      %dma_start3A_259 = arith.constant 0 : i32
      %dma_start3A_260 = arith.constant 5 : i32
      %dma_start3A_261 = tpu.memref_slice %arg9[%dma_start3A_259, %rem3A_58, %dma_start3A_260] : memref<2x2x8x!tpu.dma_semaphore, #tpu.memory_space<semaphore_mem>> -> memref<1x1x1x!tpu.dma_semaphore, #tpu.memory_space<semaphore_mem>>
      %dma_start3A_262 = tpu.memref_squeeze %dma_start3A_261 : memref<1x1x1x!tpu.dma_semaphore, #tpu.memory_space<semaphore_mem>> -> memref<!tpu.dma_semaphore, #tpu.memory_space<semaphore_mem>>
      %dma_start3A_263 = arith.constant 0 : i32
      %dma_start3A_264 = arith.constant 0 : i32
      %dma_start3A_265 = tpu.memref_slice %arg6[%rem3A_58, %dma_start3A_258, %dma_start3A_263, %dma_start3A_264] : memref<2x8x1176x128xf32, #tpu.memory_space<vmem>> -> memref<1x1x1176x128xf32, #tpu.memory_space<vmem>>
      %dma_start3A_266 = tpu.memref_squeeze %dma_start3A_265 : memref<1x1x1176x128xf32, #tpu.memory_space<vmem>> -> memref<1176x128xf32, #tpu.memory_space<vmem>>
      %dma_start3A_267 = arith.constant 0 : i32
      %dma_start3A_268 = arith.constant 0 : i32
      %dma_start3A_269 = tpu.memref_slice %arg3[%get3A_257, %dma_start3A_267, %dma_start3A_268] : memref<256x1176x128xf32, #tpu.memory_space<any>> -> memref<1x1176x128xf32, #tpu.memory_space<any>>
      %dma_start3A_270 = tpu.memref_squeeze %dma_start3A_269 : memref<1x1176x128xf32, #tpu.memory_space<any>> -> memref<1176x128xf32, #tpu.memory_space<any>>
      tpu.enqueue_dma source(%dma_start3A_270 : memref<1176x128xf32, #tpu.memory_space<any>>) target(%dma_start3A_266 : memref<1176x128xf32, #tpu.memory_space<vmem>>) target_semaphore(%dma_start3A_262 : memref<!tpu.dma_semaphore, #tpu.memory_space<semaphore_mem>>)
      %dma_start3A_271 = arith.constant 5 : i32
      %dma_start3A_272 = arith.constant 1 : i32
      %dma_start3A_273 = arith.constant 5 : i32
      %dma_start3A_274 = tpu.memref_slice %arg9[%dma_start3A_272, %rem3A_58, %dma_start3A_273] : memref<2x2x8x!tpu.dma_semaphore, #tpu.memory_space<semaphore_mem>> -> memref<1x1x1x!tpu.dma_semaphore, #tpu.memory_space<semaphore_mem>>
      %dma_start3A_275 = tpu.memref_squeeze %dma_start3A_274 : memref<1x1x1x!tpu.dma_semaphore, #tpu.memory_space<semaphore_mem>> -> memref<!tpu.dma_semaphore, #tpu.memory_space<semaphore_mem>>
      %dma_start3A_276 = arith.constant 0 : i32
      %dma_start3A_277 = arith.constant 0 : i32
      %dma_start3A_278 = tpu.memref_slice %arg7[%rem3A_58, %dma_start3A_271, %dma_start3A_276, %dma_start3A_277] : memref<2x8x1176x128xf32, #tpu.memory_space<vmem>> -> memref<1x1x1176x128xf32, #tpu.memory_space<vmem>>
      %dma_start3A_279 = tpu.memref_squeeze %dma_start3A_278 : memref<1x1x1176x128xf32, #tpu.memory_space<vmem>> -> memref<1176x128xf32, #tpu.memory_space<vmem>>
      %dma_start3A_280 = arith.constant 0 : i32
      %dma_start3A_281 = arith.constant 0 : i32
      %dma_start3A_282 = tpu.memref_slice %arg4[%get3A_257, %dma_start3A_280, %dma_start3A_281] : memref<256x1176x128xf32, #tpu.memory_space<any>> -> memref<1x1176x128xf32, #tpu.memory_space<any>>
      %dma_start3A_283 = tpu.memref_squeeze %dma_start3A_282 : memref<1x1176x128xf32, #tpu.memory_space<any>> -> memref<1176x128xf32, #tpu.memory_space<any>>
      tpu.enqueue_dma source(%dma_start3A_283 : memref<1176x128xf32, #tpu.memory_space<any>>) target(%dma_start3A_279 : memref<1176x128xf32, #tpu.memory_space<vmem>>) target_semaphore(%dma_start3A_275 : memref<!tpu.dma_semaphore, #tpu.memory_space<semaphore_mem>>)
      %mul3A_284 = arith.constant 1 : i32
      %mul3A_285 = arith.constant 8 : i32
      %mul3A_286 = arith.muli %mul3A_284, %mul3A_285 : i32
      %add3A_287 = arith.constant 6 : i32
      %add3A_288 = arith.addi %mul3A_286, %add3A_287 : i32
      %sub3A_289 = arith.constant 1 : i32
      %sub3A_290 = arith.subi %get3A_0, %sub3A_289 : i32
      %max3A_291 = arith.constant 0 : i32
      %max3A_292 = arith.maxsi %sub3A_290, %max3A_291 : i32
      %min3A_293 = arith.minsi %add3A_288, %max3A_292 : i32
      %get3A_294 = arith.index_cast %min3A_293 : i32 to index
      %get3A_295 = memref.load %arg1[%get3A_294] : memref<256xi32, #tpu.memory_space<smem>>
      %dma_start3A_296 = arith.constant 6 : i32
      %dma_start3A_297 = arith.constant 0 : i32
      %dma_start3A_298 = arith.constant 6 : i32
      %dma_start3A_299 = tpu.memref_slice %arg9[%dma_start3A_297, %rem3A_58, %dma_start3A_298] : memref<2x2x8x!tpu.dma_semaphore, #tpu.memory_space<semaphore_mem>> -> memref<1x1x1x!tpu.dma_semaphore, #tpu.memory_space<semaphore_mem>>
      %dma_start3A_300 = tpu.memref_squeeze %dma_start3A_299 : memref<1x1x1x!tpu.dma_semaphore, #tpu.memory_space<semaphore_mem>> -> memref<!tpu.dma_semaphore, #tpu.memory_space<semaphore_mem>>
      %dma_start3A_301 = arith.constant 0 : i32
      %dma_start3A_302 = arith.constant 0 : i32
      %dma_start3A_303 = tpu.memref_slice %arg6[%rem3A_58, %dma_start3A_296, %dma_start3A_301, %dma_start3A_302] : memref<2x8x1176x128xf32, #tpu.memory_space<vmem>> -> memref<1x1x1176x128xf32, #tpu.memory_space<vmem>>
      %dma_start3A_304 = tpu.memref_squeeze %dma_start3A_303 : memref<1x1x1176x128xf32, #tpu.memory_space<vmem>> -> memref<1176x128xf32, #tpu.memory_space<vmem>>
      %dma_start3A_305 = arith.constant 0 : i32
      %dma_start3A_306 = arith.constant 0 : i32
      %dma_start3A_307 = tpu.memref_slice %arg3[%get3A_295, %dma_start3A_305, %dma_start3A_306] : memref<256x1176x128xf32, #tpu.memory_space<any>> -> memref<1x1176x128xf32, #tpu.memory_space<any>>
      %dma_start3A_308 = tpu.memref_squeeze %dma_start3A_307 : memref<1x1176x128xf32, #tpu.memory_space<any>> -> memref<1176x128xf32, #tpu.memory_space<any>>
      tpu.enqueue_dma source(%dma_start3A_308 : memref<1176x128xf32, #tpu.memory_space<any>>) target(%dma_start3A_304 : memref<1176x128xf32, #tpu.memory_space<vmem>>) target_semaphore(%dma_start3A_300 : memref<!tpu.dma_semaphore, #tpu.memory_space<semaphore_mem>>)
      %dma_start3A_309 = arith.constant 6 : i32
      %dma_start3A_310 = arith.constant 1 : i32
      %dma_start3A_311 = arith.constant 6 : i32
      %dma_start3A_312 = tpu.memref_slice %arg9[%dma_start3A_310, %rem3A_58, %dma_start3A_311] : memref<2x2x8x!tpu.dma_semaphore, #tpu.memory_space<semaphore_mem>> -> memref<1x1x1x!tpu.dma_semaphore, #tpu.memory_space<semaphore_mem>>
      %dma_start3A_313 = tpu.memref_squeeze %dma_start3A_312 : memref<1x1x1x!tpu.dma_semaphore, #tpu.memory_space<semaphore_mem>> -> memref<!tpu.dma_semaphore, #tpu.memory_space<semaphore_mem>>
      %dma_start3A_314 = arith.constant 0 : i32
      %dma_start3A_315 = arith.constant 0 : i32
      %dma_start3A_316 = tpu.memref_slice %arg7[%rem3A_58, %dma_start3A_309, %dma_start3A_314, %dma_start3A_315] : memref<2x8x1176x128xf32, #tpu.memory_space<vmem>> -> memref<1x1x1176x128xf32, #tpu.memory_space<vmem>>
      %dma_start3A_317 = tpu.memref_squeeze %dma_start3A_316 : memref<1x1x1176x128xf32, #tpu.memory_space<vmem>> -> memref<1176x128xf32, #tpu.memory_space<vmem>>
      %dma_start3A_318 = arith.constant 0 : i32
      %dma_start3A_319 = arith.constant 0 : i32
      %dma_start3A_320 = tpu.memref_slice %arg4[%get3A_295, %dma_start3A_318, %dma_start3A_319] : memref<256x1176x128xf32, #tpu.memory_space<any>> -> memref<1x1176x128xf32, #tpu.memory_space<any>>
      %dma_start3A_321 = tpu.memref_squeeze %dma_start3A_320 : memref<1x1176x128xf32, #tpu.memory_space<any>> -> memref<1176x128xf32, #tpu.memory_space<any>>
      tpu.enqueue_dma source(%dma_start3A_321 : memref<1176x128xf32, #tpu.memory_space<any>>) target(%dma_start3A_317 : memref<1176x128xf32, #tpu.memory_space<vmem>>) target_semaphore(%dma_start3A_313 : memref<!tpu.dma_semaphore, #tpu.memory_space<semaphore_mem>>)
      %mul3A_322 = arith.constant 1 : i32
      %mul3A_323 = arith.constant 8 : i32
      %mul3A_324 = arith.muli %mul3A_322, %mul3A_323 : i32
      %add3A_325 = arith.constant 7 : i32
      %add3A_326 = arith.addi %mul3A_324, %add3A_325 : i32
      %sub3A_327 = arith.constant 1 : i32
      %sub3A_328 = arith.subi %get3A_0, %sub3A_327 : i32
      %max3A_329 = arith.constant 0 : i32
      %max3A_330 = arith.maxsi %sub3A_328, %max3A_329 : i32
      %min3A_331 = arith.minsi %add3A_326, %max3A_330 : i32
      %get3A_332 = arith.index_cast %min3A_331 : i32 to index
      %get3A_333 = memref.load %arg1[%get3A_332] : memref<256xi32, #tpu.memory_space<smem>>
      %dma_start3A_334 = arith.constant 7 : i32
      %dma_start3A_335 = arith.constant 0 : i32
      %dma_start3A_336 = arith.constant 7 : i32
      %dma_start3A_337 = tpu.memref_slice %arg9[%dma_start3A_335, %rem3A_58, %dma_start3A_336] : memref<2x2x8x!tpu.dma_semaphore, #tpu.memory_space<semaphore_mem>> -> memref<1x1x1x!tpu.dma_semaphore, #tpu.memory_space<semaphore_mem>>
      %dma_start3A_338 = tpu.memref_squeeze %dma_start3A_337 : memref<1x1x1x!tpu.dma_semaphore, #tpu.memory_space<semaphore_mem>> -> memref<!tpu.dma_semaphore, #tpu.memory_space<semaphore_mem>>
      %dma_start3A_339 = arith.constant 0 : i32
      %dma_start3A_340 = arith.constant 0 : i32
      %dma_start3A_341 = tpu.memref_slice %arg6[%rem3A_58, %dma_start3A_334, %dma_start3A_339, %dma_start3A_340] : memref<2x8x1176x128xf32, #tpu.memory_space<vmem>> -> memref<1x1x1176x128xf32, #tpu.memory_space<vmem>>
      %dma_start3A_342 = tpu.memref_squeeze %dma_start3A_341 : memref<1x1x1176x128xf32, #tpu.memory_space<vmem>> -> memref<1176x128xf32, #tpu.memory_space<vmem>>
      %dma_start3A_343 = arith.constant 0 : i32
      %dma_start3A_344 = arith.constant 0 : i32
      %dma_start3A_345 = tpu.memref_slice %arg3[%get3A_333, %dma_start3A_343, %dma_start3A_344] : memref<256x1176x128xf32, #tpu.memory_space<any>> -> memref<1x1176x128xf32, #tpu.memory_space<any>>
      %dma_start3A_346 = tpu.memref_squeeze %dma_start3A_345 : memref<1x1176x128xf32, #tpu.memory_space<any>> -> memref<1176x128xf32, #tpu.memory_space<any>>
      tpu.enqueue_dma source(%dma_start3A_346 : memref<1176x128xf32, #tpu.memory_space<any>>) target(%dma_start3A_342 : memref<1176x128xf32, #tpu.memory_space<vmem>>) target_semaphore(%dma_start3A_338 : memref<!tpu.dma_semaphore, #tpu.memory_space<semaphore_mem>>)
      %dma_start3A_347 = arith.constant 7 : i32
      %dma_start3A_348 = arith.constant 1 : i32
      %dma_start3A_349 = arith.constant 7 : i32
      %dma_start3A_350 = tpu.memref_slice %arg9[%dma_start3A_348, %rem3A_58, %dma_start3A_349] : memref<2x2x8x!tpu.dma_semaphore, #tpu.memory_space<semaphore_mem>> -> memref<1x1x1x!tpu.dma_semaphore, #tpu.memory_space<semaphore_mem>>
      %dma_start3A_351 = tpu.memref_squeeze %dma_start3A_350 : memref<1x1x1x!tpu.dma_semaphore, #tpu.memory_space<semaphore_mem>> -> memref<!tpu.dma_semaphore, #tpu.memory_space<semaphore_mem>>
      %dma_start3A_352 = arith.constant 0 : i32
      %dma_start3A_353 = arith.constant 0 : i32
      %dma_start3A_354 = tpu.memref_slice %arg7[%rem3A_58, %dma_start3A_347, %dma_start3A_352, %dma_start3A_353] : memref<2x8x1176x128xf32, #tpu.memory_space<vmem>> -> memref<1x1x1176x128xf32, #tpu.memory_space<vmem>>
      %dma_start3A_355 = tpu.memref_squeeze %dma_start3A_354 : memref<1x1x1176x128xf32, #tpu.memory_space<vmem>> -> memref<1176x128xf32, #tpu.memory_space<vmem>>
      %dma_start3A_356 = arith.constant 0 : i32
      %dma_start3A_357 = arith.constant 0 : i32
      %dma_start3A_358 = tpu.memref_slice %arg4[%get3A_333, %dma_start3A_356, %dma_start3A_357] : memref<256x1176x128xf32, #tpu.memory_space<any>> -> memref<1x1176x128xf32, #tpu.memory_space<any>>
      %dma_start3A_359 = tpu.memref_squeeze %dma_start3A_358 : memref<1x1176x128xf32, #tpu.memory_space<any>> -> memref<1176x128xf32, #tpu.memory_space<any>>
      tpu.enqueue_dma source(%dma_start3A_359 : memref<1176x128xf32, #tpu.memory_space<any>>) target(%dma_start3A_355 : memref<1176x128xf32, #tpu.memory_space<vmem>>) target_semaphore(%dma_start3A_351 : memref<!tpu.dma_semaphore, #tpu.memory_space<semaphore_mem>>)
    } else {
    }
    %broadcast_in_dim3A = arith.constant 0.000000e+00 : f32
    %broadcast_in_dim3A_27 = vector.broadcast %broadcast_in_dim3A : f32 to vector<8x128xf32>
    %swap3A = arith.constant 0 : index
    %swap3A_28 = arith.constant 0 : index
    %swap3A_29 = vector.load %arg8[%swap3A, %swap3A_28] : memref<8x128xf32, #tpu.memory_space<vmem>>, vector<8x128xf32>
    tpu.vector_store %arg8[%swap3A, %swap3A_28], %broadcast_in_dim3A_27 {strides = array<i32>} : memref<8x128xf32, #tpu.memory_space<vmem>>, vector<8x128xf32>,
    %while3A = arith.constant 0 : i32
    %while3A_30 = arith.constant 0 : i32
    %while3A_31 = arith.subi %select_n3A, %while3A_30 : i32
    %while3A_32 = arith.addi %while3A_30, %while3A_31 : i32
    %while3A_33 = arith.constant 1 : i32
    %while3A_34 = arith.divsi %while3A_31, %while3A_33 : i32
    %while3A_35 = arith.muli %while3A_34, %while3A_33 : i32
    %while3A_36 = arith.addi %while3A_30, %while3A_35 : i32
    %while3A_37 = arith.constant 1 : i32
    scf.for %while3A_56 = %while3A_30 to %while3A_36 step %while3A_37  : i32 {
      %rem3A_57 = arith.constant 2 : i32
      %rem3A_58 = arith.remsi %while3A_56, %rem3A_57 : i32
      %mul3A_59 = arith.constant 8 : i32
      %mul3A_60 = arith.muli %while3A_56, %mul3A_59 : i32
      %add3A_61 = arith.constant 0 : i32
      %add3A_62 = arith.addi %mul3A_60, %add3A_61 : i32
      %sub3A_63 = arith.constant 1 : i32
      %sub3A_64 = arith.subi %get3A_0, %sub3A_63 : i32
      %max3A = arith.constant 0 : i32
      %max3A_65 = arith.maxsi %sub3A_64, %max3A : i32
      %min3A = arith.minsi %add3A_62, %max3A_65 : i32
      %get3A_66 = arith.index_cast %min3A : i32 to index
      %get3A_67 = memref.load %arg1[%get3A_66] : memref<256xi32, #tpu.memory_space<smem>>
      %dma_wait3A = arith.constant 0 : i32
      %dma_wait3A_68 = arith.constant 0 : i32
      %dma_wait3A_69 = arith.constant 0 : i32
      %dma_wait3A_70 = tpu.memref_slice %arg9[%dma_wait3A_68, %rem3A_58, %dma_wait3A_69] : memref<2x2x8x!tpu.dma_semaphore, #tpu.memory_space<semaphore_mem>> -> memref<1x1x1x!tpu.dma_semaphore, #tpu.memory_space<semaphore_mem>>
      %dma_wait3A_71 = tpu.memref_squeeze %dma_wait3A_70 : memref<1x1x1x!tpu.dma_semaphore, #tpu.memory_space<semaphore_mem>> -> memref<!tpu.dma_semaphore, #tpu.memory_space<semaphore_mem>>
      %dma_wait3A_72 = arith.constant 0 : i32
      %dma_wait3A_73 = arith.constant 0 : i32
      %dma_wait3A_74 = tpu.memref_slice %arg6[%rem3A_58, %dma_wait3A, %dma_wait3A_72, %dma_wait3A_73] : memref<2x8x1176x128xf32, #tpu.memory_space<vmem>> -> memref<1x1x1176x128xf32, #tpu.memory_space<vmem>>
      %dma_wait3A_75 = tpu.memref_squeeze %dma_wait3A_74 : memref<1x1x1176x128xf32, #tpu.memory_space<vmem>> -> memref<1176x128xf32, #tpu.memory_space<vmem>>
      %dma_wait3A_76 = arith.constant 0 : i32
      %dma_wait3A_77 = arith.constant 0 : i32
      %dma_wait3A_78 = tpu.memref_slice %arg3[%get3A_67, %dma_wait3A_76, %dma_wait3A_77] : memref<256x1176x128xf32, #tpu.memory_space<any>> -> memref<1x1176x128xf32, #tpu.memory_space<any>>
      %dma_wait3A_79 = tpu.memref_squeeze %dma_wait3A_78 : memref<1x1176x128xf32, #tpu.memory_space<any>> -> memref<1176x128xf32, #tpu.memory_space<any>>
      tpu.wait_dma2 semaphore(%dma_wait3A_71 : memref<!tpu.dma_semaphore, #tpu.memory_space<semaphore_mem>>) src(%dma_wait3A_79 : memref<1176x128xf32, #tpu.memory_space<any>>) dst(%dma_wait3A_75 : memref<1176x128xf32, #tpu.memory_space<vmem>>)
      %dma_wait3A_80 = arith.constant 0 : i32
      %dma_wait3A_81 = arith.constant 1 : i32
      %dma_wait3A_82 = arith.constant 0 : i32
      %dma_wait3A_83 = tpu.memref_slice %arg9[%dma_wait3A_81, %rem3A_58, %dma_wait3A_82] : memref<2x2x8x!tpu.dma_semaphore, #tpu.memory_space<semaphore_mem>> -> memref<1x1x1x!tpu.dma_semaphore, #tpu.memory_space<semaphore_mem>>
      %dma_wait3A_84 = tpu.memref_squeeze %dma_wait3A_83 : memref<1x1x1x!tpu.dma_semaphore, #tpu.memory_space<semaphore_mem>> -> memref<!tpu.dma_semaphore, #tpu.memory_space<semaphore_mem>>
      %dma_wait3A_85 = arith.constant 0 : i32
      %dma_wait3A_86 = arith.constant 0 : i32
      %dma_wait3A_87 = tpu.memref_slice %arg7[%rem3A_58, %dma_wait3A_80, %dma_wait3A_85, %dma_wait3A_86] : memref<2x8x1176x128xf32, #tpu.memory_space<vmem>> -> memref<1x1x1176x128xf32, #tpu.memory_space<vmem>>
      %dma_wait3A_88 = tpu.memref_squeeze %dma_wait3A_87 : memref<1x1x1176x128xf32, #tpu.memory_space<vmem>> -> memref<1176x128xf32, #tpu.memory_space<vmem>>
      %dma_wait3A_89 = arith.constant 0 : i32
      %dma_wait3A_90 = arith.constant 0 : i32
      %dma_wait3A_91 = tpu.memref_slice %arg4[%get3A_67, %dma_wait3A_89, %dma_wait3A_90] : memref<256x1176x128xf32, #tpu.memory_space<any>> -> memref<1x1176x128xf32, #tpu.memory_space<any>>
      %dma_wait3A_92 = tpu.memref_squeeze %dma_wait3A_91 : memref<1x1176x128xf32, #tpu.memory_space<any>> -> memref<1176x128xf32, #tpu.memory_space<any>>
      tpu.wait_dma2 semaphore(%dma_wait3A_84 : memref<!tpu.dma_semaphore, #tpu.memory_space<semaphore_mem>>) src(%dma_wait3A_92 : memref<1176x128xf32, #tpu.memory_space<any>>) dst(%dma_wait3A_88 : memref<1176x128xf32, #tpu.memory_space<vmem>>)
      %mul3A_93 = arith.constant 8 : i32
      %mul3A_94 = arith.muli %while3A_56, %mul3A_93 : i32
      %add3A_95 = arith.constant 1 : i32
      %add3A_96 = arith.addi %mul3A_94, %add3A_95 : i32
      %sub3A_97 = arith.constant 1 : i32
      %sub3A_98 = arith.subi %get3A_0, %sub3A_97 : i32
      %max3A_99 = arith.constant 0 : i32
      %max3A_100 = arith.maxsi %sub3A_98, %max3A_99 : i32
      %min3A_101 = arith.minsi %add3A_96, %max3A_100 : i32
      %get3A_102 = arith.index_cast %min3A_101 : i32 to index
      %get3A_103 = memref.load %arg1[%get3A_102] : memref<256xi32, #tpu.memory_space<smem>>
      %dma_wait3A_104 = arith.constant 1 : i32
      %dma_wait3A_105 = arith.constant 0 : i32
      %dma_wait3A_106 = arith.constant 1 : i32
      %dma_wait3A_107 = tpu.memref_slice %arg9[%dma_wait3A_105, %rem3A_58, %dma_wait3A_106] : memref<2x2x8x!tpu.dma_semaphore, #tpu.memory_space<semaphore_mem>> -> memref<1x1x1x!tpu.dma_semaphore, #tpu.memory_space<semaphore_mem>>
      %dma_wait3A_108 = tpu.memref_squeeze %dma_wait3A_107 : memref<1x1x1x!tpu.dma_semaphore, #tpu.memory_space<semaphore_mem>> -> memref<!tpu.dma_semaphore, #tpu.memory_space<semaphore_mem>>
      %dma_wait3A_109 = arith.constant 0 : i32
      %dma_wait3A_110 = arith.constant 0 : i32
      %dma_wait3A_111 = tpu.memref_slice %arg6[%rem3A_58, %dma_wait3A_104, %dma_wait3A_109, %dma_wait3A_110] : memref<2x8x1176x128xf32, #tpu.memory_space<vmem>> -> memref<1x1x1176x128xf32, #tpu.memory_space<vmem>>
      %dma_wait3A_112 = tpu.memref_squeeze %dma_wait3A_111 : memref<1x1x1176x128xf32, #tpu.memory_space<vmem>> -> memref<1176x128xf32, #tpu.memory_space<vmem>>
      %dma_wait3A_113 = arith.constant 0 : i32
      %dma_wait3A_114 = arith.constant 0 : i32
      %dma_wait3A_115 = tpu.memref_slice %arg3[%get3A_103, %dma_wait3A_113, %dma_wait3A_114] : memref<256x1176x128xf32, #tpu.memory_space<any>> -> memref<1x1176x128xf32, #tpu.memory_space<any>>
      %dma_wait3A_116 = tpu.memref_squeeze %dma_wait3A_115 : memref<1x1176x128xf32, #tpu.memory_space<any>> -> memref<1176x128xf32, #tpu.memory_space<any>>
      tpu.wait_dma2 semaphore(%dma_wait3A_108 : memref<!tpu.dma_semaphore, #tpu.memory_space<semaphore_mem>>) src(%dma_wait3A_116 : memref<1176x128xf32, #tpu.memory_space<any>>) dst(%dma_wait3A_112 : memref<1176x128xf32, #tpu.memory_space<vmem>>)
      %dma_wait3A_117 = arith.constant 1 : i32
      %dma_wait3A_118 = arith.constant 1 : i32
      %dma_wait3A_119 = arith.constant 1 : i32
      %dma_wait3A_120 = tpu.memref_slice %arg9[%dma_wait3A_118, %rem3A_58, %dma_wait3A_119] : memref<2x2x8x!tpu.dma_semaphore, #tpu.memory_space<semaphore_mem>> -> memref<1x1x1x!tpu.dma_semaphore, #tpu.memory_space<semaphore_mem>>
      %dma_wait3A_121 = tpu.memref_squeeze %dma_wait3A_120 : memref<1x1x1x!tpu.dma_semaphore, #tpu.memory_space<semaphore_mem>> -> memref<!tpu.dma_semaphore, #tpu.memory_space<semaphore_mem>>
      %dma_wait3A_122 = arith.constant 0 : i32
      %dma_wait3A_123 = arith.constant 0 : i32
      %dma_wait3A_124 = tpu.memref_slice %arg7[%rem3A_58, %dma_wait3A_117, %dma_wait3A_122, %dma_wait3A_123] : memref<2x8x1176x128xf32, #tpu.memory_space<vmem>> -> memref<1x1x1176x128xf32, #tpu.memory_space<vmem>>
      %dma_wait3A_125 = tpu.memref_squeeze %dma_wait3A_124 : memref<1x1x1176x128xf32, #tpu.memory_space<vmem>> -> memref<1176x128xf32, #tpu.memory_space<vmem>>
      %dma_wait3A_126 = arith.constant 0 : i32
      %dma_wait3A_127 = arith.constant 0 : i32
      %dma_wait3A_128 = tpu.memref_slice %arg4[%get3A_103, %dma_wait3A_126, %dma_wait3A_127] : memref<256x1176x128xf32, #tpu.memory_space<any>> -> memref<1x1176x128xf32, #tpu.memory_space<any>>
      %dma_wait3A_129 = tpu.memref_squeeze %dma_wait3A_128 : memref<1x1176x128xf32, #tpu.memory_space<any>> -> memref<1176x128xf32, #tpu.memory_space<any>>
      tpu.wait_dma2 semaphore(%dma_wait3A_121 : memref<!tpu.dma_semaphore, #tpu.memory_space<semaphore_mem>>) src(%dma_wait3A_129 : memref<1176x128xf32, #tpu.memory_space<any>>) dst(%dma_wait3A_125 : memref<1176x128xf32, #tpu.memory_space<vmem>>)
      %mul3A_130 = arith.constant 8 : i32
      %mul3A_131 = arith.muli %while3A_56, %mul3A_130 : i32
      %add3A_132 = arith.constant 2 : i32
      %add3A_133 = arith.addi %mul3A_131, %add3A_132 : i32
      %sub3A_134 = arith.constant 1 : i32
      %sub3A_135 = arith.subi %get3A_0, %sub3A_134 : i32
      %max3A_136 = arith.constant 0 : i32
      %max3A_137 = arith.maxsi %sub3A_135, %max3A_136 : i32
      %min3A_138 = arith.minsi %add3A_133, %max3A_137 : i32
      %get3A_139 = arith.index_cast %min3A_138 : i32 to index
      %get3A_140 = memref.load %arg1[%get3A_139] : memref<256xi32, #tpu.memory_space<smem>>
      %dma_wait3A_141 = arith.constant 2 : i32
      %dma_wait3A_142 = arith.constant 0 : i32
      %dma_wait3A_143 = arith.constant 2 : i32
      %dma_wait3A_144 = tpu.memref_slice %arg9[%dma_wait3A_142, %rem3A_58, %dma_wait3A_143] : memref<2x2x8x!tpu.dma_semaphore, #tpu.memory_space<semaphore_mem>> -> memref<1x1x1x!tpu.dma_semaphore, #tpu.memory_space<semaphore_mem>>
      %dma_wait3A_145 = tpu.memref_squeeze %dma_wait3A_144 : memref<1x1x1x!tpu.dma_semaphore, #tpu.memory_space<semaphore_mem>> -> memref<!tpu.dma_semaphore, #tpu.memory_space<semaphore_mem>>
      %dma_wait3A_146 = arith.constant 0 : i32
      %dma_wait3A_147 = arith.constant 0 : i32
      %dma_wait3A_148 = tpu.memref_slice %arg6[%rem3A_58, %dma_wait3A_141, %dma_wait3A_146, %dma_wait3A_147] : memref<2x8x1176x128xf32, #tpu.memory_space<vmem>> -> memref<1x1x1176x128xf32, #tpu.memory_space<vmem>>
      %dma_wait3A_149 = tpu.memref_squeeze %dma_wait3A_148 : memref<1x1x1176x128xf32, #tpu.memory_space<vmem>> -> memref<1176x128xf32, #tpu.memory_space<vmem>>
      %dma_wait3A_150 = arith.constant 0 : i32
      %dma_wait3A_151 = arith.constant 0 : i32
      %dma_wait3A_152 = tpu.memref_slice %arg3[%get3A_140, %dma_wait3A_150, %dma_wait3A_151] : memref<256x1176x128xf32, #tpu.memory_space<any>> -> memref<1x1176x128xf32, #tpu.memory_space<any>>
      %dma_wait3A_153 = tpu.memref_squeeze %dma_wait3A_152 : memref<1x1176x128xf32, #tpu.memory_space<any>> -> memref<1176x128xf32, #tpu.memory_space<any>>
      tpu.wait_dma2 semaphore(%dma_wait3A_145 : memref<!tpu.dma_semaphore, #tpu.memory_space<semaphore_mem>>) src(%dma_wait3A_153 : memref<1176x128xf32, #tpu.memory_space<any>>) dst(%dma_wait3A_149 : memref<1176x128xf32, #tpu.memory_space<vmem>>)
      %dma_wait3A_154 = arith.constant 2 : i32
      %dma_wait3A_155 = arith.constant 1 : i32
      %dma_wait3A_156 = arith.constant 2 : i32
      %dma_wait3A_157 = tpu.memref_slice %arg9[%dma_wait3A_155, %rem3A_58, %dma_wait3A_156] : memref<2x2x8x!tpu.dma_semaphore, #tpu.memory_space<semaphore_mem>> -> memref<1x1x1x!tpu.dma_semaphore, #tpu.memory_space<semaphore_mem>>
      %dma_wait3A_158 = tpu.memref_squeeze %dma_wait3A_157 : memref<1x1x1x!tpu.dma_semaphore, #tpu.memory_space<semaphore_mem>> -> memref<!tpu.dma_semaphore, #tpu.memory_space<semaphore_mem>>
      %dma_wait3A_159 = arith.constant 0 : i32
      %dma_wait3A_160 = arith.constant 0 : i32
      %dma_wait3A_161 = tpu.memref_slice %arg7[%rem3A_58, %dma_wait3A_154, %dma_wait3A_159, %dma_wait3A_160] : memref<2x8x1176x128xf32, #tpu.memory_space<vmem>> -> memref<1x1x1176x128xf32, #tpu.memory_space<vmem>>
      %dma_wait3A_162 = tpu.memref_squeeze %dma_wait3A_161 : memref<1x1x1176x128xf32, #tpu.memory_space<vmem>> -> memref<1176x128xf32, #tpu.memory_space<vmem>>
      %dma_wait3A_163 = arith.constant 0 : i32
      %dma_wait3A_164 = arith.constant 0 : i32
      %dma_wait3A_165 = tpu.memref_slice %arg4[%get3A_140, %dma_wait3A_163, %dma_wait3A_164] : memref<256x1176x128xf32, #tpu.memory_space<any>> -> memref<1x1176x128xf32, #tpu.memory_space<any>>
      %dma_wait3A_166 = tpu.memref_squeeze %dma_wait3A_165 : memref<1x1176x128xf32, #tpu.memory_space<any>> -> memref<1176x128xf32, #tpu.memory_space<any>>
      tpu.wait_dma2 semaphore(%dma_wait3A_158 : memref<!tpu.dma_semaphore, #tpu.memory_space<semaphore_mem>>) src(%dma_wait3A_166 : memref<1176x128xf32, #tpu.memory_space<any>>) dst(%dma_wait3A_162 : memref<1176x128xf32, #tpu.memory_space<vmem>>)
      %mul3A_167 = arith.constant 8 : i32
      %mul3A_168 = arith.muli %while3A_56, %mul3A_167 : i32
      %add3A_169 = arith.constant 3 : i32
      %add3A_170 = arith.addi %mul3A_168, %add3A_169 : i32
      %sub3A_171 = arith.constant 1 : i32
      %sub3A_172 = arith.subi %get3A_0, %sub3A_171 : i32
      %max3A_173 = arith.constant 0 : i32
      %max3A_174 = arith.maxsi %sub3A_172, %max3A_173 : i32
      %min3A_175 = arith.minsi %add3A_170, %max3A_174 : i32
      %get3A_176 = arith.index_cast %min3A_175 : i32 to index
      %get3A_177 = memref.load %arg1[%get3A_176] : memref<256xi32, #tpu.memory_space<smem>>
      %dma_wait3A_178 = arith.constant 3 : i32
      %dma_wait3A_179 = arith.constant 0 : i32
      %dma_wait3A_180 = arith.constant 3 : i32
      %dma_wait3A_181 = tpu.memref_slice %arg9[%dma_wait3A_179, %rem3A_58, %dma_wait3A_180] : memref<2x2x8x!tpu.dma_semaphore, #tpu.memory_space<semaphore_mem>> -> memref<1x1x1x!tpu.dma_semaphore, #tpu.memory_space<semaphore_mem>>
      %dma_wait3A_182 = tpu.memref_squeeze %dma_wait3A_181 : memref<1x1x1x!tpu.dma_semaphore, #tpu.memory_space<semaphore_mem>> -> memref<!tpu.dma_semaphore, #tpu.memory_space<semaphore_mem>>
      %dma_wait3A_183 = arith.constant 0 : i32
      %dma_wait3A_184 = arith.constant 0 : i32
      %dma_wait3A_185 = tpu.memref_slice %arg6[%rem3A_58, %dma_wait3A_178, %dma_wait3A_183, %dma_wait3A_184] : memref<2x8x1176x128xf32, #tpu.memory_space<vmem>> -> memref<1x1x1176x128xf32, #tpu.memory_space<vmem>>
      %dma_wait3A_186 = tpu.memref_squeeze %dma_wait3A_185 : memref<1x1x1176x128xf32, #tpu.memory_space<vmem>> -> memref<1176x128xf32, #tpu.memory_space<vmem>>
      %dma_wait3A_187 = arith.constant 0 : i32
      %dma_wait3A_188 = arith.constant 0 : i32
      %dma_wait3A_189 = tpu.memref_slice %arg3[%get3A_177, %dma_wait3A_187, %dma_wait3A_188] : memref<256x1176x128xf32, #tpu.memory_space<any>> -> memref<1x1176x128xf32, #tpu.memory_space<any>>
      %dma_wait3A_190 = tpu.memref_squeeze %dma_wait3A_189 : memref<1x1176x128xf32, #tpu.memory_space<any>> -> memref<1176x128xf32, #tpu.memory_space<any>>
      tpu.wait_dma2 semaphore(%dma_wait3A_182 : memref<!tpu.dma_semaphore, #tpu.memory_space<semaphore_mem>>) src(%dma_wait3A_190 : memref<1176x128xf32, #tpu.memory_space<any>>) dst(%dma_wait3A_186 : memref<1176x128xf32, #tpu.memory_space<vmem>>)
      %dma_wait3A_191 = arith.constant 3 : i32
      %dma_wait3A_192 = arith.constant 1 : i32
      %dma_wait3A_193 = arith.constant 3 : i32
      %dma_wait3A_194 = tpu.memref_slice %arg9[%dma_wait3A_192, %rem3A_58, %dma_wait3A_193] : memref<2x2x8x!tpu.dma_semaphore, #tpu.memory_space<semaphore_mem>> -> memref<1x1x1x!tpu.dma_semaphore, #tpu.memory_space<semaphore_mem>>
      %dma_wait3A_195 = tpu.memref_squeeze %dma_wait3A_194 : memref<1x1x1x!tpu.dma_semaphore, #tpu.memory_space<semaphore_mem>> -> memref<!tpu.dma_semaphore, #tpu.memory_space<semaphore_mem>>
      %dma_wait3A_196 = arith.constant 0 : i32
      %dma_wait3A_197 = arith.constant 0 : i32
      %dma_wait3A_198 = tpu.memref_slice %arg7[%rem3A_58, %dma_wait3A_191, %dma_wait3A_196, %dma_wait3A_197] : memref<2x8x1176x128xf32, #tpu.memory_space<vmem>> -> memref<1x1x1176x128xf32, #tpu.memory_space<vmem>>
      %dma_wait3A_199 = tpu.memref_squeeze %dma_wait3A_198 : memref<1x1x1176x128xf32, #tpu.memory_space<vmem>> -> memref<1176x128xf32, #tpu.memory_space<vmem>>
      %dma_wait3A_200 = arith.constant 0 : i32
      %dma_wait3A_201 = arith.constant 0 : i32
      %dma_wait3A_202 = tpu.memref_slice %arg4[%get3A_177, %dma_wait3A_200, %dma_wait3A_201] : memref<256x1176x128xf32, #tpu.memory_space<any>> -> memref<1x1176x128xf32, #tpu.memory_space<any>>
      %dma_wait3A_203 = tpu.memref_squeeze %dma_wait3A_202 : memref<1x1176x128xf32, #tpu.memory_space<any>> -> memref<1176x128xf32, #tpu.memory_space<any>>
      tpu.wait_dma2 semaphore(%dma_wait3A_195 : memref<!tpu.dma_semaphore, #tpu.memory_space<semaphore_mem>>) src(%dma_wait3A_203 : memref<1176x128xf32, #tpu.memory_space<any>>) dst(%dma_wait3A_199 : memref<1176x128xf32, #tpu.memory_space<vmem>>)
      %mul3A_204 = arith.constant 8 : i32
      %mul3A_205 = arith.muli %while3A_56, %mul3A_204 : i32
      %add3A_206 = arith.constant 4 : i32
      %add3A_207 = arith.addi %mul3A_205, %add3A_206 : i32
      %sub3A_208 = arith.constant 1 : i32
      %sub3A_209 = arith.subi %get3A_0, %sub3A_208 : i32
      %max3A_210 = arith.constant 0 : i32
      %max3A_211 = arith.maxsi %sub3A_209, %max3A_210 : i32
      %min3A_212 = arith.minsi %add3A_207, %max3A_211 : i32
      %get3A_213 = arith.index_cast %min3A_212 : i32 to index
      %get3A_214 = memref.load %arg1[%get3A_213] : memref<256xi32, #tpu.memory_space<smem>>
      %dma_wait3A_215 = arith.constant 4 : i32
      %dma_wait3A_216 = arith.constant 0 : i32
      %dma_wait3A_217 = arith.constant 4 : i32
      %dma_wait3A_218 = tpu.memref_slice %arg9[%dma_wait3A_216, %rem3A_58, %dma_wait3A_217] : memref<2x2x8x!tpu.dma_semaphore, #tpu.memory_space<semaphore_mem>> -> memref<1x1x1x!tpu.dma_semaphore, #tpu.memory_space<semaphore_mem>>
      %dma_wait3A_219 = tpu.memref_squeeze %dma_wait3A_218 : memref<1x1x1x!tpu.dma_semaphore, #tpu.memory_space<semaphore_mem>> -> memref<!tpu.dma_semaphore, #tpu.memory_space<semaphore_mem>>
      %dma_wait3A_220 = arith.constant 0 : i32
      %dma_wait3A_221 = arith.constant 0 : i32
      %dma_wait3A_222 = tpu.memref_slice %arg6[%rem3A_58, %dma_wait3A_215, %dma_wait3A_220, %dma_wait3A_221] : memref<2x8x1176x128xf32, #tpu.memory_space<vmem>> -> memref<1x1x1176x128xf32, #tpu.memory_space<vmem>>
      %dma_wait3A_223 = tpu.memref_squeeze %dma_wait3A_222 : memref<1x1x1176x128xf32, #tpu.memory_space<vmem>> -> memref<1176x128xf32, #tpu.memory_space<vmem>>
      %dma_wait3A_224 = arith.constant 0 : i32
      %dma_wait3A_225 = arith.constant 0 : i32
      %dma_wait3A_226 = tpu.memref_slice %arg3[%get3A_214, %dma_wait3A_224, %dma_wait3A_225] : memref<256x1176x128xf32, #tpu.memory_space<any>> -> memref<1x1176x128xf32, #tpu.memory_space<any>>
      %dma_wait3A_227 = tpu.memref_squeeze %dma_wait3A_226 : memref<1x1176x128xf32, #tpu.memory_space<any>> -> memref<1176x128xf32, #tpu.memory_space<any>>
      tpu.wait_dma2 semaphore(%dma_wait3A_219 : memref<!tpu.dma_semaphore, #tpu.memory_space<semaphore_mem>>) src(%dma_wait3A_227 : memref<1176x128xf32, #tpu.memory_space<any>>) dst(%dma_wait3A_223 : memref<1176x128xf32, #tpu.memory_space<vmem>>)
      %dma_wait3A_228 = arith.constant 4 : i32
      %dma_wait3A_229 = arith.constant 1 : i32
      %dma_wait3A_230 = arith.constant 4 : i32
      %dma_wait3A_231 = tpu.memref_slice %arg9[%dma_wait3A_229, %rem3A_58, %dma_wait3A_230] : memref<2x2x8x!tpu.dma_semaphore, #tpu.memory_space<semaphore_mem>> -> memref<1x1x1x!tpu.dma_semaphore, #tpu.memory_space<semaphore_mem>>
      %dma_wait3A_232 = tpu.memref_squeeze %dma_wait3A_231 : memref<1x1x1x!tpu.dma_semaphore, #tpu.memory_space<semaphore_mem>> -> memref<!tpu.dma_semaphore, #tpu.memory_space<semaphore_mem>>
      %dma_wait3A_233 = arith.constant 0 : i32
      %dma_wait3A_234 = arith.constant 0 : i32
      %dma_wait3A_235 = tpu.memref_slice %arg7[%rem3A_58, %dma_wait3A_228, %dma_wait3A_233, %dma_wait3A_234] : memref<2x8x1176x128xf32, #tpu.memory_space<vmem>> -> memref<1x1x1176x128xf32, #tpu.memory_space<vmem>>
      %dma_wait3A_236 = tpu.memref_squeeze %dma_wait3A_235 : memref<1x1x1176x128xf32, #tpu.memory_space<vmem>> -> memref<1176x128xf32, #tpu.memory_space<vmem>>
      %dma_wait3A_237 = arith.constant 0 : i32
      %dma_wait3A_238 = arith.constant 0 : i32
      %dma_wait3A_239 = tpu.memref_slice %arg4[%get3A_214, %dma_wait3A_237, %dma_wait3A_238] : memref<256x1176x128xf32, #tpu.memory_space<any>> -> memref<1x1176x128xf32, #tpu.memory_space<any>>
      %dma_wait3A_240 = tpu.memref_squeeze %dma_wait3A_239 : memref<1x1176x128xf32, #tpu.memory_space<any>> -> memref<1176x128xf32, #tpu.memory_space<any>>
      tpu.wait_dma2 semaphore(%dma_wait3A_232 : memref<!tpu.dma_semaphore, #tpu.memory_space<semaphore_mem>>) src(%dma_wait3A_240 : memref<1176x128xf32, #tpu.memory_space<any>>) dst(%dma_wait3A_236 : memref<1176x128xf32, #tpu.memory_space<vmem>>)
      %mul3A_241 = arith.constant 8 : i32
      %mul3A_242 = arith.muli %while3A_56, %mul3A_241 : i32
      %add3A_243 = arith.constant 5 : i32
      %add3A_244 = arith.addi %mul3A_242, %add3A_243 : i32
      %sub3A_245 = arith.constant 1 : i32
      %sub3A_246 = arith.subi %get3A_0, %sub3A_245 : i32
      %max3A_247 = arith.constant 0 : i32
      %max3A_248 = arith.maxsi %sub3A_246, %max3A_247 : i32
      %min3A_249 = arith.minsi %add3A_244, %max3A_248 : i32
      %get3A_250 = arith.index_cast %min3A_249 : i32 to index
      %get3A_251 = memref.load %arg1[%get3A_250] : memref<256xi32, #tpu.memory_space<smem>>
      %dma_wait3A_252 = arith.constant 5 : i32
      %dma_wait3A_253 = arith.constant 0 : i32
      %dma_wait3A_254 = arith.constant 5 : i32
      %dma_wait3A_255 = tpu.memref_slice %arg9[%dma_wait3A_253, %rem3A_58, %dma_wait3A_254] : memref<2x2x8x!tpu.dma_semaphore, #tpu.memory_space<semaphore_mem>> -> memref<1x1x1x!tpu.dma_semaphore, #tpu.memory_space<semaphore_mem>>
      %dma_wait3A_256 = tpu.memref_squeeze %dma_wait3A_255 : memref<1x1x1x!tpu.dma_semaphore, #tpu.memory_space<semaphore_mem>> -> memref<!tpu.dma_semaphore, #tpu.memory_space<semaphore_mem>>
      %dma_wait3A_257 = arith.constant 0 : i32
      %dma_wait3A_258 = arith.constant 0 : i32
      %dma_wait3A_259 = tpu.memref_slice %arg6[%rem3A_58, %dma_wait3A_252, %dma_wait3A_257, %dma_wait3A_258] : memref<2x8x1176x128xf32, #tpu.memory_space<vmem>> -> memref<1x1x1176x128xf32, #tpu.memory_space<vmem>>
      %dma_wait3A_260 = tpu.memref_squeeze %dma_wait3A_259 : memref<1x1x1176x128xf32, #tpu.memory_space<vmem>> -> memref<1176x128xf32, #tpu.memory_space<vmem>>
      %dma_wait3A_261 = arith.constant 0 : i32
      %dma_wait3A_262 = arith.constant 0 : i32
      %dma_wait3A_263 = tpu.memref_slice %arg3[%get3A_251, %dma_wait3A_261, %dma_wait3A_262] : memref<256x1176x128xf32, #tpu.memory_space<any>> -> memref<1x1176x128xf32, #tpu.memory_space<any>>
      %dma_wait3A_264 = tpu.memref_squeeze %dma_wait3A_263 : memref<1x1176x128xf32, #tpu.memory_space<any>> -> memref<1176x128xf32, #tpu.memory_space<any>>
      tpu.wait_dma2 semaphore(%dma_wait3A_256 : memref<!tpu.dma_semaphore, #tpu.memory_space<semaphore_mem>>) src(%dma_wait3A_264 : memref<1176x128xf32, #tpu.memory_space<any>>) dst(%dma_wait3A_260 : memref<1176x128xf32, #tpu.memory_space<vmem>>)
      %dma_wait3A_265 = arith.constant 5 : i32
      %dma_wait3A_266 = arith.constant 1 : i32
      %dma_wait3A_267 = arith.constant 5 : i32
      %dma_wait3A_268 = tpu.memref_slice %arg9[%dma_wait3A_266, %rem3A_58, %dma_wait3A_267] : memref<2x2x8x!tpu.dma_semaphore, #tpu.memory_space<semaphore_mem>> -> memref<1x1x1x!tpu.dma_semaphore, #tpu.memory_space<semaphore_mem>>
      %dma_wait3A_269 = tpu.memref_squeeze %dma_wait3A_268 : memref<1x1x1x!tpu.dma_semaphore, #tpu.memory_space<semaphore_mem>> -> memref<!tpu.dma_semaphore, #tpu.memory_space<semaphore_mem>>
      %dma_wait3A_270 = arith.constant 0 : i32
      %dma_wait3A_271 = arith.constant 0 : i32
      %dma_wait3A_272 = tpu.memref_slice %arg7[%rem3A_58, %dma_wait3A_265, %dma_wait3A_270, %dma_wait3A_271] : memref<2x8x1176x128xf32, #tpu.memory_space<vmem>> -> memref<1x1x1176x128xf32, #tpu.memory_space<vmem>>
      %dma_wait3A_273 = tpu.memref_squeeze %dma_wait3A_272 : memref<1x1x1176x128xf32, #tpu.memory_space<vmem>> -> memref<1176x128xf32, #tpu.memory_space<vmem>>
      %dma_wait3A_274 = arith.constant 0 : i32
      %dma_wait3A_275 = arith.constant 0 : i32
      %dma_wait3A_276 = tpu.memref_slice %arg4[%get3A_251, %dma_wait3A_274, %dma_wait3A_275] : memref<256x1176x128xf32, #tpu.memory_space<any>> -> memref<1x1176x128xf32, #tpu.memory_space<any>>
      %dma_wait3A_277 = tpu.memref_squeeze %dma_wait3A_276 : memref<1x1176x128xf32, #tpu.memory_space<any>> -> memref<1176x128xf32, #tpu.memory_space<any>>
      tpu.wait_dma2 semaphore(%dma_wait3A_269 : memref<!tpu.dma_semaphore, #tpu.memory_space<semaphore_mem>>) src(%dma_wait3A_277 : memref<1176x128xf32, #tpu.memory_space<any>>) dst(%dma_wait3A_273 : memref<1176x128xf32, #tpu.memory_space<vmem>>)
      %mul3A_278 = arith.constant 8 : i32
      %mul3A_279 = arith.muli %while3A_56, %mul3A_278 : i32
      %add3A_280 = arith.constant 6 : i32
      %add3A_281 = arith.addi %mul3A_279, %add3A_280 : i32
      %sub3A_282 = arith.constant 1 : i32
      %sub3A_283 = arith.subi %get3A_0, %sub3A_282 : i32
      %max3A_284 = arith.constant 0 : i32
      %max3A_285 = arith.maxsi %sub3A_283, %max3A_284 : i32
      %min3A_286 = arith.minsi %add3A_281, %max3A_285 : i32
      %get3A_287 = arith.index_cast %min3A_286 : i32 to index
      %get3A_288 = memref.load %arg1[%get3A_287] : memref<256xi32, #tpu.memory_space<smem>>
      %dma_wait3A_289 = arith.constant 6 : i32
      %dma_wait3A_290 = arith.constant 0 : i32
      %dma_wait3A_291 = arith.constant 6 : i32
      %dma_wait3A_292 = tpu.memref_slice %arg9[%dma_wait3A_290, %rem3A_58, %dma_wait3A_291] : memref<2x2x8x!tpu.dma_semaphore, #tpu.memory_space<semaphore_mem>> -> memref<1x1x1x!tpu.dma_semaphore, #tpu.memory_space<semaphore_mem>>
      %dma_wait3A_293 = tpu.memref_squeeze %dma_wait3A_292 : memref<1x1x1x!tpu.dma_semaphore, #tpu.memory_space<semaphore_mem>> -> memref<!tpu.dma_semaphore, #tpu.memory_space<semaphore_mem>>
      %dma_wait3A_294 = arith.constant 0 : i32
      %dma_wait3A_295 = arith.constant 0 : i32
      %dma_wait3A_296 = tpu.memref_slice %arg6[%rem3A_58, %dma_wait3A_289, %dma_wait3A_294, %dma_wait3A_295] : memref<2x8x1176x128xf32, #tpu.memory_space<vmem>> -> memref<1x1x1176x128xf32, #tpu.memory_space<vmem>>
      %dma_wait3A_297 = tpu.memref_squeeze %dma_wait3A_296 : memref<1x1x1176x128xf32, #tpu.memory_space<vmem>> -> memref<1176x128xf32, #tpu.memory_space<vmem>>
      %dma_wait3A_298 = arith.constant 0 : i32
      %dma_wait3A_299 = arith.constant 0 : i32
      %dma_wait3A_300 = tpu.memref_slice %arg3[%get3A_288, %dma_wait3A_298, %dma_wait3A_299] : memref<256x1176x128xf32, #tpu.memory_space<any>> -> memref<1x1176x128xf32, #tpu.memory_space<any>>
      %dma_wait3A_301 = tpu.memref_squeeze %dma_wait3A_300 : memref<1x1176x128xf32, #tpu.memory_space<any>> -> memref<1176x128xf32, #tpu.memory_space<any>>
      tpu.wait_dma2 semaphore(%dma_wait3A_293 : memref<!tpu.dma_semaphore, #tpu.memory_space<semaphore_mem>>) src(%dma_wait3A_301 : memref<1176x128xf32, #tpu.memory_space<any>>) dst(%dma_wait3A_297 : memref<1176x128xf32, #tpu.memory_space<vmem>>)
      %dma_wait3A_302 = arith.constant 6 : i32
      %dma_wait3A_303 = arith.constant 1 : i32
      %dma_wait3A_304 = arith.constant 6 : i32
      %dma_wait3A_305 = tpu.memref_slice %arg9[%dma_wait3A_303, %rem3A_58, %dma_wait3A_304] : memref<2x2x8x!tpu.dma_semaphore, #tpu.memory_space<semaphore_mem>> -> memref<1x1x1x!tpu.dma_semaphore, #tpu.memory_space<semaphore_mem>>
      %dma_wait3A_306 = tpu.memref_squeeze %dma_wait3A_305 : memref<1x1x1x!tpu.dma_semaphore, #tpu.memory_space<semaphore_mem>> -> memref<!tpu.dma_semaphore, #tpu.memory_space<semaphore_mem>>
      %dma_wait3A_307 = arith.constant 0 : i32
      %dma_wait3A_308 = arith.constant 0 : i32
      %dma_wait3A_309 = tpu.memref_slice %arg7[%rem3A_58, %dma_wait3A_302, %dma_wait3A_307, %dma_wait3A_308] : memref<2x8x1176x128xf32, #tpu.memory_space<vmem>> -> memref<1x1x1176x128xf32, #tpu.memory_space<vmem>>
      %dma_wait3A_310 = tpu.memref_squeeze %dma_wait3A_309 : memref<1x1x1176x128xf32, #tpu.memory_space<vmem>> -> memref<1176x128xf32, #tpu.memory_space<vmem>>
      %dma_wait3A_311 = arith.constant 0 : i32
      %dma_wait3A_312 = arith.constant 0 : i32
      %dma_wait3A_313 = tpu.memref_slice %arg4[%get3A_288, %dma_wait3A_311, %dma_wait3A_312] : memref<256x1176x128xf32, #tpu.memory_space<any>> -> memref<1x1176x128xf32, #tpu.memory_space<any>>
      %dma_wait3A_314 = tpu.memref_squeeze %dma_wait3A_313 : memref<1x1176x128xf32, #tpu.memory_space<any>> -> memref<1176x128xf32, #tpu.memory_space<any>>
      tpu.wait_dma2 semaphore(%dma_wait3A_306 : memref<!tpu.dma_semaphore, #tpu.memory_space<semaphore_mem>>) src(%dma_wait3A_314 : memref<1176x128xf32, #tpu.memory_space<any>>) dst(%dma_wait3A_310 : memref<1176x128xf32, #tpu.memory_space<vmem>>)
      %mul3A_315 = arith.constant 8 : i32
      %mul3A_316 = arith.muli %while3A_56, %mul3A_315 : i32
      %add3A_317 = arith.constant 7 : i32
      %add3A_318 = arith.addi %mul3A_316, %add3A_317 : i32
      %sub3A_319 = arith.constant 1 : i32
      %sub3A_320 = arith.subi %get3A_0, %sub3A_319 : i32
      %max3A_321 = arith.constant 0 : i32
      %max3A_322 = arith.maxsi %sub3A_320, %max3A_321 : i32
      %min3A_323 = arith.minsi %add3A_318, %max3A_322 : i32
      %get3A_324 = arith.index_cast %min3A_323 : i32 to index
      %get3A_325 = memref.load %arg1[%get3A_324] : memref<256xi32, #tpu.memory_space<smem>>
      %dma_wait3A_326 = arith.constant 7 : i32
      %dma_wait3A_327 = arith.constant 0 : i32
      %dma_wait3A_328 = arith.constant 7 : i32
      %dma_wait3A_329 = tpu.memref_slice %arg9[%dma_wait3A_327, %rem3A_58, %dma_wait3A_328] : memref<2x2x8x!tpu.dma_semaphore, #tpu.memory_space<semaphore_mem>> -> memref<1x1x1x!tpu.dma_semaphore, #tpu.memory_space<semaphore_mem>>
      %dma_wait3A_330 = tpu.memref_squeeze %dma_wait3A_329 : memref<1x1x1x!tpu.dma_semaphore, #tpu.memory_space<semaphore_mem>> -> memref<!tpu.dma_semaphore, #tpu.memory_space<semaphore_mem>>
      %dma_wait3A_331 = arith.constant 0 : i32
      %dma_wait3A_332 = arith.constant 0 : i32
      %dma_wait3A_333 = tpu.memref_slice %arg6[%rem3A_58, %dma_wait3A_326, %dma_wait3A_331, %dma_wait3A_332] : memref<2x8x1176x128xf32, #tpu.memory_space<vmem>> -> memref<1x1x1176x128xf32, #tpu.memory_space<vmem>>
      %dma_wait3A_334 = tpu.memref_squeeze %dma_wait3A_333 : memref<1x1x1176x128xf32, #tpu.memory_space<vmem>> -> memref<1176x128xf32, #tpu.memory_space<vmem>>
      %dma_wait3A_335 = arith.constant 0 : i32
      %dma_wait3A_336 = arith.constant 0 : i32
      %dma_wait3A_337 = tpu.memref_slice %arg3[%get3A_325, %dma_wait3A_335, %dma_wait3A_336] : memref<256x1176x128xf32, #tpu.memory_space<any>> -> memref<1x1176x128xf32, #tpu.memory_space<any>>
      %dma_wait3A_338 = tpu.memref_squeeze %dma_wait3A_337 : memref<1x1176x128xf32, #tpu.memory_space<any>> -> memref<1176x128xf32, #tpu.memory_space<any>>
      tpu.wait_dma2 semaphore(%dma_wait3A_330 : memref<!tpu.dma_semaphore, #tpu.memory_space<semaphore_mem>>) src(%dma_wait3A_338 : memref<1176x128xf32, #tpu.memory_space<any>>) dst(%dma_wait3A_334 : memref<1176x128xf32, #tpu.memory_space<vmem>>)
      %dma_wait3A_339 = arith.constant 7 : i32
      %dma_wait3A_340 = arith.constant 1 : i32
      %dma_wait3A_341 = arith.constant 7 : i32
      %dma_wait3A_342 = tpu.memref_slice %arg9[%dma_wait3A_340, %rem3A_58, %dma_wait3A_341] : memref<2x2x8x!tpu.dma_semaphore, #tpu.memory_space<semaphore_mem>> -> memref<1x1x1x!tpu.dma_semaphore, #tpu.memory_space<semaphore_mem>>
      %dma_wait3A_343 = tpu.memref_squeeze %dma_wait3A_342 : memref<1x1x1x!tpu.dma_semaphore, #tpu.memory_space<semaphore_mem>> -> memref<!tpu.dma_semaphore, #tpu.memory_space<semaphore_mem>>
      %dma_wait3A_344 = arith.constant 0 : i32
      %dma_wait3A_345 = arith.constant 0 : i32
      %dma_wait3A_346 = tpu.memref_slice %arg7[%rem3A_58, %dma_wait3A_339, %dma_wait3A_344, %dma_wait3A_345] : memref<2x8x1176x128xf32, #tpu.memory_space<vmem>> -> memref<1x1x1176x128xf32, #tpu.memory_space<vmem>>
      %dma_wait3A_347 = tpu.memref_squeeze %dma_wait3A_346 : memref<1x1x1176x128xf32, #tpu.memory_space<vmem>> -> memref<1176x128xf32, #tpu.memory_space<vmem>>
      %dma_wait3A_348 = arith.constant 0 : i32
      %dma_wait3A_349 = arith.constant 0 : i32
      %dma_wait3A_350 = tpu.memref_slice %arg4[%get3A_325, %dma_wait3A_348, %dma_wait3A_349] : memref<256x1176x128xf32, #tpu.memory_space<any>> -> memref<1x1176x128xf32, #tpu.memory_space<any>>
      %dma_wait3A_351 = tpu.memref_squeeze %dma_wait3A_350 : memref<1x1176x128xf32, #tpu.memory_space<any>> -> memref<1176x128xf32, #tpu.memory_space<any>>
      tpu.wait_dma2 semaphore(%dma_wait3A_343 : memref<!tpu.dma_semaphore, #tpu.memory_space<semaphore_mem>>) src(%dma_wait3A_351 : memref<1176x128xf32, #tpu.memory_space<any>>) dst(%dma_wait3A_347 : memref<1176x128xf32, #tpu.memory_space<vmem>>)
      %broadcast_in_dim3A_352 = arith.constant 0.000000e+00 : f32
      %broadcast_in_dim3A_353 = vector.broadcast %broadcast_in_dim3A_352 : f32 to vector<8x128xf32>
      %mul3A_354 = arith.constant 8 : i32
      %mul3A_355 = arith.muli %while3A_56, %mul3A_354 : i32
      %add3A_356 = arith.constant 0 : i32
      %add3A_357 = arith.addi %mul3A_355, %add3A_356 : i32
      %lt3A = arith.cmpi slt, %add3A_357, %get3A_0 : i32
      %convert_element_type3A_358 = arith.extui %lt3A : i1 to i32
      %convert_element_type3A_359 = arith.sitofp %convert_element_type3A_358 : i32 to f32
      %get3A_360 = arith.index_cast %rem3A_58 : i32 to index
      %get3A_361 = arith.constant 0 : index
      %get3A_362 = arith.constant 0 : index
      %get3A_363 = arith.constant 0 : index
      %get3A_364 = vector.load %arg6[%get3A_360, %get3A_361, %get3A_362, %get3A_363] : memref<2x8x1176x128xf32, #tpu.memory_space<vmem>>, vector<1x1x1176x128xf32>
      %get3A_365 = vector.shape_cast %get3A_364 : vector<1x1x1176x128xf32> to vector<1176x128xf32>
      %get3A_366 = arith.index_cast %rem3A_58 : i32 to index
      %get3A_367 = arith.constant 0 : index
      %get3A_368 = arith.constant 0 : index
      %get3A_369 = arith.constant 0 : index
      %get3A_370 = vector.load %arg7[%get3A_366, %get3A_367, %get3A_368, %get3A_369] : memref<2x8x1176x128xf32, #tpu.memory_space<vmem>>, vector<1x1x1176x128xf32>
      %get3A_371 = vector.shape_cast %get3A_370 : vector<1x1x1176x128xf32> to vector<1176x128xf32>
      %sub3A_372 = arith.subf %get3A_365, %get3A_371 : vector<1176x128xf32>
      %abs3A = math.absf %sub3A_372 : vector<1176x128xf32>
      %reshape3A = vector.shape_cast %abs3A : vector<1176x128xf32> to vector<147x8x128xf32>
      %reduce_sum3A_373 = arith.constant dense<0.000000e+00> : vector<8x128xf32>
      %reduce_sum3A_374 = vector.multi_reduction <add>, %reshape3A, %reduce_sum3A_373 [0] : vector<147x8x128xf32> to vector<8x128xf32>
      %mul3A_375 = vector.broadcast %convert_element_type3A_359 : f32 to vector<8x128xf32>
      %mul3A_376 = arith.mulf %mul3A_375, %reduce_sum3A_374 : vector<8x128xf32>
      %add3A_377 = arith.addf %broadcast_in_dim3A_353, %mul3A_376 : vector<8x128xf32>
      %mul3A_378 = arith.constant 8 : i32
      %mul3A_379 = arith.muli %while3A_56, %mul3A_378 : i32
      %add3A_380 = arith.constant 1 : i32
      %add3A_381 = arith.addi %mul3A_379, %add3A_380 : i32
      %lt3A_382 = arith.cmpi slt, %add3A_381, %get3A_0 : i32
      %convert_element_type3A_383 = arith.extui %lt3A_382 : i1 to i32
      %convert_element_type3A_384 = arith.sitofp %convert_element_type3A_383 : i32 to f32
      %get3A_385 = arith.index_cast %rem3A_58 : i32 to index
      %get3A_386 = arith.constant 1 : index
      %get3A_387 = arith.constant 0 : index
      %get3A_388 = arith.constant 0 : index
      %get3A_389 = vector.load %arg6[%get3A_385, %get3A_386, %get3A_387, %get3A_388] : memref<2x8x1176x128xf32, #tpu.memory_space<vmem>>, vector<1x1x1176x128xf32>
      %get3A_390 = vector.shape_cast %get3A_389 : vector<1x1x1176x128xf32> to vector<1176x128xf32>
      %get3A_391 = arith.index_cast %rem3A_58 : i32 to index
      %get3A_392 = arith.constant 1 : index
      %get3A_393 = arith.constant 0 : index
      %get3A_394 = arith.constant 0 : index
      %get3A_395 = vector.load %arg7[%get3A_391, %get3A_392, %get3A_393, %get3A_394] : memref<2x8x1176x128xf32, #tpu.memory_space<vmem>>, vector<1x1x1176x128xf32>
      %get3A_396 = vector.shape_cast %get3A_395 : vector<1x1x1176x128xf32> to vector<1176x128xf32>
      %sub3A_397 = arith.subf %get3A_390, %get3A_396 : vector<1176x128xf32>
      %abs3A_398 = math.absf %sub3A_397 : vector<1176x128xf32>
      %reshape3A_399 = vector.shape_cast %abs3A_398 : vector<1176x128xf32> to vector<147x8x128xf32>
      %reduce_sum3A_400 = arith.constant dense<0.000000e+00> : vector<8x128xf32>
      %reduce_sum3A_401 = vector.multi_reduction <add>, %reshape3A_399, %reduce_sum3A_400 [0] : vector<147x8x128xf32> to vector<8x128xf32>
      %mul3A_402 = vector.broadcast %convert_element_type3A_384 : f32 to vector<8x128xf32>
      %mul3A_403 = arith.mulf %mul3A_402, %reduce_sum3A_401 : vector<8x128xf32>
      %add3A_404 = arith.addf %add3A_377, %mul3A_403 : vector<8x128xf32>
      %mul3A_405 = arith.constant 8 : i32
      %mul3A_406 = arith.muli %while3A_56, %mul3A_405 : i32
      %add3A_407 = arith.constant 2 : i32
      %add3A_408 = arith.addi %mul3A_406, %add3A_407 : i32
      %lt3A_409 = arith.cmpi slt, %add3A_408, %get3A_0 : i32
      %convert_element_type3A_410 = arith.extui %lt3A_409 : i1 to i32
      %convert_element_type3A_411 = arith.sitofp %convert_element_type3A_410 : i32 to f32
      %get3A_412 = arith.index_cast %rem3A_58 : i32 to index
      %get3A_413 = arith.constant 2 : index
      %get3A_414 = arith.constant 0 : index
      %get3A_415 = arith.constant 0 : index
      %get3A_416 = vector.load %arg6[%get3A_412, %get3A_413, %get3A_414, %get3A_415] : memref<2x8x1176x128xf32, #tpu.memory_space<vmem>>, vector<1x1x1176x128xf32>
      %get3A_417 = vector.shape_cast %get3A_416 : vector<1x1x1176x128xf32> to vector<1176x128xf32>
      %get3A_418 = arith.index_cast %rem3A_58 : i32 to index
      %get3A_419 = arith.constant 2 : index
      %get3A_420 = arith.constant 0 : index
      %get3A_421 = arith.constant 0 : index
      %get3A_422 = vector.load %arg7[%get3A_418, %get3A_419, %get3A_420, %get3A_421] : memref<2x8x1176x128xf32, #tpu.memory_space<vmem>>, vector<1x1x1176x128xf32>
      %get3A_423 = vector.shape_cast %get3A_422 : vector<1x1x1176x128xf32> to vector<1176x128xf32>
      %sub3A_424 = arith.subf %get3A_417, %get3A_423 : vector<1176x128xf32>
      %abs3A_425 = math.absf %sub3A_424 : vector<1176x128xf32>
      %reshape3A_426 = vector.shape_cast %abs3A_425 : vector<1176x128xf32> to vector<147x8x128xf32>
      %reduce_sum3A_427 = arith.constant dense<0.000000e+00> : vector<8x128xf32>
      %reduce_sum3A_428 = vector.multi_reduction <add>, %reshape3A_426, %reduce_sum3A_427 [0] : vector<147x8x128xf32> to vector<8x128xf32>
      %mul3A_429 = vector.broadcast %convert_element_type3A_411 : f32 to vector<8x128xf32>
      %mul3A_430 = arith.mulf %mul3A_429, %reduce_sum3A_428 : vector<8x128xf32>
      %add3A_431 = arith.addf %add3A_404, %mul3A_430 : vector<8x128xf32>
      %mul3A_432 = arith.constant 8 : i32
      %mul3A_433 = arith.muli %while3A_56, %mul3A_432 : i32
      %add3A_434 = arith.constant 3 : i32
      %add3A_435 = arith.addi %mul3A_433, %add3A_434 : i32
      %lt3A_436 = arith.cmpi slt, %add3A_435, %get3A_0 : i32
      %convert_element_type3A_437 = arith.extui %lt3A_436 : i1 to i32
      %convert_element_type3A_438 = arith.sitofp %convert_element_type3A_437 : i32 to f32
      %get3A_439 = arith.index_cast %rem3A_58 : i32 to index
      %get3A_440 = arith.constant 3 : index
      %get3A_441 = arith.constant 0 : index
      %get3A_442 = arith.constant 0 : index
      %get3A_443 = vector.load %arg6[%get3A_439, %get3A_440, %get3A_441, %get3A_442] : memref<2x8x1176x128xf32, #tpu.memory_space<vmem>>, vector<1x1x1176x128xf32>
      %get3A_444 = vector.shape_cast %get3A_443 : vector<1x1x1176x128xf32> to vector<1176x128xf32>
      %get3A_445 = arith.index_cast %rem3A_58 : i32 to index
      %get3A_446 = arith.constant 3 : index
      %get3A_447 = arith.constant 0 : index
      %get3A_448 = arith.constant 0 : index
      %get3A_449 = vector.load %arg7[%get3A_445, %get3A_446, %get3A_447, %get3A_448] : memref<2x8x1176x128xf32, #tpu.memory_space<vmem>>, vector<1x1x1176x128xf32>
      %get3A_450 = vector.shape_cast %get3A_449 : vector<1x1x1176x128xf32> to vector<1176x128xf32>
      %sub3A_451 = arith.subf %get3A_444, %get3A_450 : vector<1176x128xf32>
      %abs3A_452 = math.absf %sub3A_451 : vector<1176x128xf32>
      %reshape3A_453 = vector.shape_cast %abs3A_452 : vector<1176x128xf32> to vector<147x8x128xf32>
      %reduce_sum3A_454 = arith.constant dense<0.000000e+00> : vector<8x128xf32>
      %reduce_sum3A_455 = vector.multi_reduction <add>, %reshape3A_453, %reduce_sum3A_454 [0] : vector<147x8x128xf32> to vector<8x128xf32>
      %mul3A_456 = vector.broadcast %convert_element_type3A_438 : f32 to vector<8x128xf32>
      %mul3A_457 = arith.mulf %mul3A_456, %reduce_sum3A_455 : vector<8x128xf32>
      %add3A_458 = arith.addf %add3A_431, %mul3A_457 : vector<8x128xf32>
      %mul3A_459 = arith.constant 8 : i32
      %mul3A_460 = arith.muli %while3A_56, %mul3A_459 : i32
      %add3A_461 = arith.constant 4 : i32
      %add3A_462 = arith.addi %mul3A_460, %add3A_461 : i32
      %lt3A_463 = arith.cmpi slt, %add3A_462, %get3A_0 : i32
      %convert_element_type3A_464 = arith.extui %lt3A_463 : i1 to i32
      %convert_element_type3A_465 = arith.sitofp %convert_element_type3A_464 : i32 to f32
      %get3A_466 = arith.index_cast %rem3A_58 : i32 to index
      %get3A_467 = arith.constant 4 : index
      %get3A_468 = arith.constant 0 : index
      %get3A_469 = arith.constant 0 : index
      %get3A_470 = vector.load %arg6[%get3A_466, %get3A_467, %get3A_468, %get3A_469] : memref<2x8x1176x128xf32, #tpu.memory_space<vmem>>, vector<1x1x1176x128xf32>
      %get3A_471 = vector.shape_cast %get3A_470 : vector<1x1x1176x128xf32> to vector<1176x128xf32>
      %get3A_472 = arith.index_cast %rem3A_58 : i32 to index
      %get3A_473 = arith.constant 4 : index
      %get3A_474 = arith.constant 0 : index
      %get3A_475 = arith.constant 0 : index
      %get3A_476 = vector.load %arg7[%get3A_472, %get3A_473, %get3A_474, %get3A_475] : memref<2x8x1176x128xf32, #tpu.memory_space<vmem>>, vector<1x1x1176x128xf32>
      %get3A_477 = vector.shape_cast %get3A_476 : vector<1x1x1176x128xf32> to vector<1176x128xf32>
      %sub3A_478 = arith.subf %get3A_471, %get3A_477 : vector<1176x128xf32>
      %abs3A_479 = math.absf %sub3A_478 : vector<1176x128xf32>
      %reshape3A_480 = vector.shape_cast %abs3A_479 : vector<1176x128xf32> to vector<147x8x128xf32>
      %reduce_sum3A_481 = arith.constant dense<0.000000e+00> : vector<8x128xf32>
      %reduce_sum3A_482 = vector.multi_reduction <add>, %reshape3A_480, %reduce_sum3A_481 [0] : vector<147x8x128xf32> to vector<8x128xf32>
      %mul3A_483 = vector.broadcast %convert_element_type3A_465 : f32 to vector<8x128xf32>
      %mul3A_484 = arith.mulf %mul3A_483, %reduce_sum3A_482 : vector<8x128xf32>
      %add3A_485 = arith.addf %add3A_458, %mul3A_484 : vector<8x128xf32>
      %mul3A_486 = arith.constant 8 : i32
      %mul3A_487 = arith.muli %while3A_56, %mul3A_486 : i32
      %add3A_488 = arith.constant 5 : i32
      %add3A_489 = arith.addi %mul3A_487, %add3A_488 : i32
      %lt3A_490 = arith.cmpi slt, %add3A_489, %get3A_0 : i32
      %convert_element_type3A_491 = arith.extui %lt3A_490 : i1 to i32
      %convert_element_type3A_492 = arith.sitofp %convert_element_type3A_491 : i32 to f32
      %get3A_493 = arith.index_cast %rem3A_58 : i32 to index
      %get3A_494 = arith.constant 5 : index
      %get3A_495 = arith.constant 0 : index
      %get3A_496 = arith.constant 0 : index
      %get3A_497 = vector.load %arg6[%get3A_493, %get3A_494, %get3A_495, %get3A_496] : memref<2x8x1176x128xf32, #tpu.memory_space<vmem>>, vector<1x1x1176x128xf32>
      %get3A_498 = vector.shape_cast %get3A_497 : vector<1x1x1176x128xf32> to vector<1176x128xf32>
      %get3A_499 = arith.index_cast %rem3A_58 : i32 to index
      %get3A_500 = arith.constant 5 : index
      %get3A_501 = arith.constant 0 : index
      %get3A_502 = arith.constant 0 : index
      %get3A_503 = vector.load %arg7[%get3A_499, %get3A_500, %get3A_501, %get3A_502] : memref<2x8x1176x128xf32, #tpu.memory_space<vmem>>, vector<1x1x1176x128xf32>
      %get3A_504 = vector.shape_cast %get3A_503 : vector<1x1x1176x128xf32> to vector<1176x128xf32>
      %sub3A_505 = arith.subf %get3A_498, %get3A_504 : vector<1176x128xf32>
      %abs3A_506 = math.absf %sub3A_505 : vector<1176x128xf32>
      %reshape3A_507 = vector.shape_cast %abs3A_506 : vector<1176x128xf32> to vector<147x8x128xf32>
      %reduce_sum3A_508 = arith.constant dense<0.000000e+00> : vector<8x128xf32>
      %reduce_sum3A_509 = vector.multi_reduction <add>, %reshape3A_507, %reduce_sum3A_508 [0] : vector<147x8x128xf32> to vector<8x128xf32>
      %mul3A_510 = vector.broadcast %convert_element_type3A_492 : f32 to vector<8x128xf32>
      %mul3A_511 = arith.mulf %mul3A_510, %reduce_sum3A_509 : vector<8x128xf32>
      %add3A_512 = arith.addf %add3A_485, %mul3A_511 : vector<8x128xf32>
      %mul3A_513 = arith.constant 8 : i32
      %mul3A_514 = arith.muli %while3A_56, %mul3A_513 : i32
      %add3A_515 = arith.constant 6 : i32
      %add3A_516 = arith.addi %mul3A_514, %add3A_515 : i32
      %lt3A_517 = arith.cmpi slt, %add3A_516, %get3A_0 : i32
      %convert_element_type3A_518 = arith.extui %lt3A_517 : i1 to i32
      %convert_element_type3A_519 = arith.sitofp %convert_element_type3A_518 : i32 to f32
      %get3A_520 = arith.index_cast %rem3A_58 : i32 to index
      %get3A_521 = arith.constant 6 : index
      %get3A_522 = arith.constant 0 : index
      %get3A_523 = arith.constant 0 : index
      %get3A_524 = vector.load %arg6[%get3A_520, %get3A_521, %get3A_522, %get3A_523] : memref<2x8x1176x128xf32, #tpu.memory_space<vmem>>, vector<1x1x1176x128xf32>
      %get3A_525 = vector.shape_cast %get3A_524 : vector<1x1x1176x128xf32> to vector<1176x128xf32>
      %get3A_526 = arith.index_cast %rem3A_58 : i32 to index
      %get3A_527 = arith.constant 6 : index
      %get3A_528 = arith.constant 0 : index
      %get3A_529 = arith.constant 0 : index
      %get3A_530 = vector.load %arg7[%get3A_526, %get3A_527, %get3A_528, %get3A_529] : memref<2x8x1176x128xf32, #tpu.memory_space<vmem>>, vector<1x1x1176x128xf32>
      %get3A_531 = vector.shape_cast %get3A_530 : vector<1x1x1176x128xf32> to vector<1176x128xf32>
      %sub3A_532 = arith.subf %get3A_525, %get3A_531 : vector<1176x128xf32>
      %abs3A_533 = math.absf %sub3A_532 : vector<1176x128xf32>
      %reshape3A_534 = vector.shape_cast %abs3A_533 : vector<1176x128xf32> to vector<147x8x128xf32>
      %reduce_sum3A_535 = arith.constant dense<0.000000e+00> : vector<8x128xf32>
      %reduce_sum3A_536 = vector.multi_reduction <add>, %reshape3A_534, %reduce_sum3A_535 [0] : vector<147x8x128xf32> to vector<8x128xf32>
      %mul3A_537 = vector.broadcast %convert_element_type3A_519 : f32 to vector<8x128xf32>
      %mul3A_538 = arith.mulf %mul3A_537, %reduce_sum3A_536 : vector<8x128xf32>
      %add3A_539 = arith.addf %add3A_512, %mul3A_538 : vector<8x128xf32>
      %mul3A_540 = arith.constant 8 : i32
      %mul3A_541 = arith.muli %while3A_56, %mul3A_540 : i32
      %add3A_542 = arith.constant 7 : i32
      %add3A_543 = arith.addi %mul3A_541, %add3A_542 : i32
      %lt3A_544 = arith.cmpi slt, %add3A_543, %get3A_0 : i32
      %convert_element_type3A_545 = arith.extui %lt3A_544 : i1 to i32
      %convert_element_type3A_546 = arith.sitofp %convert_element_type3A_545 : i32 to f32
      %get3A_547 = arith.index_cast %rem3A_58 : i32 to index
      %get3A_548 = arith.constant 7 : index
      %get3A_549 = arith.constant 0 : index
      %get3A_550 = arith.constant 0 : index
      %get3A_551 = vector.load %arg6[%get3A_547, %get3A_548, %get3A_549, %get3A_550] : memref<2x8x1176x128xf32, #tpu.memory_space<vmem>>, vector<1x1x1176x128xf32>
      %get3A_552 = vector.shape_cast %get3A_551 : vector<1x1x1176x128xf32> to vector<1176x128xf32>
      %get3A_553 = arith.index_cast %rem3A_58 : i32 to index
      %get3A_554 = arith.constant 7 : index
      %get3A_555 = arith.constant 0 : index
      %get3A_556 = arith.constant 0 : index
      %get3A_557 = vector.load %arg7[%get3A_553, %get3A_554, %get3A_555, %get3A_556] : memref<2x8x1176x128xf32, #tpu.memory_space<vmem>>, vector<1x1x1176x128xf32>
      %get3A_558 = vector.shape_cast %get3A_557 : vector<1x1x1176x128xf32> to vector<1176x128xf32>
      %sub3A_559 = arith.subf %get3A_552, %get3A_558 : vector<1176x128xf32>
      %abs3A_560 = math.absf %sub3A_559 : vector<1176x128xf32>
      %reshape3A_561 = vector.shape_cast %abs3A_560 : vector<1176x128xf32> to vector<147x8x128xf32>
      %reduce_sum3A_562 = arith.constant dense<0.000000e+00> : vector<8x128xf32>
      %reduce_sum3A_563 = vector.multi_reduction <add>, %reshape3A_561, %reduce_sum3A_562 [0] : vector<147x8x128xf32> to vector<8x128xf32>
      %mul3A_564 = vector.broadcast %convert_element_type3A_546 : f32 to vector<8x128xf32>
      %mul3A_565 = arith.mulf %mul3A_564, %reduce_sum3A_563 : vector<8x128xf32>
      %add3A_566 = arith.addf %add3A_539, %mul3A_565 : vector<8x128xf32>
      %get3A_567 = arith.constant 0 : index
      %get3A_568 = arith.constant 0 : index
      %get3A_569 = vector.load %arg8[%get3A_567, %get3A_568] : memref<8x128xf32, #tpu.memory_space<vmem>>, vector<8x128xf32>
      %add3A_570 = arith.addf %get3A_569, %add3A_566 : vector<8x128xf32>
      %swap3A_571 = arith.constant 0 : index
      %swap3A_572 = arith.constant 0 : index
      %swap3A_573 = vector.load %arg8[%swap3A_571, %swap3A_572] : memref<8x128xf32, #tpu.memory_space<vmem>>, vector<8x128xf32>
      tpu.vector_store %arg8[%swap3A_571, %swap3A_572], %add3A_570 {strides = array<i32>} : memref<8x128xf32, #tpu.memory_space<vmem>>, vector<8x128xf32>,
      %add3A_574 = arith.constant 2 : i32
      %add3A_575 = arith.addi %while3A_56, %add3A_574 : i32
      %lt3A_576 = arith.cmpi slt, %add3A_575, %select_n3A : i32
      %convert_element_type3A_577 = arith.extui %lt3A_576 : i1 to i32
      %cond3A_578 = arith.constant 0 : i32
      %cond3A_579 = arith.cmpi ne, %convert_element_type3A_577, %cond3A_578 : i32
      scf.if %cond3A_579 {
        %add3A_580 = arith.constant 2 : i32
        %add3A_581 = arith.addi %while3A_56, %add3A_580 : i32
        %rem3A_582 = arith.constant 2 : i32
        %rem3A_583 = arith.remsi %add3A_581, %rem3A_582 : i32
        %mul3A_584 = arith.constant 8 : i32
        %mul3A_585 = arith.muli %add3A_581, %mul3A_584 : i32
        %add3A_586 = arith.constant 0 : i32
        %add3A_587 = arith.addi %mul3A_585, %add3A_586 : i32
        %sub3A_588 = arith.constant 1 : i32
        %sub3A_589 = arith.subi %get3A_0, %sub3A_588 : i32
        %max3A_590 = arith.constant 0 : i32
        %max3A_591 = arith.maxsi %sub3A_589, %max3A_590 : i32
        %min3A_592 = arith.minsi %add3A_587, %max3A_591 : i32
        %get3A_593 = arith.index_cast %min3A_592 : i32 to index
        %get3A_594 = memref.load %arg1[%get3A_593] : memref<256xi32, #tpu.memory_space<smem>>
        %dma_start3A = arith.constant 0 : i32
        %dma_start3A_595 = arith.constant 0 : i32
        %dma_start3A_596 = arith.constant 0 : i32
        %dma_start3A_597 = tpu.memref_slice %arg9[%dma_start3A_595, %rem3A_583, %dma_start3A_596] : memref<2x2x8x!tpu.dma_semaphore, #tpu.memory_space<semaphore_mem>> -> memref<1x1x1x!tpu.dma_semaphore, #tpu.memory_space<semaphore_mem>>
        %dma_start3A_598 = tpu.memref_squeeze %dma_start3A_597 : memref<1x1x1x!tpu.dma_semaphore, #tpu.memory_space<semaphore_mem>> -> memref<!tpu.dma_semaphore, #tpu.memory_space<semaphore_mem>>
        %dma_start3A_599 = arith.constant 0 : i32
        %dma_start3A_600 = arith.constant 0 : i32
        %dma_start3A_601 = tpu.memref_slice %arg6[%rem3A_583, %dma_start3A, %dma_start3A_599, %dma_start3A_600] : memref<2x8x1176x128xf32, #tpu.memory_space<vmem>> -> memref<1x1x1176x128xf32, #tpu.memory_space<vmem>>
        %dma_start3A_602 = tpu.memref_squeeze %dma_start3A_601 : memref<1x1x1176x128xf32, #tpu.memory_space<vmem>> -> memref<1176x128xf32, #tpu.memory_space<vmem>>
        %dma_start3A_603 = arith.constant 0 : i32
        %dma_start3A_604 = arith.constant 0 : i32
        %dma_start3A_605 = tpu.memref_slice %arg3[%get3A_594, %dma_start3A_603, %dma_start3A_604] : memref<256x1176x128xf32, #tpu.memory_space<any>> -> memref<1x1176x128xf32, #tpu.memory_space<any>>
        %dma_start3A_606 = tpu.memref_squeeze %dma_start3A_605 : memref<1x1176x128xf32, #tpu.memory_space<any>> -> memref<1176x128xf32, #tpu.memory_space<any>>
        tpu.enqueue_dma source(%dma_start3A_606 : memref<1176x128xf32, #tpu.memory_space<any>>) target(%dma_start3A_602 : memref<1176x128xf32, #tpu.memory_space<vmem>>) target_semaphore(%dma_start3A_598 : memref<!tpu.dma_semaphore, #tpu.memory_space<semaphore_mem>>)
        %dma_start3A_607 = arith.constant 0 : i32
        %dma_start3A_608 = arith.constant 1 : i32
        %dma_start3A_609 = arith.constant 0 : i32
        %dma_start3A_610 = tpu.memref_slice %arg9[%dma_start3A_608, %rem3A_583, %dma_start3A_609] : memref<2x2x8x!tpu.dma_semaphore, #tpu.memory_space<semaphore_mem>> -> memref<1x1x1x!tpu.dma_semaphore, #tpu.memory_space<semaphore_mem>>
        %dma_start3A_611 = tpu.memref_squeeze %dma_start3A_610 : memref<1x1x1x!tpu.dma_semaphore, #tpu.memory_space<semaphore_mem>> -> memref<!tpu.dma_semaphore, #tpu.memory_space<semaphore_mem>>
        %dma_start3A_612 = arith.constant 0 : i32
        %dma_start3A_613 = arith.constant 0 : i32
        %dma_start3A_614 = tpu.memref_slice %arg7[%rem3A_583, %dma_start3A_607, %dma_start3A_612, %dma_start3A_613] : memref<2x8x1176x128xf32, #tpu.memory_space<vmem>> -> memref<1x1x1176x128xf32, #tpu.memory_space<vmem>>
        %dma_start3A_615 = tpu.memref_squeeze %dma_start3A_614 : memref<1x1x1176x128xf32, #tpu.memory_space<vmem>> -> memref<1176x128xf32, #tpu.memory_space<vmem>>
        %dma_start3A_616 = arith.constant 0 : i32
        %dma_start3A_617 = arith.constant 0 : i32
        %dma_start3A_618 = tpu.memref_slice %arg4[%get3A_594, %dma_start3A_616, %dma_start3A_617] : memref<256x1176x128xf32, #tpu.memory_space<any>> -> memref<1x1176x128xf32, #tpu.memory_space<any>>
        %dma_start3A_619 = tpu.memref_squeeze %dma_start3A_618 : memref<1x1176x128xf32, #tpu.memory_space<any>> -> memref<1176x128xf32, #tpu.memory_space<any>>
        tpu.enqueue_dma source(%dma_start3A_619 : memref<1176x128xf32, #tpu.memory_space<any>>) target(%dma_start3A_615 : memref<1176x128xf32, #tpu.memory_space<vmem>>) target_semaphore(%dma_start3A_611 : memref<!tpu.dma_semaphore, #tpu.memory_space<semaphore_mem>>)
        %mul3A_620 = arith.constant 8 : i32
        %mul3A_621 = arith.muli %add3A_581, %mul3A_620 : i32
        %add3A_622 = arith.constant 1 : i32
        %add3A_623 = arith.addi %mul3A_621, %add3A_622 : i32
        %sub3A_624 = arith.constant 1 : i32
        %sub3A_625 = arith.subi %get3A_0, %sub3A_624 : i32
        %max3A_626 = arith.constant 0 : i32
        %max3A_627 = arith.maxsi %sub3A_625, %max3A_626 : i32
        %min3A_628 = arith.minsi %add3A_623, %max3A_627 : i32
        %get3A_629 = arith.index_cast %min3A_628 : i32 to index
        %get3A_630 = memref.load %arg1[%get3A_629] : memref<256xi32, #tpu.memory_space<smem>>
        %dma_start3A_631 = arith.constant 1 : i32
        %dma_start3A_632 = arith.constant 0 : i32
        %dma_start3A_633 = arith.constant 1 : i32
        %dma_start3A_634 = tpu.memref_slice %arg9[%dma_start3A_632, %rem3A_583, %dma_start3A_633] : memref<2x2x8x!tpu.dma_semaphore, #tpu.memory_space<semaphore_mem>> -> memref<1x1x1x!tpu.dma_semaphore, #tpu.memory_space<semaphore_mem>>
        %dma_start3A_635 = tpu.memref_squeeze %dma_start3A_634 : memref<1x1x1x!tpu.dma_semaphore, #tpu.memory_space<semaphore_mem>> -> memref<!tpu.dma_semaphore, #tpu.memory_space<semaphore_mem>>
        %dma_start3A_636 = arith.constant 0 : i32
        %dma_start3A_637 = arith.constant 0 : i32
        %dma_start3A_638 = tpu.memref_slice %arg6[%rem3A_583, %dma_start3A_631, %dma_start3A_636, %dma_start3A_637] : memref<2x8x1176x128xf32, #tpu.memory_space<vmem>> -> memref<1x1x1176x128xf32, #tpu.memory_space<vmem>>
        %dma_start3A_639 = tpu.memref_squeeze %dma_start3A_638 : memref<1x1x1176x128xf32, #tpu.memory_space<vmem>> -> memref<1176x128xf32, #tpu.memory_space<vmem>>
        %dma_start3A_640 = arith.constant 0 : i32
        %dma_start3A_641 = arith.constant 0 : i32
        %dma_start3A_642 = tpu.memref_slice %arg3[%get3A_630, %dma_start3A_640, %dma_start3A_641] : memref<256x1176x128xf32, #tpu.memory_space<any>> -> memref<1x1176x128xf32, #tpu.memory_space<any>>
        %dma_start3A_643 = tpu.memref_squeeze %dma_start3A_642 : memref<1x1176x128xf32, #tpu.memory_space<any>> -> memref<1176x128xf32, #tpu.memory_space<any>>
        tpu.enqueue_dma source(%dma_start3A_643 : memref<1176x128xf32, #tpu.memory_space<any>>) target(%dma_start3A_639 : memref<1176x128xf32, #tpu.memory_space<vmem>>) target_semaphore(%dma_start3A_635 : memref<!tpu.dma_semaphore, #tpu.memory_space<semaphore_mem>>)
        %dma_start3A_644 = arith.constant 1 : i32
        %dma_start3A_645 = arith.constant 1 : i32
        %dma_start3A_646 = arith.constant 1 : i32
        %dma_start3A_647 = tpu.memref_slice %arg9[%dma_start3A_645, %rem3A_583, %dma_start3A_646] : memref<2x2x8x!tpu.dma_semaphore, #tpu.memory_space<semaphore_mem>> -> memref<1x1x1x!tpu.dma_semaphore, #tpu.memory_space<semaphore_mem>>
        %dma_start3A_648 = tpu.memref_squeeze %dma_start3A_647 : memref<1x1x1x!tpu.dma_semaphore, #tpu.memory_space<semaphore_mem>> -> memref<!tpu.dma_semaphore, #tpu.memory_space<semaphore_mem>>
        %dma_start3A_649 = arith.constant 0 : i32
        %dma_start3A_650 = arith.constant 0 : i32
        %dma_start3A_651 = tpu.memref_slice %arg7[%rem3A_583, %dma_start3A_644, %dma_start3A_649, %dma_start3A_650] : memref<2x8x1176x128xf32, #tpu.memory_space<vmem>> -> memref<1x1x1176x128xf32, #tpu.memory_space<vmem>>
        %dma_start3A_652 = tpu.memref_squeeze %dma_start3A_651 : memref<1x1x1176x128xf32, #tpu.memory_space<vmem>> -> memref<1176x128xf32, #tpu.memory_space<vmem>>
        %dma_start3A_653 = arith.constant 0 : i32
        %dma_start3A_654 = arith.constant 0 : i32
        %dma_start3A_655 = tpu.memref_slice %arg4[%get3A_630, %dma_start3A_653, %dma_start3A_654] : memref<256x1176x128xf32, #tpu.memory_space<any>> -> memref<1x1176x128xf32, #tpu.memory_space<any>>
        %dma_start3A_656 = tpu.memref_squeeze %dma_start3A_655 : memref<1x1176x128xf32, #tpu.memory_space<any>> -> memref<1176x128xf32, #tpu.memory_space<any>>
        tpu.enqueue_dma source(%dma_start3A_656 : memref<1176x128xf32, #tpu.memory_space<any>>) target(%dma_start3A_652 : memref<1176x128xf32, #tpu.memory_space<vmem>>) target_semaphore(%dma_start3A_648 : memref<!tpu.dma_semaphore, #tpu.memory_space<semaphore_mem>>)
        %mul3A_657 = arith.constant 8 : i32
        %mul3A_658 = arith.muli %add3A_581, %mul3A_657 : i32
        %add3A_659 = arith.constant 2 : i32
        %add3A_660 = arith.addi %mul3A_658, %add3A_659 : i32
        %sub3A_661 = arith.constant 1 : i32
        %sub3A_662 = arith.subi %get3A_0, %sub3A_661 : i32
        %max3A_663 = arith.constant 0 : i32
        %max3A_664 = arith.maxsi %sub3A_662, %max3A_663 : i32
        %min3A_665 = arith.minsi %add3A_660, %max3A_664 : i32
        %get3A_666 = arith.index_cast %min3A_665 : i32 to index
        %get3A_667 = memref.load %arg1[%get3A_666] : memref<256xi32, #tpu.memory_space<smem>>
        %dma_start3A_668 = arith.constant 2 : i32
        %dma_start3A_669 = arith.constant 0 : i32
        %dma_start3A_670 = arith.constant 2 : i32
        %dma_start3A_671 = tpu.memref_slice %arg9[%dma_start3A_669, %rem3A_583, %dma_start3A_670] : memref<2x2x8x!tpu.dma_semaphore, #tpu.memory_space<semaphore_mem>> -> memref<1x1x1x!tpu.dma_semaphore, #tpu.memory_space<semaphore_mem>>
        %dma_start3A_672 = tpu.memref_squeeze %dma_start3A_671 : memref<1x1x1x!tpu.dma_semaphore, #tpu.memory_space<semaphore_mem>> -> memref<!tpu.dma_semaphore, #tpu.memory_space<semaphore_mem>>
        %dma_start3A_673 = arith.constant 0 : i32
        %dma_start3A_674 = arith.constant 0 : i32
        %dma_start3A_675 = tpu.memref_slice %arg6[%rem3A_583, %dma_start3A_668, %dma_start3A_673, %dma_start3A_674] : memref<2x8x1176x128xf32, #tpu.memory_space<vmem>> -> memref<1x1x1176x128xf32, #tpu.memory_space<vmem>>
        %dma_start3A_676 = tpu.memref_squeeze %dma_start3A_675 : memref<1x1x1176x128xf32, #tpu.memory_space<vmem>> -> memref<1176x128xf32, #tpu.memory_space<vmem>>
        %dma_start3A_677 = arith.constant 0 : i32
        %dma_start3A_678 = arith.constant 0 : i32
        %dma_start3A_679 = tpu.memref_slice %arg3[%get3A_667, %dma_start3A_677, %dma_start3A_678] : memref<256x1176x128xf32, #tpu.memory_space<any>> -> memref<1x1176x128xf32, #tpu.memory_space<any>>
        %dma_start3A_680 = tpu.memref_squeeze %dma_start3A_679 : memref<1x1176x128xf32, #tpu.memory_space<any>> -> memref<1176x128xf32, #tpu.memory_space<any>>
        tpu.enqueue_dma source(%dma_start3A_680 : memref<1176x128xf32, #tpu.memory_space<any>>) target(%dma_start3A_676 : memref<1176x128xf32, #tpu.memory_space<vmem>>) target_semaphore(%dma_start3A_672 : memref<!tpu.dma_semaphore, #tpu.memory_space<semaphore_mem>>)
        %dma_start3A_681 = arith.constant 2 : i32
        %dma_start3A_682 = arith.constant 1 : i32
        %dma_start3A_683 = arith.constant 2 : i32
        %dma_start3A_684 = tpu.memref_slice %arg9[%dma_start3A_682, %rem3A_583, %dma_start3A_683] : memref<2x2x8x!tpu.dma_semaphore, #tpu.memory_space<semaphore_mem>> -> memref<1x1x1x!tpu.dma_semaphore, #tpu.memory_space<semaphore_mem>>
        %dma_start3A_685 = tpu.memref_squeeze %dma_start3A_684 : memref<1x1x1x!tpu.dma_semaphore, #tpu.memory_space<semaphore_mem>> -> memref<!tpu.dma_semaphore, #tpu.memory_space<semaphore_mem>>
        %dma_start3A_686 = arith.constant 0 : i32
        %dma_start3A_687 = arith.constant 0 : i32
        %dma_start3A_688 = tpu.memref_slice %arg7[%rem3A_583, %dma_start3A_681, %dma_start3A_686, %dma_start3A_687] : memref<2x8x1176x128xf32, #tpu.memory_space<vmem>> -> memref<1x1x1176x128xf32, #tpu.memory_space<vmem>>
        %dma_start3A_689 = tpu.memref_squeeze %dma_start3A_688 : memref<1x1x1176x128xf32, #tpu.memory_space<vmem>> -> memref<1176x128xf32, #tpu.memory_space<vmem>>
        %dma_start3A_690 = arith.constant 0 : i32
        %dma_start3A_691 = arith.constant 0 : i32
        %dma_start3A_692 = tpu.memref_slice %arg4[%get3A_667, %dma_start3A_690, %dma_start3A_691] : memref<256x1176x128xf32, #tpu.memory_space<any>> -> memref<1x1176x128xf32, #tpu.memory_space<any>>
        %dma_start3A_693 = tpu.memref_squeeze %dma_start3A_692 : memref<1x1176x128xf32, #tpu.memory_space<any>> -> memref<1176x128xf32, #tpu.memory_space<any>>
        tpu.enqueue_dma source(%dma_start3A_693 : memref<1176x128xf32, #tpu.memory_space<any>>) target(%dma_start3A_689 : memref<1176x128xf32, #tpu.memory_space<vmem>>) target_semaphore(%dma_start3A_685 : memref<!tpu.dma_semaphore, #tpu.memory_space<semaphore_mem>>)
        %mul3A_694 = arith.constant 8 : i32
        %mul3A_695 = arith.muli %add3A_581, %mul3A_694 : i32
        %add3A_696 = arith.constant 3 : i32
        %add3A_697 = arith.addi %mul3A_695, %add3A_696 : i32
        %sub3A_698 = arith.constant 1 : i32
        %sub3A_699 = arith.subi %get3A_0, %sub3A_698 : i32
        %max3A_700 = arith.constant 0 : i32
        %max3A_701 = arith.maxsi %sub3A_699, %max3A_700 : i32
        %min3A_702 = arith.minsi %add3A_697, %max3A_701 : i32
        %get3A_703 = arith.index_cast %min3A_702 : i32 to index
        %get3A_704 = memref.load %arg1[%get3A_703] : memref<256xi32, #tpu.memory_space<smem>>
        %dma_start3A_705 = arith.constant 3 : i32
        %dma_start3A_706 = arith.constant 0 : i32
        %dma_start3A_707 = arith.constant 3 : i32
        %dma_start3A_708 = tpu.memref_slice %arg9[%dma_start3A_706, %rem3A_583, %dma_start3A_707] : memref<2x2x8x!tpu.dma_semaphore, #tpu.memory_space<semaphore_mem>> -> memref<1x1x1x!tpu.dma_semaphore, #tpu.memory_space<semaphore_mem>>
        %dma_start3A_709 = tpu.memref_squeeze %dma_start3A_708 : memref<1x1x1x!tpu.dma_semaphore, #tpu.memory_space<semaphore_mem>> -> memref<!tpu.dma_semaphore, #tpu.memory_space<semaphore_mem>>
        %dma_start3A_710 = arith.constant 0 : i32
        %dma_start3A_711 = arith.constant 0 : i32
        %dma_start3A_712 = tpu.memref_slice %arg6[%rem3A_583, %dma_start3A_705, %dma_start3A_710, %dma_start3A_711] : memref<2x8x1176x128xf32, #tpu.memory_space<vmem>> -> memref<1x1x1176x128xf32, #tpu.memory_space<vmem>>
        %dma_start3A_713 = tpu.memref_squeeze %dma_start3A_712 : memref<1x1x1176x128xf32, #tpu.memory_space<vmem>> -> memref<1176x128xf32, #tpu.memory_space<vmem>>
        %dma_start3A_714 = arith.constant 0 : i32
        %dma_start3A_715 = arith.constant 0 : i32
        %dma_start3A_716 = tpu.memref_slice %arg3[%get3A_704, %dma_start3A_714, %dma_start3A_715] : memref<256x1176x128xf32, #tpu.memory_space<any>> -> memref<1x1176x128xf32, #tpu.memory_space<any>>
        %dma_start3A_717 = tpu.memref_squeeze %dma_start3A_716 : memref<1x1176x128xf32, #tpu.memory_space<any>> -> memref<1176x128xf32, #tpu.memory_space<any>>
        tpu.enqueue_dma source(%dma_start3A_717 : memref<1176x128xf32, #tpu.memory_space<any>>) target(%dma_start3A_713 : memref<1176x128xf32, #tpu.memory_space<vmem>>) target_semaphore(%dma_start3A_709 : memref<!tpu.dma_semaphore, #tpu.memory_space<semaphore_mem>>)
        %dma_start3A_718 = arith.constant 3 : i32
        %dma_start3A_719 = arith.constant 1 : i32
        %dma_start3A_720 = arith.constant 3 : i32
        %dma_start3A_721 = tpu.memref_slice %arg9[%dma_start3A_719, %rem3A_583, %dma_start3A_720] : memref<2x2x8x!tpu.dma_semaphore, #tpu.memory_space<semaphore_mem>> -> memref<1x1x1x!tpu.dma_semaphore, #tpu.memory_space<semaphore_mem>>
        %dma_start3A_722 = tpu.memref_squeeze %dma_start3A_721 : memref<1x1x1x!tpu.dma_semaphore, #tpu.memory_space<semaphore_mem>> -> memref<!tpu.dma_semaphore, #tpu.memory_space<semaphore_mem>>
        %dma_start3A_723 = arith.constant 0 : i32
        %dma_start3A_724 = arith.constant 0 : i32
        %dma_start3A_725 = tpu.memref_slice %arg7[%rem3A_583, %dma_start3A_718, %dma_start3A_723, %dma_start3A_724] : memref<2x8x1176x128xf32, #tpu.memory_space<vmem>> -> memref<1x1x1176x128xf32, #tpu.memory_space<vmem>>
        %dma_start3A_726 = tpu.memref_squeeze %dma_start3A_725 : memref<1x1x1176x128xf32, #tpu.memory_space<vmem>> -> memref<1176x128xf32, #tpu.memory_space<vmem>>
        %dma_start3A_727 = arith.constant 0 : i32
        %dma_start3A_728 = arith.constant 0 : i32
        %dma_start3A_729 = tpu.memref_slice %arg4[%get3A_704, %dma_start3A_727, %dma_start3A_728] : memref<256x1176x128xf32, #tpu.memory_space<any>> -> memref<1x1176x128xf32, #tpu.memory_space<any>>
        %dma_start3A_730 = tpu.memref_squeeze %dma_start3A_729 : memref<1x1176x128xf32, #tpu.memory_space<any>> -> memref<1176x128xf32, #tpu.memory_space<any>>
        tpu.enqueue_dma source(%dma_start3A_730 : memref<1176x128xf32, #tpu.memory_space<any>>) target(%dma_start3A_726 : memref<1176x128xf32, #tpu.memory_space<vmem>>) target_semaphore(%dma_start3A_722 : memref<!tpu.dma_semaphore, #tpu.memory_space<semaphore_mem>>)
        %mul3A_731 = arith.constant 8 : i32
        %mul3A_732 = arith.muli %add3A_581, %mul3A_731 : i32
        %add3A_733 = arith.constant 4 : i32
        %add3A_734 = arith.addi %mul3A_732, %add3A_733 : i32
        %sub3A_735 = arith.constant 1 : i32
        %sub3A_736 = arith.subi %get3A_0, %sub3A_735 : i32
        %max3A_737 = arith.constant 0 : i32
        %max3A_738 = arith.maxsi %sub3A_736, %max3A_737 : i32
        %min3A_739 = arith.minsi %add3A_734, %max3A_738 : i32
        %get3A_740 = arith.index_cast %min3A_739 : i32 to index
        %get3A_741 = memref.load %arg1[%get3A_740] : memref<256xi32, #tpu.memory_space<smem>>
        %dma_start3A_742 = arith.constant 4 : i32
        %dma_start3A_743 = arith.constant 0 : i32
        %dma_start3A_744 = arith.constant 4 : i32
        %dma_start3A_745 = tpu.memref_slice %arg9[%dma_start3A_743, %rem3A_583, %dma_start3A_744] : memref<2x2x8x!tpu.dma_semaphore, #tpu.memory_space<semaphore_mem>> -> memref<1x1x1x!tpu.dma_semaphore, #tpu.memory_space<semaphore_mem>>
        %dma_start3A_746 = tpu.memref_squeeze %dma_start3A_745 : memref<1x1x1x!tpu.dma_semaphore, #tpu.memory_space<semaphore_mem>> -> memref<!tpu.dma_semaphore, #tpu.memory_space<semaphore_mem>>
        %dma_start3A_747 = arith.constant 0 : i32
        %dma_start3A_748 = arith.constant 0 : i32
        %dma_start3A_749 = tpu.memref_slice %arg6[%rem3A_583, %dma_start3A_742, %dma_start3A_747, %dma_start3A_748] : memref<2x8x1176x128xf32, #tpu.memory_space<vmem>> -> memref<1x1x1176x128xf32, #tpu.memory_space<vmem>>
        %dma_start3A_750 = tpu.memref_squeeze %dma_start3A_749 : memref<1x1x1176x128xf32, #tpu.memory_space<vmem>> -> memref<1176x128xf32, #tpu.memory_space<vmem>>
        %dma_start3A_751 = arith.constant 0 : i32
        %dma_start3A_752 = arith.constant 0 : i32
        %dma_start3A_753 = tpu.memref_slice %arg3[%get3A_741, %dma_start3A_751, %dma_start3A_752] : memref<256x1176x128xf32, #tpu.memory_space<any>> -> memref<1x1176x128xf32, #tpu.memory_space<any>>
        %dma_start3A_754 = tpu.memref_squeeze %dma_start3A_753 : memref<1x1176x128xf32, #tpu.memory_space<any>> -> memref<1176x128xf32, #tpu.memory_space<any>>
        tpu.enqueue_dma source(%dma_start3A_754 : memref<1176x128xf32, #tpu.memory_space<any>>) target(%dma_start3A_750 : memref<1176x128xf32, #tpu.memory_space<vmem>>) target_semaphore(%dma_start3A_746 : memref<!tpu.dma_semaphore, #tpu.memory_space<semaphore_mem>>)
        %dma_start3A_755 = arith.constant 4 : i32
        %dma_start3A_756 = arith.constant 1 : i32
        %dma_start3A_757 = arith.constant 4 : i32
        %dma_start3A_758 = tpu.memref_slice %arg9[%dma_start3A_756, %rem3A_583, %dma_start3A_757] : memref<2x2x8x!tpu.dma_semaphore, #tpu.memory_space<semaphore_mem>> -> memref<1x1x1x!tpu.dma_semaphore, #tpu.memory_space<semaphore_mem>>
        %dma_start3A_759 = tpu.memref_squeeze %dma_start3A_758 : memref<1x1x1x!tpu.dma_semaphore, #tpu.memory_space<semaphore_mem>> -> memref<!tpu.dma_semaphore, #tpu.memory_space<semaphore_mem>>
        %dma_start3A_760 = arith.constant 0 : i32
        %dma_start3A_761 = arith.constant 0 : i32
        %dma_start3A_762 = tpu.memref_slice %arg7[%rem3A_583, %dma_start3A_755, %dma_start3A_760, %dma_start3A_761] : memref<2x8x1176x128xf32, #tpu.memory_space<vmem>> -> memref<1x1x1176x128xf32, #tpu.memory_space<vmem>>
        %dma_start3A_763 = tpu.memref_squeeze %dma_start3A_762 : memref<1x1x1176x128xf32, #tpu.memory_space<vmem>> -> memref<1176x128xf32, #tpu.memory_space<vmem>>
        %dma_start3A_764 = arith.constant 0 : i32
        %dma_start3A_765 = arith.constant 0 : i32
        %dma_start3A_766 = tpu.memref_slice %arg4[%get3A_741, %dma_start3A_764, %dma_start3A_765] : memref<256x1176x128xf32, #tpu.memory_space<any>> -> memref<1x1176x128xf32, #tpu.memory_space<any>>
        %dma_start3A_767 = tpu.memref_squeeze %dma_start3A_766 : memref<1x1176x128xf32, #tpu.memory_space<any>> -> memref<1176x128xf32, #tpu.memory_space<any>>
        tpu.enqueue_dma source(%dma_start3A_767 : memref<1176x128xf32, #tpu.memory_space<any>>) target(%dma_start3A_763 : memref<1176x128xf32, #tpu.memory_space<vmem>>) target_semaphore(%dma_start3A_759 : memref<!tpu.dma_semaphore, #tpu.memory_space<semaphore_mem>>)
        %mul3A_768 = arith.constant 8 : i32
        %mul3A_769 = arith.muli %add3A_581, %mul3A_768 : i32
        %add3A_770 = arith.constant 5 : i32
        %add3A_771 = arith.addi %mul3A_769, %add3A_770 : i32
        %sub3A_772 = arith.constant 1 : i32
        %sub3A_773 = arith.subi %get3A_0, %sub3A_772 : i32
        %max3A_774 = arith.constant 0 : i32
        %max3A_775 = arith.maxsi %sub3A_773, %max3A_774 : i32
        %min3A_776 = arith.minsi %add3A_771, %max3A_775 : i32
        %get3A_777 = arith.index_cast %min3A_776 : i32 to index
        %get3A_778 = memref.load %arg1[%get3A_777] : memref<256xi32, #tpu.memory_space<smem>>
        %dma_start3A_779 = arith.constant 5 : i32
        %dma_start3A_780 = arith.constant 0 : i32
        %dma_start3A_781 = arith.constant 5 : i32
        %dma_start3A_782 = tpu.memref_slice %arg9[%dma_start3A_780, %rem3A_583, %dma_start3A_781] : memref<2x2x8x!tpu.dma_semaphore, #tpu.memory_space<semaphore_mem>> -> memref<1x1x1x!tpu.dma_semaphore, #tpu.memory_space<semaphore_mem>>
        %dma_start3A_783 = tpu.memref_squeeze %dma_start3A_782 : memref<1x1x1x!tpu.dma_semaphore, #tpu.memory_space<semaphore_mem>> -> memref<!tpu.dma_semaphore, #tpu.memory_space<semaphore_mem>>
        %dma_start3A_784 = arith.constant 0 : i32
        %dma_start3A_785 = arith.constant 0 : i32
        %dma_start3A_786 = tpu.memref_slice %arg6[%rem3A_583, %dma_start3A_779, %dma_start3A_784, %dma_start3A_785] : memref<2x8x1176x128xf32, #tpu.memory_space<vmem>> -> memref<1x1x1176x128xf32, #tpu.memory_space<vmem>>
        %dma_start3A_787 = tpu.memref_squeeze %dma_start3A_786 : memref<1x1x1176x128xf32, #tpu.memory_space<vmem>> -> memref<1176x128xf32, #tpu.memory_space<vmem>>
        %dma_start3A_788 = arith.constant 0 : i32
        %dma_start3A_789 = arith.constant 0 : i32
        %dma_start3A_790 = tpu.memref_slice %arg3[%get3A_778, %dma_start3A_788, %dma_start3A_789] : memref<256x1176x128xf32, #tpu.memory_space<any>> -> memref<1x1176x128xf32, #tpu.memory_space<any>>
        %dma_start3A_791 = tpu.memref_squeeze %dma_start3A_790 : memref<1x1176x128xf32, #tpu.memory_space<any>> -> memref<1176x128xf32, #tpu.memory_space<any>>
        tpu.enqueue_dma source(%dma_start3A_791 : memref<1176x128xf32, #tpu.memory_space<any>>) target(%dma_start3A_787 : memref<1176x128xf32, #tpu.memory_space<vmem>>) target_semaphore(%dma_start3A_783 : memref<!tpu.dma_semaphore, #tpu.memory_space<semaphore_mem>>)
        %dma_start3A_792 = arith.constant 5 : i32
        %dma_start3A_793 = arith.constant 1 : i32
        %dma_start3A_794 = arith.constant 5 : i32
        %dma_start3A_795 = tpu.memref_slice %arg9[%dma_start3A_793, %rem3A_583, %dma_start3A_794] : memref<2x2x8x!tpu.dma_semaphore, #tpu.memory_space<semaphore_mem>> -> memref<1x1x1x!tpu.dma_semaphore, #tpu.memory_space<semaphore_mem>>
        %dma_start3A_796 = tpu.memref_squeeze %dma_start3A_795 : memref<1x1x1x!tpu.dma_semaphore, #tpu.memory_space<semaphore_mem>> -> memref<!tpu.dma_semaphore, #tpu.memory_space<semaphore_mem>>
        %dma_start3A_797 = arith.constant 0 : i32
        %dma_start3A_798 = arith.constant 0 : i32
        %dma_start3A_799 = tpu.memref_slice %arg7[%rem3A_583, %dma_start3A_792, %dma_start3A_797, %dma_start3A_798] : memref<2x8x1176x128xf32, #tpu.memory_space<vmem>> -> memref<1x1x1176x128xf32, #tpu.memory_space<vmem>>
        %dma_start3A_800 = tpu.memref_squeeze %dma_start3A_799 : memref<1x1x1176x128xf32, #tpu.memory_space<vmem>> -> memref<1176x128xf32, #tpu.memory_space<vmem>>
        %dma_start3A_801 = arith.constant 0 : i32
        %dma_start3A_802 = arith.constant 0 : i32
        %dma_start3A_803 = tpu.memref_slice %arg4[%get3A_778, %dma_start3A_801, %dma_start3A_802] : memref<256x1176x128xf32, #tpu.memory_space<any>> -> memref<1x1176x128xf32, #tpu.memory_space<any>>
        %dma_start3A_804 = tpu.memref_squeeze %dma_start3A_803 : memref<1x1176x128xf32, #tpu.memory_space<any>> -> memref<1176x128xf32, #tpu.memory_space<any>>
        tpu.enqueue_dma source(%dma_start3A_804 : memref<1176x128xf32, #tpu.memory_space<any>>) target(%dma_start3A_800 : memref<1176x128xf32, #tpu.memory_space<vmem>>) target_semaphore(%dma_start3A_796 : memref<!tpu.dma_semaphore, #tpu.memory_space<semaphore_mem>>)
        %mul3A_805 = arith.constant 8 : i32
        %mul3A_806 = arith.muli %add3A_581, %mul3A_805 : i32
        %add3A_807 = arith.constant 6 : i32
        %add3A_808 = arith.addi %mul3A_806, %add3A_807 : i32
        %sub3A_809 = arith.constant 1 : i32
        %sub3A_810 = arith.subi %get3A_0, %sub3A_809 : i32
        %max3A_811 = arith.constant 0 : i32
        %max3A_812 = arith.maxsi %sub3A_810, %max3A_811 : i32
        %min3A_813 = arith.minsi %add3A_808, %max3A_812 : i32
        %get3A_814 = arith.index_cast %min3A_813 : i32 to index
        %get3A_815 = memref.load %arg1[%get3A_814] : memref<256xi32, #tpu.memory_space<smem>>
        %dma_start3A_816 = arith.constant 6 : i32
        %dma_start3A_817 = arith.constant 0 : i32
        %dma_start3A_818 = arith.constant 6 : i32
        %dma_start3A_819 = tpu.memref_slice %arg9[%dma_start3A_817, %rem3A_583, %dma_start3A_818] : memref<2x2x8x!tpu.dma_semaphore, #tpu.memory_space<semaphore_mem>> -> memref<1x1x1x!tpu.dma_semaphore, #tpu.memory_space<semaphore_mem>>
        %dma_start3A_820 = tpu.memref_squeeze %dma_start3A_819 : memref<1x1x1x!tpu.dma_semaphore, #tpu.memory_space<semaphore_mem>> -> memref<!tpu.dma_semaphore, #tpu.memory_space<semaphore_mem>>
        %dma_start3A_821 = arith.constant 0 : i32
        %dma_start3A_822 = arith.constant 0 : i32
        %dma_start3A_823 = tpu.memref_slice %arg6[%rem3A_583, %dma_start3A_816, %dma_start3A_821, %dma_start3A_822] : memref<2x8x1176x128xf32, #tpu.memory_space<vmem>> -> memref<1x1x1176x128xf32, #tpu.memory_space<vmem>>
        %dma_start3A_824 = tpu.memref_squeeze %dma_start3A_823 : memref<1x1x1176x128xf32, #tpu.memory_space<vmem>> -> memref<1176x128xf32, #tpu.memory_space<vmem>>
        %dma_start3A_825 = arith.constant 0 : i32
        %dma_start3A_826 = arith.constant 0 : i32
        %dma_start3A_827 = tpu.memref_slice %arg3[%get3A_815, %dma_start3A_825, %dma_start3A_826] : memref<256x1176x128xf32, #tpu.memory_space<any>> -> memref<1x1176x128xf32, #tpu.memory_space<any>>
        %dma_start3A_828 = tpu.memref_squeeze %dma_start3A_827 : memref<1x1176x128xf32, #tpu.memory_space<any>> -> memref<1176x128xf32, #tpu.memory_space<any>>
        tpu.enqueue_dma source(%dma_start3A_828 : memref<1176x128xf32, #tpu.memory_space<any>>) target(%dma_start3A_824 : memref<1176x128xf32, #tpu.memory_space<vmem>>) target_semaphore(%dma_start3A_820 : memref<!tpu.dma_semaphore, #tpu.memory_space<semaphore_mem>>)
        %dma_start3A_829 = arith.constant 6 : i32
        %dma_start3A_830 = arith.constant 1 : i32
        %dma_start3A_831 = arith.constant 6 : i32
        %dma_start3A_832 = tpu.memref_slice %arg9[%dma_start3A_830, %rem3A_583, %dma_start3A_831] : memref<2x2x8x!tpu.dma_semaphore, #tpu.memory_space<semaphore_mem>> -> memref<1x1x1x!tpu.dma_semaphore, #tpu.memory_space<semaphore_mem>>
        %dma_start3A_833 = tpu.memref_squeeze %dma_start3A_832 : memref<1x1x1x!tpu.dma_semaphore, #tpu.memory_space<semaphore_mem>> -> memref<!tpu.dma_semaphore, #tpu.memory_space<semaphore_mem>>
        %dma_start3A_834 = arith.constant 0 : i32
        %dma_start3A_835 = arith.constant 0 : i32
        %dma_start3A_836 = tpu.memref_slice %arg7[%rem3A_583, %dma_start3A_829, %dma_start3A_834, %dma_start3A_835] : memref<2x8x1176x128xf32, #tpu.memory_space<vmem>> -> memref<1x1x1176x128xf32, #tpu.memory_space<vmem>>
        %dma_start3A_837 = tpu.memref_squeeze %dma_start3A_836 : memref<1x1x1176x128xf32, #tpu.memory_space<vmem>> -> memref<1176x128xf32, #tpu.memory_space<vmem>>
        %dma_start3A_838 = arith.constant 0 : i32
        %dma_start3A_839 = arith.constant 0 : i32
        %dma_start3A_840 = tpu.memref_slice %arg4[%get3A_815, %dma_start3A_838, %dma_start3A_839] : memref<256x1176x128xf32, #tpu.memory_space<any>> -> memref<1x1176x128xf32, #tpu.memory_space<any>>
        %dma_start3A_841 = tpu.memref_squeeze %dma_start3A_840 : memref<1x1176x128xf32, #tpu.memory_space<any>> -> memref<1176x128xf32, #tpu.memory_space<any>>
        tpu.enqueue_dma source(%dma_start3A_841 : memref<1176x128xf32, #tpu.memory_space<any>>) target(%dma_start3A_837 : memref<1176x128xf32, #tpu.memory_space<vmem>>) target_semaphore(%dma_start3A_833 : memref<!tpu.dma_semaphore, #tpu.memory_space<semaphore_mem>>)
        %mul3A_842 = arith.constant 8 : i32
        %mul3A_843 = arith.muli %add3A_581, %mul3A_842 : i32
        %add3A_844 = arith.constant 7 : i32
        %add3A_845 = arith.addi %mul3A_843, %add3A_844 : i32
        %sub3A_846 = arith.constant 1 : i32
        %sub3A_847 = arith.subi %get3A_0, %sub3A_846 : i32
        %max3A_848 = arith.constant 0 : i32
        %max3A_849 = arith.maxsi %sub3A_847, %max3A_848 : i32
        %min3A_850 = arith.minsi %add3A_845, %max3A_849 : i32
        %get3A_851 = arith.index_cast %min3A_850 : i32 to index
        %get3A_852 = memref.load %arg1[%get3A_851] : memref<256xi32, #tpu.memory_space<smem>>
        %dma_start3A_853 = arith.constant 7 : i32
        %dma_start3A_854 = arith.constant 0 : i32
        %dma_start3A_855 = arith.constant 7 : i32
        %dma_start3A_856 = tpu.memref_slice %arg9[%dma_start3A_854, %rem3A_583, %dma_start3A_855] : memref<2x2x8x!tpu.dma_semaphore, #tpu.memory_space<semaphore_mem>> -> memref<1x1x1x!tpu.dma_semaphore, #tpu.memory_space<semaphore_mem>>
        %dma_start3A_857 = tpu.memref_squeeze %dma_start3A_856 : memref<1x1x1x!tpu.dma_semaphore, #tpu.memory_space<semaphore_mem>> -> memref<!tpu.dma_semaphore, #tpu.memory_space<semaphore_mem>>
        %dma_start3A_858 = arith.constant 0 : i32
        %dma_start3A_859 = arith.constant 0 : i32
        %dma_start3A_860 = tpu.memref_slice %arg6[%rem3A_583, %dma_start3A_853, %dma_start3A_858, %dma_start3A_859] : memref<2x8x1176x128xf32, #tpu.memory_space<vmem>> -> memref<1x1x1176x128xf32, #tpu.memory_space<vmem>>
        %dma_start3A_861 = tpu.memref_squeeze %dma_start3A_860 : memref<1x1x1176x128xf32, #tpu.memory_space<vmem>> -> memref<1176x128xf32, #tpu.memory_space<vmem>>
        %dma_start3A_862 = arith.constant 0 : i32
        %dma_start3A_863 = arith.constant 0 : i32
        %dma_start3A_864 = tpu.memref_slice %arg3[%get3A_852, %dma_start3A_862, %dma_start3A_863] : memref<256x1176x128xf32, #tpu.memory_space<any>> -> memref<1x1176x128xf32, #tpu.memory_space<any>>
        %dma_start3A_865 = tpu.memref_squeeze %dma_start3A_864 : memref<1x1176x128xf32, #tpu.memory_space<any>> -> memref<1176x128xf32, #tpu.memory_space<any>>
        tpu.enqueue_dma source(%dma_start3A_865 : memref<1176x128xf32, #tpu.memory_space<any>>) target(%dma_start3A_861 : memref<1176x128xf32, #tpu.memory_space<vmem>>) target_semaphore(%dma_start3A_857 : memref<!tpu.dma_semaphore, #tpu.memory_space<semaphore_mem>>)
        %dma_start3A_866 = arith.constant 7 : i32
        %dma_start3A_867 = arith.constant 1 : i32
        %dma_start3A_868 = arith.constant 7 : i32
        %dma_start3A_869 = tpu.memref_slice %arg9[%dma_start3A_867, %rem3A_583, %dma_start3A_868] : memref<2x2x8x!tpu.dma_semaphore, #tpu.memory_space<semaphore_mem>> -> memref<1x1x1x!tpu.dma_semaphore, #tpu.memory_space<semaphore_mem>>
        %dma_start3A_870 = tpu.memref_squeeze %dma_start3A_869 : memref<1x1x1x!tpu.dma_semaphore, #tpu.memory_space<semaphore_mem>> -> memref<!tpu.dma_semaphore, #tpu.memory_space<semaphore_mem>>
        %dma_start3A_871 = arith.constant 0 : i32
        %dma_start3A_872 = arith.constant 0 : i32
        %dma_start3A_873 = tpu.memref_slice %arg7[%rem3A_583, %dma_start3A_866, %dma_start3A_871, %dma_start3A_872] : memref<2x8x1176x128xf32, #tpu.memory_space<vmem>> -> memref<1x1x1176x128xf32, #tpu.memory_space<vmem>>
        %dma_start3A_874 = tpu.memref_squeeze %dma_start3A_873 : memref<1x1x1176x128xf32, #tpu.memory_space<vmem>> -> memref<1176x128xf32, #tpu.memory_space<vmem>>
        %dma_start3A_875 = arith.constant 0 : i32
        %dma_start3A_876 = arith.constant 0 : i32
        %dma_start3A_877 = tpu.memref_slice %arg4[%get3A_852, %dma_start3A_875, %dma_start3A_876] : memref<256x1176x128xf32, #tpu.memory_space<any>> -> memref<1x1176x128xf32, #tpu.memory_space<any>>
        %dma_start3A_878 = tpu.memref_squeeze %dma_start3A_877 : memref<1x1176x128xf32, #tpu.memory_space<any>> -> memref<1176x128xf32, #tpu.memory_space<any>>
        tpu.enqueue_dma source(%dma_start3A_878 : memref<1176x128xf32, #tpu.memory_space<any>>) target(%dma_start3A_874 : memref<1176x128xf32, #tpu.memory_space<vmem>>) target_semaphore(%dma_start3A_870 : memref<!tpu.dma_semaphore, #tpu.memory_space<semaphore_mem>>)
      } else {
      }
    }
    %while3A_38 = arith.constant 1 : i32
    scf.for %while3A_56 = %while3A_36 to %while3A_32 step %while3A_38  : i32 {
      %rem3A_57 = arith.constant 2 : i32
      %rem3A_58 = arith.remsi %while3A_56, %rem3A_57 : i32
      %mul3A_59 = arith.constant 8 : i32
      %mul3A_60 = arith.muli %while3A_56, %mul3A_59 : i32
      %add3A_61 = arith.constant 0 : i32
      %add3A_62 = arith.addi %mul3A_60, %add3A_61 : i32
      %sub3A_63 = arith.constant 1 : i32
      %sub3A_64 = arith.subi %get3A_0, %sub3A_63 : i32
      %max3A = arith.constant 0 : i32
      %max3A_65 = arith.maxsi %sub3A_64, %max3A : i32
      %min3A = arith.minsi %add3A_62, %max3A_65 : i32
      %get3A_66 = arith.index_cast %min3A : i32 to index
      %get3A_67 = memref.load %arg1[%get3A_66] : memref<256xi32, #tpu.memory_space<smem>>
      %dma_wait3A = arith.constant 0 : i32
      %dma_wait3A_68 = arith.constant 0 : i32
      %dma_wait3A_69 = arith.constant 0 : i32
      %dma_wait3A_70 = tpu.memref_slice %arg9[%dma_wait3A_68, %rem3A_58, %dma_wait3A_69] : memref<2x2x8x!tpu.dma_semaphore, #tpu.memory_space<semaphore_mem>> -> memref<1x1x1x!tpu.dma_semaphore, #tpu.memory_space<semaphore_mem>>
      %dma_wait3A_71 = tpu.memref_squeeze %dma_wait3A_70 : memref<1x1x1x!tpu.dma_semaphore, #tpu.memory_space<semaphore_mem>> -> memref<!tpu.dma_semaphore, #tpu.memory_space<semaphore_mem>>
      %dma_wait3A_72 = arith.constant 0 : i32
      %dma_wait3A_73 = arith.constant 0 : i32
      %dma_wait3A_74 = tpu.memref_slice %arg6[%rem3A_58, %dma_wait3A, %dma_wait3A_72, %dma_wait3A_73] : memref<2x8x1176x128xf32, #tpu.memory_space<vmem>> -> memref<1x1x1176x128xf32, #tpu.memory_space<vmem>>
      %dma_wait3A_75 = tpu.memref_squeeze %dma_wait3A_74 : memref<1x1x1176x128xf32, #tpu.memory_space<vmem>> -> memref<1176x128xf32, #tpu.memory_space<vmem>>
      %dma_wait3A_76 = arith.constant 0 : i32
      %dma_wait3A_77 = arith.constant 0 : i32
      %dma_wait3A_78 = tpu.memref_slice %arg3[%get3A_67, %dma_wait3A_76, %dma_wait3A_77] : memref<256x1176x128xf32, #tpu.memory_space<any>> -> memref<1x1176x128xf32, #tpu.memory_space<any>>
      %dma_wait3A_79 = tpu.memref_squeeze %dma_wait3A_78 : memref<1x1176x128xf32, #tpu.memory_space<any>> -> memref<1176x128xf32, #tpu.memory_space<any>>
      tpu.wait_dma2 semaphore(%dma_wait3A_71 : memref<!tpu.dma_semaphore, #tpu.memory_space<semaphore_mem>>) src(%dma_wait3A_79 : memref<1176x128xf32, #tpu.memory_space<any>>) dst(%dma_wait3A_75 : memref<1176x128xf32, #tpu.memory_space<vmem>>)
      %dma_wait3A_80 = arith.constant 0 : i32
      %dma_wait3A_81 = arith.constant 1 : i32
      %dma_wait3A_82 = arith.constant 0 : i32
      %dma_wait3A_83 = tpu.memref_slice %arg9[%dma_wait3A_81, %rem3A_58, %dma_wait3A_82] : memref<2x2x8x!tpu.dma_semaphore, #tpu.memory_space<semaphore_mem>> -> memref<1x1x1x!tpu.dma_semaphore, #tpu.memory_space<semaphore_mem>>
      %dma_wait3A_84 = tpu.memref_squeeze %dma_wait3A_83 : memref<1x1x1x!tpu.dma_semaphore, #tpu.memory_space<semaphore_mem>> -> memref<!tpu.dma_semaphore, #tpu.memory_space<semaphore_mem>>
      %dma_wait3A_85 = arith.constant 0 : i32
      %dma_wait3A_86 = arith.constant 0 : i32
      %dma_wait3A_87 = tpu.memref_slice %arg7[%rem3A_58, %dma_wait3A_80, %dma_wait3A_85, %dma_wait3A_86] : memref<2x8x1176x128xf32, #tpu.memory_space<vmem>> -> memref<1x1x1176x128xf32, #tpu.memory_space<vmem>>
      %dma_wait3A_88 = tpu.memref_squeeze %dma_wait3A_87 : memref<1x1x1176x128xf32, #tpu.memory_space<vmem>> -> memref<1176x128xf32, #tpu.memory_space<vmem>>
      %dma_wait3A_89 = arith.constant 0 : i32
      %dma_wait3A_90 = arith.constant 0 : i32
      %dma_wait3A_91 = tpu.memref_slice %arg4[%get3A_67, %dma_wait3A_89, %dma_wait3A_90] : memref<256x1176x128xf32, #tpu.memory_space<any>> -> memref<1x1176x128xf32, #tpu.memory_space<any>>
      %dma_wait3A_92 = tpu.memref_squeeze %dma_wait3A_91 : memref<1x1176x128xf32, #tpu.memory_space<any>> -> memref<1176x128xf32, #tpu.memory_space<any>>
      tpu.wait_dma2 semaphore(%dma_wait3A_84 : memref<!tpu.dma_semaphore, #tpu.memory_space<semaphore_mem>>) src(%dma_wait3A_92 : memref<1176x128xf32, #tpu.memory_space<any>>) dst(%dma_wait3A_88 : memref<1176x128xf32, #tpu.memory_space<vmem>>)
      %mul3A_93 = arith.constant 8 : i32
      %mul3A_94 = arith.muli %while3A_56, %mul3A_93 : i32
      %add3A_95 = arith.constant 1 : i32
      %add3A_96 = arith.addi %mul3A_94, %add3A_95 : i32
      %sub3A_97 = arith.constant 1 : i32
      %sub3A_98 = arith.subi %get3A_0, %sub3A_97 : i32
      %max3A_99 = arith.constant 0 : i32
      %max3A_100 = arith.maxsi %sub3A_98, %max3A_99 : i32
      %min3A_101 = arith.minsi %add3A_96, %max3A_100 : i32
      %get3A_102 = arith.index_cast %min3A_101 : i32 to index
      %get3A_103 = memref.load %arg1[%get3A_102] : memref<256xi32, #tpu.memory_space<smem>>
      %dma_wait3A_104 = arith.constant 1 : i32
      %dma_wait3A_105 = arith.constant 0 : i32
      %dma_wait3A_106 = arith.constant 1 : i32
      %dma_wait3A_107 = tpu.memref_slice %arg9[%dma_wait3A_105, %rem3A_58, %dma_wait3A_106] : memref<2x2x8x!tpu.dma_semaphore, #tpu.memory_space<semaphore_mem>> -> memref<1x1x1x!tpu.dma_semaphore, #tpu.memory_space<semaphore_mem>>
      %dma_wait3A_108 = tpu.memref_squeeze %dma_wait3A_107 : memref<1x1x1x!tpu.dma_semaphore, #tpu.memory_space<semaphore_mem>> -> memref<!tpu.dma_semaphore, #tpu.memory_space<semaphore_mem>>
      %dma_wait3A_109 = arith.constant 0 : i32
      %dma_wait3A_110 = arith.constant 0 : i32
      %dma_wait3A_111 = tpu.memref_slice %arg6[%rem3A_58, %dma_wait3A_104, %dma_wait3A_109, %dma_wait3A_110] : memref<2x8x1176x128xf32, #tpu.memory_space<vmem>> -> memref<1x1x1176x128xf32, #tpu.memory_space<vmem>>
      %dma_wait3A_112 = tpu.memref_squeeze %dma_wait3A_111 : memref<1x1x1176x128xf32, #tpu.memory_space<vmem>> -> memref<1176x128xf32, #tpu.memory_space<vmem>>
      %dma_wait3A_113 = arith.constant 0 : i32
      %dma_wait3A_114 = arith.constant 0 : i32
      %dma_wait3A_115 = tpu.memref_slice %arg3[%get3A_103, %dma_wait3A_113, %dma_wait3A_114] : memref<256x1176x128xf32, #tpu.memory_space<any>> -> memref<1x1176x128xf32, #tpu.memory_space<any>>
      %dma_wait3A_116 = tpu.memref_squeeze %dma_wait3A_115 : memref<1x1176x128xf32, #tpu.memory_space<any>> -> memref<1176x128xf32, #tpu.memory_space<any>>
      tpu.wait_dma2 semaphore(%dma_wait3A_108 : memref<!tpu.dma_semaphore, #tpu.memory_space<semaphore_mem>>) src(%dma_wait3A_116 : memref<1176x128xf32, #tpu.memory_space<any>>) dst(%dma_wait3A_112 : memref<1176x128xf32, #tpu.memory_space<vmem>>)
      %dma_wait3A_117 = arith.constant 1 : i32
      %dma_wait3A_118 = arith.constant 1 : i32
      %dma_wait3A_119 = arith.constant 1 : i32
      %dma_wait3A_120 = tpu.memref_slice %arg9[%dma_wait3A_118, %rem3A_58, %dma_wait3A_119] : memref<2x2x8x!tpu.dma_semaphore, #tpu.memory_space<semaphore_mem>> -> memref<1x1x1x!tpu.dma_semaphore, #tpu.memory_space<semaphore_mem>>
      %dma_wait3A_121 = tpu.memref_squeeze %dma_wait3A_120 : memref<1x1x1x!tpu.dma_semaphore, #tpu.memory_space<semaphore_mem>> -> memref<!tpu.dma_semaphore, #tpu.memory_space<semaphore_mem>>
      %dma_wait3A_122 = arith.constant 0 : i32
      %dma_wait3A_123 = arith.constant 0 : i32
      %dma_wait3A_124 = tpu.memref_slice %arg7[%rem3A_58, %dma_wait3A_117, %dma_wait3A_122, %dma_wait3A_123] : memref<2x8x1176x128xf32, #tpu.memory_space<vmem>> -> memref<1x1x1176x128xf32, #tpu.memory_space<vmem>>
      %dma_wait3A_125 = tpu.memref_squeeze %dma_wait3A_124 : memref<1x1x1176x128xf32, #tpu.memory_space<vmem>> -> memref<1176x128xf32, #tpu.memory_space<vmem>>
      %dma_wait3A_126 = arith.constant 0 : i32
      %dma_wait3A_127 = arith.constant 0 : i32
      %dma_wait3A_128 = tpu.memref_slice %arg4[%get3A_103, %dma_wait3A_126, %dma_wait3A_127] : memref<256x1176x128xf32, #tpu.memory_space<any>> -> memref<1x1176x128xf32, #tpu.memory_space<any>>
      %dma_wait3A_129 = tpu.memref_squeeze %dma_wait3A_128 : memref<1x1176x128xf32, #tpu.memory_space<any>> -> memref<1176x128xf32, #tpu.memory_space<any>>
      tpu.wait_dma2 semaphore(%dma_wait3A_121 : memref<!tpu.dma_semaphore, #tpu.memory_space<semaphore_mem>>) src(%dma_wait3A_129 : memref<1176x128xf32, #tpu.memory_space<any>>) dst(%dma_wait3A_125 : memref<1176x128xf32, #tpu.memory_space<vmem>>)
      %mul3A_130 = arith.constant 8 : i32
      %mul3A_131 = arith.muli %while3A_56, %mul3A_130 : i32
      %add3A_132 = arith.constant 2 : i32
      %add3A_133 = arith.addi %mul3A_131, %add3A_132 : i32
      %sub3A_134 = arith.constant 1 : i32
      %sub3A_135 = arith.subi %get3A_0, %sub3A_134 : i32
      %max3A_136 = arith.constant 0 : i32
      %max3A_137 = arith.maxsi %sub3A_135, %max3A_136 : i32
      %min3A_138 = arith.minsi %add3A_133, %max3A_137 : i32
      %get3A_139 = arith.index_cast %min3A_138 : i32 to index
      %get3A_140 = memref.load %arg1[%get3A_139] : memref<256xi32, #tpu.memory_space<smem>>
      %dma_wait3A_141 = arith.constant 2 : i32
      %dma_wait3A_142 = arith.constant 0 : i32
      %dma_wait3A_143 = arith.constant 2 : i32
      %dma_wait3A_144 = tpu.memref_slice %arg9[%dma_wait3A_142, %rem3A_58, %dma_wait3A_143] : memref<2x2x8x!tpu.dma_semaphore, #tpu.memory_space<semaphore_mem>> -> memref<1x1x1x!tpu.dma_semaphore, #tpu.memory_space<semaphore_mem>>
      %dma_wait3A_145 = tpu.memref_squeeze %dma_wait3A_144 : memref<1x1x1x!tpu.dma_semaphore, #tpu.memory_space<semaphore_mem>> -> memref<!tpu.dma_semaphore, #tpu.memory_space<semaphore_mem>>
      %dma_wait3A_146 = arith.constant 0 : i32
      %dma_wait3A_147 = arith.constant 0 : i32
      %dma_wait3A_148 = tpu.memref_slice %arg6[%rem3A_58, %dma_wait3A_141, %dma_wait3A_146, %dma_wait3A_147] : memref<2x8x1176x128xf32, #tpu.memory_space<vmem>> -> memref<1x1x1176x128xf32, #tpu.memory_space<vmem>>
      %dma_wait3A_149 = tpu.memref_squeeze %dma_wait3A_148 : memref<1x1x1176x128xf32, #tpu.memory_space<vmem>> -> memref<1176x128xf32, #tpu.memory_space<vmem>>
      %dma_wait3A_150 = arith.constant 0 : i32
      %dma_wait3A_151 = arith.constant 0 : i32
      %dma_wait3A_152 = tpu.memref_slice %arg3[%get3A_140, %dma_wait3A_150, %dma_wait3A_151] : memref<256x1176x128xf32, #tpu.memory_space<any>> -> memref<1x1176x128xf32, #tpu.memory_space<any>>
      %dma_wait3A_153 = tpu.memref_squeeze %dma_wait3A_152 : memref<1x1176x128xf32, #tpu.memory_space<any>> -> memref<1176x128xf32, #tpu.memory_space<any>>
      tpu.wait_dma2 semaphore(%dma_wait3A_145 : memref<!tpu.dma_semaphore, #tpu.memory_space<semaphore_mem>>) src(%dma_wait3A_153 : memref<1176x128xf32, #tpu.memory_space<any>>) dst(%dma_wait3A_149 : memref<1176x128xf32, #tpu.memory_space<vmem>>)
      %dma_wait3A_154 = arith.constant 2 : i32
      %dma_wait3A_155 = arith.constant 1 : i32
      %dma_wait3A_156 = arith.constant 2 : i32
      %dma_wait3A_157 = tpu.memref_slice %arg9[%dma_wait3A_155, %rem3A_58, %dma_wait3A_156] : memref<2x2x8x!tpu.dma_semaphore, #tpu.memory_space<semaphore_mem>> -> memref<1x1x1x!tpu.dma_semaphore, #tpu.memory_space<semaphore_mem>>
      %dma_wait3A_158 = tpu.memref_squeeze %dma_wait3A_157 : memref<1x1x1x!tpu.dma_semaphore, #tpu.memory_space<semaphore_mem>> -> memref<!tpu.dma_semaphore, #tpu.memory_space<semaphore_mem>>
      %dma_wait3A_159 = arith.constant 0 : i32
      %dma_wait3A_160 = arith.constant 0 : i32
      %dma_wait3A_161 = tpu.memref_slice %arg7[%rem3A_58, %dma_wait3A_154, %dma_wait3A_159, %dma_wait3A_160] : memref<2x8x1176x128xf32, #tpu.memory_space<vmem>> -> memref<1x1x1176x128xf32, #tpu.memory_space<vmem>>
      %dma_wait3A_162 = tpu.memref_squeeze %dma_wait3A_161 : memref<1x1x1176x128xf32, #tpu.memory_space<vmem>> -> memref<1176x128xf32, #tpu.memory_space<vmem>>
      %dma_wait3A_163 = arith.constant 0 : i32
      %dma_wait3A_164 = arith.constant 0 : i32
      %dma_wait3A_165 = tpu.memref_slice %arg4[%get3A_140, %dma_wait3A_163, %dma_wait3A_164] : memref<256x1176x128xf32, #tpu.memory_space<any>> -> memref<1x1176x128xf32, #tpu.memory_space<any>>
      %dma_wait3A_166 = tpu.memref_squeeze %dma_wait3A_165 : memref<1x1176x128xf32, #tpu.memory_space<any>> -> memref<1176x128xf32, #tpu.memory_space<any>>
      tpu.wait_dma2 semaphore(%dma_wait3A_158 : memref<!tpu.dma_semaphore, #tpu.memory_space<semaphore_mem>>) src(%dma_wait3A_166 : memref<1176x128xf32, #tpu.memory_space<any>>) dst(%dma_wait3A_162 : memref<1176x128xf32, #tpu.memory_space<vmem>>)
      %mul3A_167 = arith.constant 8 : i32
      %mul3A_168 = arith.muli %while3A_56, %mul3A_167 : i32
      %add3A_169 = arith.constant 3 : i32
      %add3A_170 = arith.addi %mul3A_168, %add3A_169 : i32
      %sub3A_171 = arith.constant 1 : i32
      %sub3A_172 = arith.subi %get3A_0, %sub3A_171 : i32
      %max3A_173 = arith.constant 0 : i32
      %max3A_174 = arith.maxsi %sub3A_172, %max3A_173 : i32
      %min3A_175 = arith.minsi %add3A_170, %max3A_174 : i32
      %get3A_176 = arith.index_cast %min3A_175 : i32 to index
      %get3A_177 = memref.load %arg1[%get3A_176] : memref<256xi32, #tpu.memory_space<smem>>
      %dma_wait3A_178 = arith.constant 3 : i32
      %dma_wait3A_179 = arith.constant 0 : i32
      %dma_wait3A_180 = arith.constant 3 : i32
      %dma_wait3A_181 = tpu.memref_slice %arg9[%dma_wait3A_179, %rem3A_58, %dma_wait3A_180] : memref<2x2x8x!tpu.dma_semaphore, #tpu.memory_space<semaphore_mem>> -> memref<1x1x1x!tpu.dma_semaphore, #tpu.memory_space<semaphore_mem>>
      %dma_wait3A_182 = tpu.memref_squeeze %dma_wait3A_181 : memref<1x1x1x!tpu.dma_semaphore, #tpu.memory_space<semaphore_mem>> -> memref<!tpu.dma_semaphore, #tpu.memory_space<semaphore_mem>>
      %dma_wait3A_183 = arith.constant 0 : i32
      %dma_wait3A_184 = arith.constant 0 : i32
      %dma_wait3A_185 = tpu.memref_slice %arg6[%rem3A_58, %dma_wait3A_178, %dma_wait3A_183, %dma_wait3A_184] : memref<2x8x1176x128xf32, #tpu.memory_space<vmem>> -> memref<1x1x1176x128xf32, #tpu.memory_space<vmem>>
      %dma_wait3A_186 = tpu.memref_squeeze %dma_wait3A_185 : memref<1x1x1176x128xf32, #tpu.memory_space<vmem>> -> memref<1176x128xf32, #tpu.memory_space<vmem>>
      %dma_wait3A_187 = arith.constant 0 : i32
      %dma_wait3A_188 = arith.constant 0 : i32
      %dma_wait3A_189 = tpu.memref_slice %arg3[%get3A_177, %dma_wait3A_187, %dma_wait3A_188] : memref<256x1176x128xf32, #tpu.memory_space<any>> -> memref<1x1176x128xf32, #tpu.memory_space<any>>
      %dma_wait3A_190 = tpu.memref_squeeze %dma_wait3A_189 : memref<1x1176x128xf32, #tpu.memory_space<any>> -> memref<1176x128xf32, #tpu.memory_space<any>>
      tpu.wait_dma2 semaphore(%dma_wait3A_182 : memref<!tpu.dma_semaphore, #tpu.memory_space<semaphore_mem>>) src(%dma_wait3A_190 : memref<1176x128xf32, #tpu.memory_space<any>>) dst(%dma_wait3A_186 : memref<1176x128xf32, #tpu.memory_space<vmem>>)
      %dma_wait3A_191 = arith.constant 3 : i32
      %dma_wait3A_192 = arith.constant 1 : i32
      %dma_wait3A_193 = arith.constant 3 : i32
      %dma_wait3A_194 = tpu.memref_slice %arg9[%dma_wait3A_192, %rem3A_58, %dma_wait3A_193] : memref<2x2x8x!tpu.dma_semaphore, #tpu.memory_space<semaphore_mem>> -> memref<1x1x1x!tpu.dma_semaphore, #tpu.memory_space<semaphore_mem>>
      %dma_wait3A_195 = tpu.memref_squeeze %dma_wait3A_194 : memref<1x1x1x!tpu.dma_semaphore, #tpu.memory_space<semaphore_mem>> -> memref<!tpu.dma_semaphore, #tpu.memory_space<semaphore_mem>>
      %dma_wait3A_196 = arith.constant 0 : i32
      %dma_wait3A_197 = arith.constant 0 : i32
      %dma_wait3A_198 = tpu.memref_slice %arg7[%rem3A_58, %dma_wait3A_191, %dma_wait3A_196, %dma_wait3A_197] : memref<2x8x1176x128xf32, #tpu.memory_space<vmem>> -> memref<1x1x1176x128xf32, #tpu.memory_space<vmem>>
      %dma_wait3A_199 = tpu.memref_squeeze %dma_wait3A_198 : memref<1x1x1176x128xf32, #tpu.memory_space<vmem>> -> memref<1176x128xf32, #tpu.memory_space<vmem>>
      %dma_wait3A_200 = arith.constant 0 : i32
      %dma_wait3A_201 = arith.constant 0 : i32
      %dma_wait3A_202 = tpu.memref_slice %arg4[%get3A_177, %dma_wait3A_200, %dma_wait3A_201] : memref<256x1176x128xf32, #tpu.memory_space<any>> -> memref<1x1176x128xf32, #tpu.memory_space<any>>
      %dma_wait3A_203 = tpu.memref_squeeze %dma_wait3A_202 : memref<1x1176x128xf32, #tpu.memory_space<any>> -> memref<1176x128xf32, #tpu.memory_space<any>>
      tpu.wait_dma2 semaphore(%dma_wait3A_195 : memref<!tpu.dma_semaphore, #tpu.memory_space<semaphore_mem>>) src(%dma_wait3A_203 : memref<1176x128xf32, #tpu.memory_space<any>>) dst(%dma_wait3A_199 : memref<1176x128xf32, #tpu.memory_space<vmem>>)
      %mul3A_204 = arith.constant 8 : i32
      %mul3A_205 = arith.muli %while3A_56, %mul3A_204 : i32
      %add3A_206 = arith.constant 4 : i32
      %add3A_207 = arith.addi %mul3A_205, %add3A_206 : i32
      %sub3A_208 = arith.constant 1 : i32
      %sub3A_209 = arith.subi %get3A_0, %sub3A_208 : i32
      %max3A_210 = arith.constant 0 : i32
      %max3A_211 = arith.maxsi %sub3A_209, %max3A_210 : i32
      %min3A_212 = arith.minsi %add3A_207, %max3A_211 : i32
      %get3A_213 = arith.index_cast %min3A_212 : i32 to index
      %get3A_214 = memref.load %arg1[%get3A_213] : memref<256xi32, #tpu.memory_space<smem>>
      %dma_wait3A_215 = arith.constant 4 : i32
      %dma_wait3A_216 = arith.constant 0 : i32
      %dma_wait3A_217 = arith.constant 4 : i32
      %dma_wait3A_218 = tpu.memref_slice %arg9[%dma_wait3A_216, %rem3A_58, %dma_wait3A_217] : memref<2x2x8x!tpu.dma_semaphore, #tpu.memory_space<semaphore_mem>> -> memref<1x1x1x!tpu.dma_semaphore, #tpu.memory_space<semaphore_mem>>
      %dma_wait3A_219 = tpu.memref_squeeze %dma_wait3A_218 : memref<1x1x1x!tpu.dma_semaphore, #tpu.memory_space<semaphore_mem>> -> memref<!tpu.dma_semaphore, #tpu.memory_space<semaphore_mem>>
      %dma_wait3A_220 = arith.constant 0 : i32
      %dma_wait3A_221 = arith.constant 0 : i32
      %dma_wait3A_222 = tpu.memref_slice %arg6[%rem3A_58, %dma_wait3A_215, %dma_wait3A_220, %dma_wait3A_221] : memref<2x8x1176x128xf32, #tpu.memory_space<vmem>> -> memref<1x1x1176x128xf32, #tpu.memory_space<vmem>>
      %dma_wait3A_223 = tpu.memref_squeeze %dma_wait3A_222 : memref<1x1x1176x128xf32, #tpu.memory_space<vmem>> -> memref<1176x128xf32, #tpu.memory_space<vmem>>
      %dma_wait3A_224 = arith.constant 0 : i32
      %dma_wait3A_225 = arith.constant 0 : i32
      %dma_wait3A_226 = tpu.memref_slice %arg3[%get3A_214, %dma_wait3A_224, %dma_wait3A_225] : memref<256x1176x128xf32, #tpu.memory_space<any>> -> memref<1x1176x128xf32, #tpu.memory_space<any>>
      %dma_wait3A_227 = tpu.memref_squeeze %dma_wait3A_226 : memref<1x1176x128xf32, #tpu.memory_space<any>> -> memref<1176x128xf32, #tpu.memory_space<any>>
      tpu.wait_dma2 semaphore(%dma_wait3A_219 : memref<!tpu.dma_semaphore, #tpu.memory_space<semaphore_mem>>) src(%dma_wait3A_227 : memref<1176x128xf32, #tpu.memory_space<any>>) dst(%dma_wait3A_223 : memref<1176x128xf32, #tpu.memory_space<vmem>>)
      %dma_wait3A_228 = arith.constant 4 : i32
      %dma_wait3A_229 = arith.constant 1 : i32
      %dma_wait3A_230 = arith.constant 4 : i32
      %dma_wait3A_231 = tpu.memref_slice %arg9[%dma_wait3A_229, %rem3A_58, %dma_wait3A_230] : memref<2x2x8x!tpu.dma_semaphore, #tpu.memory_space<semaphore_mem>> -> memref<1x1x1x!tpu.dma_semaphore, #tpu.memory_space<semaphore_mem>>
      %dma_wait3A_232 = tpu.memref_squeeze %dma_wait3A_231 : memref<1x1x1x!tpu.dma_semaphore, #tpu.memory_space<semaphore_mem>> -> memref<!tpu.dma_semaphore, #tpu.memory_space<semaphore_mem>>
      %dma_wait3A_233 = arith.constant 0 : i32
      %dma_wait3A_234 = arith.constant 0 : i32
      %dma_wait3A_235 = tpu.memref_slice %arg7[%rem3A_58, %dma_wait3A_228, %dma_wait3A_233, %dma_wait3A_234] : memref<2x8x1176x128xf32, #tpu.memory_space<vmem>> -> memref<1x1x1176x128xf32, #tpu.memory_space<vmem>>
      %dma_wait3A_236 = tpu.memref_squeeze %dma_wait3A_235 : memref<1x1x1176x128xf32, #tpu.memory_space<vmem>> -> memref<1176x128xf32, #tpu.memory_space<vmem>>
      %dma_wait3A_237 = arith.constant 0 : i32
      %dma_wait3A_238 = arith.constant 0 : i32
      %dma_wait3A_239 = tpu.memref_slice %arg4[%get3A_214, %dma_wait3A_237, %dma_wait3A_238] : memref<256x1176x128xf32, #tpu.memory_space<any>> -> memref<1x1176x128xf32, #tpu.memory_space<any>>
      %dma_wait3A_240 = tpu.memref_squeeze %dma_wait3A_239 : memref<1x1176x128xf32, #tpu.memory_space<any>> -> memref<1176x128xf32, #tpu.memory_space<any>>
      tpu.wait_dma2 semaphore(%dma_wait3A_232 : memref<!tpu.dma_semaphore, #tpu.memory_space<semaphore_mem>>) src(%dma_wait3A_240 : memref<1176x128xf32, #tpu.memory_space<any>>) dst(%dma_wait3A_236 : memref<1176x128xf32, #tpu.memory_space<vmem>>)
      %mul3A_241 = arith.constant 8 : i32
      %mul3A_242 = arith.muli %while3A_56, %mul3A_241 : i32
      %add3A_243 = arith.constant 5 : i32
      %add3A_244 = arith.addi %mul3A_242, %add3A_243 : i32
      %sub3A_245 = arith.constant 1 : i32
      %sub3A_246 = arith.subi %get3A_0, %sub3A_245 : i32
      %max3A_247 = arith.constant 0 : i32
      %max3A_248 = arith.maxsi %sub3A_246, %max3A_247 : i32
      %min3A_249 = arith.minsi %add3A_244, %max3A_248 : i32
      %get3A_250 = arith.index_cast %min3A_249 : i32 to index
      %get3A_251 = memref.load %arg1[%get3A_250] : memref<256xi32, #tpu.memory_space<smem>>
      %dma_wait3A_252 = arith.constant 5 : i32
      %dma_wait3A_253 = arith.constant 0 : i32
      %dma_wait3A_254 = arith.constant 5 : i32
      %dma_wait3A_255 = tpu.memref_slice %arg9[%dma_wait3A_253, %rem3A_58, %dma_wait3A_254] : memref<2x2x8x!tpu.dma_semaphore, #tpu.memory_space<semaphore_mem>> -> memref<1x1x1x!tpu.dma_semaphore, #tpu.memory_space<semaphore_mem>>
      %dma_wait3A_256 = tpu.memref_squeeze %dma_wait3A_255 : memref<1x1x1x!tpu.dma_semaphore, #tpu.memory_space<semaphore_mem>> -> memref<!tpu.dma_semaphore, #tpu.memory_space<semaphore_mem>>
      %dma_wait3A_257 = arith.constant 0 : i32
      %dma_wait3A_258 = arith.constant 0 : i32
      %dma_wait3A_259 = tpu.memref_slice %arg6[%rem3A_58, %dma_wait3A_252, %dma_wait3A_257, %dma_wait3A_258] : memref<2x8x1176x128xf32, #tpu.memory_space<vmem>> -> memref<1x1x1176x128xf32, #tpu.memory_space<vmem>>
      %dma_wait3A_260 = tpu.memref_squeeze %dma_wait3A_259 : memref<1x1x1176x128xf32, #tpu.memory_space<vmem>> -> memref<1176x128xf32, #tpu.memory_space<vmem>>
      %dma_wait3A_261 = arith.constant 0 : i32
      %dma_wait3A_262 = arith.constant 0 : i32
      %dma_wait3A_263 = tpu.memref_slice %arg3[%get3A_251, %dma_wait3A_261, %dma_wait3A_262] : memref<256x1176x128xf32, #tpu.memory_space<any>> -> memref<1x1176x128xf32, #tpu.memory_space<any>>
      %dma_wait3A_264 = tpu.memref_squeeze %dma_wait3A_263 : memref<1x1176x128xf32, #tpu.memory_space<any>> -> memref<1176x128xf32, #tpu.memory_space<any>>
      tpu.wait_dma2 semaphore(%dma_wait3A_256 : memref<!tpu.dma_semaphore, #tpu.memory_space<semaphore_mem>>) src(%dma_wait3A_264 : memref<1176x128xf32, #tpu.memory_space<any>>) dst(%dma_wait3A_260 : memref<1176x128xf32, #tpu.memory_space<vmem>>)
      %dma_wait3A_265 = arith.constant 5 : i32
      %dma_wait3A_266 = arith.constant 1 : i32
      %dma_wait3A_267 = arith.constant 5 : i32
      %dma_wait3A_268 = tpu.memref_slice %arg9[%dma_wait3A_266, %rem3A_58, %dma_wait3A_267] : memref<2x2x8x!tpu.dma_semaphore, #tpu.memory_space<semaphore_mem>> -> memref<1x1x1x!tpu.dma_semaphore, #tpu.memory_space<semaphore_mem>>
      %dma_wait3A_269 = tpu.memref_squeeze %dma_wait3A_268 : memref<1x1x1x!tpu.dma_semaphore, #tpu.memory_space<semaphore_mem>> -> memref<!tpu.dma_semaphore, #tpu.memory_space<semaphore_mem>>
      %dma_wait3A_270 = arith.constant 0 : i32
      %dma_wait3A_271 = arith.constant 0 : i32
      %dma_wait3A_272 = tpu.memref_slice %arg7[%rem3A_58, %dma_wait3A_265, %dma_wait3A_270, %dma_wait3A_271] : memref<2x8x1176x128xf32, #tpu.memory_space<vmem>> -> memref<1x1x1176x128xf32, #tpu.memory_space<vmem>>
      %dma_wait3A_273 = tpu.memref_squeeze %dma_wait3A_272 : memref<1x1x1176x128xf32, #tpu.memory_space<vmem>> -> memref<1176x128xf32, #tpu.memory_space<vmem>>
      %dma_wait3A_274 = arith.constant 0 : i32
      %dma_wait3A_275 = arith.constant 0 : i32
      %dma_wait3A_276 = tpu.memref_slice %arg4[%get3A_251, %dma_wait3A_274, %dma_wait3A_275] : memref<256x1176x128xf32, #tpu.memory_space<any>> -> memref<1x1176x128xf32, #tpu.memory_space<any>>
      %dma_wait3A_277 = tpu.memref_squeeze %dma_wait3A_276 : memref<1x1176x128xf32, #tpu.memory_space<any>> -> memref<1176x128xf32, #tpu.memory_space<any>>
      tpu.wait_dma2 semaphore(%dma_wait3A_269 : memref<!tpu.dma_semaphore, #tpu.memory_space<semaphore_mem>>) src(%dma_wait3A_277 : memref<1176x128xf32, #tpu.memory_space<any>>) dst(%dma_wait3A_273 : memref<1176x128xf32, #tpu.memory_space<vmem>>)
      %mul3A_278 = arith.constant 8 : i32
      %mul3A_279 = arith.muli %while3A_56, %mul3A_278 : i32
      %add3A_280 = arith.constant 6 : i32
      %add3A_281 = arith.addi %mul3A_279, %add3A_280 : i32
      %sub3A_282 = arith.constant 1 : i32
      %sub3A_283 = arith.subi %get3A_0, %sub3A_282 : i32
      %max3A_284 = arith.constant 0 : i32
      %max3A_285 = arith.maxsi %sub3A_283, %max3A_284 : i32
      %min3A_286 = arith.minsi %add3A_281, %max3A_285 : i32
      %get3A_287 = arith.index_cast %min3A_286 : i32 to index
      %get3A_288 = memref.load %arg1[%get3A_287] : memref<256xi32, #tpu.memory_space<smem>>
      %dma_wait3A_289 = arith.constant 6 : i32
      %dma_wait3A_290 = arith.constant 0 : i32
      %dma_wait3A_291 = arith.constant 6 : i32
      %dma_wait3A_292 = tpu.memref_slice %arg9[%dma_wait3A_290, %rem3A_58, %dma_wait3A_291] : memref<2x2x8x!tpu.dma_semaphore, #tpu.memory_space<semaphore_mem>> -> memref<1x1x1x!tpu.dma_semaphore, #tpu.memory_space<semaphore_mem>>
      %dma_wait3A_293 = tpu.memref_squeeze %dma_wait3A_292 : memref<1x1x1x!tpu.dma_semaphore, #tpu.memory_space<semaphore_mem>> -> memref<!tpu.dma_semaphore, #tpu.memory_space<semaphore_mem>>
      %dma_wait3A_294 = arith.constant 0 : i32
      %dma_wait3A_295 = arith.constant 0 : i32
      %dma_wait3A_296 = tpu.memref_slice %arg6[%rem3A_58, %dma_wait3A_289, %dma_wait3A_294, %dma_wait3A_295] : memref<2x8x1176x128xf32, #tpu.memory_space<vmem>> -> memref<1x1x1176x128xf32, #tpu.memory_space<vmem>>
      %dma_wait3A_297 = tpu.memref_squeeze %dma_wait3A_296 : memref<1x1x1176x128xf32, #tpu.memory_space<vmem>> -> memref<1176x128xf32, #tpu.memory_space<vmem>>
      %dma_wait3A_298 = arith.constant 0 : i32
      %dma_wait3A_299 = arith.constant 0 : i32
      %dma_wait3A_300 = tpu.memref_slice %arg3[%get3A_288, %dma_wait3A_298, %dma_wait3A_299] : memref<256x1176x128xf32, #tpu.memory_space<any>> -> memref<1x1176x128xf32, #tpu.memory_space<any>>
      %dma_wait3A_301 = tpu.memref_squeeze %dma_wait3A_300 : memref<1x1176x128xf32, #tpu.memory_space<any>> -> memref<1176x128xf32, #tpu.memory_space<any>>
      tpu.wait_dma2 semaphore(%dma_wait3A_293 : memref<!tpu.dma_semaphore, #tpu.memory_space<semaphore_mem>>) src(%dma_wait3A_301 : memref<1176x128xf32, #tpu.memory_space<any>>) dst(%dma_wait3A_297 : memref<1176x128xf32, #tpu.memory_space<vmem>>)
      %dma_wait3A_302 = arith.constant 6 : i32
      %dma_wait3A_303 = arith.constant 1 : i32
      %dma_wait3A_304 = arith.constant 6 : i32
      %dma_wait3A_305 = tpu.memref_slice %arg9[%dma_wait3A_303, %rem3A_58, %dma_wait3A_304] : memref<2x2x8x!tpu.dma_semaphore, #tpu.memory_space<semaphore_mem>> -> memref<1x1x1x!tpu.dma_semaphore, #tpu.memory_space<semaphore_mem>>
      %dma_wait3A_306 = tpu.memref_squeeze %dma_wait3A_305 : memref<1x1x1x!tpu.dma_semaphore, #tpu.memory_space<semaphore_mem>> -> memref<!tpu.dma_semaphore, #tpu.memory_space<semaphore_mem>>
      %dma_wait3A_307 = arith.constant 0 : i32
      %dma_wait3A_308 = arith.constant 0 : i32
      %dma_wait3A_309 = tpu.memref_slice %arg7[%rem3A_58, %dma_wait3A_302, %dma_wait3A_307, %dma_wait3A_308] : memref<2x8x1176x128xf32, #tpu.memory_space<vmem>> -> memref<1x1x1176x128xf32, #tpu.memory_space<vmem>>
      %dma_wait3A_310 = tpu.memref_squeeze %dma_wait3A_309 : memref<1x1x1176x128xf32, #tpu.memory_space<vmem>> -> memref<1176x128xf32, #tpu.memory_space<vmem>>
      %dma_wait3A_311 = arith.constant 0 : i32
      %dma_wait3A_312 = arith.constant 0 : i32
      %dma_wait3A_313 = tpu.memref_slice %arg4[%get3A_288, %dma_wait3A_311, %dma_wait3A_312] : memref<256x1176x128xf32, #tpu.memory_space<any>> -> memref<1x1176x128xf32, #tpu.memory_space<any>>
      %dma_wait3A_314 = tpu.memref_squeeze %dma_wait3A_313 : memref<1x1176x128xf32, #tpu.memory_space<any>> -> memref<1176x128xf32, #tpu.memory_space<any>>
      tpu.wait_dma2 semaphore(%dma_wait3A_306 : memref<!tpu.dma_semaphore, #tpu.memory_space<semaphore_mem>>) src(%dma_wait3A_314 : memref<1176x128xf32, #tpu.memory_space<any>>) dst(%dma_wait3A_310 : memref<1176x128xf32, #tpu.memory_space<vmem>>)
      %mul3A_315 = arith.constant 8 : i32
      %mul3A_316 = arith.muli %while3A_56, %mul3A_315 : i32
      %add3A_317 = arith.constant 7 : i32
      %add3A_318 = arith.addi %mul3A_316, %add3A_317 : i32
      %sub3A_319 = arith.constant 1 : i32
      %sub3A_320 = arith.subi %get3A_0, %sub3A_319 : i32
      %max3A_321 = arith.constant 0 : i32
      %max3A_322 = arith.maxsi %sub3A_320, %max3A_321 : i32
      %min3A_323 = arith.minsi %add3A_318, %max3A_322 : i32
      %get3A_324 = arith.index_cast %min3A_323 : i32 to index
      %get3A_325 = memref.load %arg1[%get3A_324] : memref<256xi32, #tpu.memory_space<smem>>
      %dma_wait3A_326 = arith.constant 7 : i32
      %dma_wait3A_327 = arith.constant 0 : i32
      %dma_wait3A_328 = arith.constant 7 : i32
      %dma_wait3A_329 = tpu.memref_slice %arg9[%dma_wait3A_327, %rem3A_58, %dma_wait3A_328] : memref<2x2x8x!tpu.dma_semaphore, #tpu.memory_space<semaphore_mem>> -> memref<1x1x1x!tpu.dma_semaphore, #tpu.memory_space<semaphore_mem>>
      %dma_wait3A_330 = tpu.memref_squeeze %dma_wait3A_329 : memref<1x1x1x!tpu.dma_semaphore, #tpu.memory_space<semaphore_mem>> -> memref<!tpu.dma_semaphore, #tpu.memory_space<semaphore_mem>>
      %dma_wait3A_331 = arith.constant 0 : i32
      %dma_wait3A_332 = arith.constant 0 : i32
      %dma_wait3A_333 = tpu.memref_slice %arg6[%rem3A_58, %dma_wait3A_326, %dma_wait3A_331, %dma_wait3A_332] : memref<2x8x1176x128xf32, #tpu.memory_space<vmem>> -> memref<1x1x1176x128xf32, #tpu.memory_space<vmem>>
      %dma_wait3A_334 = tpu.memref_squeeze %dma_wait3A_333 : memref<1x1x1176x128xf32, #tpu.memory_space<vmem>> -> memref<1176x128xf32, #tpu.memory_space<vmem>>
      %dma_wait3A_335 = arith.constant 0 : i32
      %dma_wait3A_336 = arith.constant 0 : i32
      %dma_wait3A_337 = tpu.memref_slice %arg3[%get3A_325, %dma_wait3A_335, %dma_wait3A_336] : memref<256x1176x128xf32, #tpu.memory_space<any>> -> memref<1x1176x128xf32, #tpu.memory_space<any>>
      %dma_wait3A_338 = tpu.memref_squeeze %dma_wait3A_337 : memref<1x1176x128xf32, #tpu.memory_space<any>> -> memref<1176x128xf32, #tpu.memory_space<any>>
      tpu.wait_dma2 semaphore(%dma_wait3A_330 : memref<!tpu.dma_semaphore, #tpu.memory_space<semaphore_mem>>) src(%dma_wait3A_338 : memref<1176x128xf32, #tpu.memory_space<any>>) dst(%dma_wait3A_334 : memref<1176x128xf32, #tpu.memory_space<vmem>>)
      %dma_wait3A_339 = arith.constant 7 : i32
      %dma_wait3A_340 = arith.constant 1 : i32
      %dma_wait3A_341 = arith.constant 7 : i32
      %dma_wait3A_342 = tpu.memref_slice %arg9[%dma_wait3A_340, %rem3A_58, %dma_wait3A_341] : memref<2x2x8x!tpu.dma_semaphore, #tpu.memory_space<semaphore_mem>> -> memref<1x1x1x!tpu.dma_semaphore, #tpu.memory_space<semaphore_mem>>
      %dma_wait3A_343 = tpu.memref_squeeze %dma_wait3A_342 : memref<1x1x1x!tpu.dma_semaphore, #tpu.memory_space<semaphore_mem>> -> memref<!tpu.dma_semaphore, #tpu.memory_space<semaphore_mem>>
      %dma_wait3A_344 = arith.constant 0 : i32
      %dma_wait3A_345 = arith.constant 0 : i32
      %dma_wait3A_346 = tpu.memref_slice %arg7[%rem3A_58, %dma_wait3A_339, %dma_wait3A_344, %dma_wait3A_345] : memref<2x8x1176x128xf32, #tpu.memory_space<vmem>> -> memref<1x1x1176x128xf32, #tpu.memory_space<vmem>>
      %dma_wait3A_347 = tpu.memref_squeeze %dma_wait3A_346 : memref<1x1x1176x128xf32, #tpu.memory_space<vmem>> -> memref<1176x128xf32, #tpu.memory_space<vmem>>
      %dma_wait3A_348 = arith.constant 0 : i32
      %dma_wait3A_349 = arith.constant 0 : i32
      %dma_wait3A_350 = tpu.memref_slice %arg4[%get3A_325, %dma_wait3A_348, %dma_wait3A_349] : memref<256x1176x128xf32, #tpu.memory_space<any>> -> memref<1x1176x128xf32, #tpu.memory_space<any>>
      %dma_wait3A_351 = tpu.memref_squeeze %dma_wait3A_350 : memref<1x1176x128xf32, #tpu.memory_space<any>> -> memref<1176x128xf32, #tpu.memory_space<any>>
      tpu.wait_dma2 semaphore(%dma_wait3A_343 : memref<!tpu.dma_semaphore, #tpu.memory_space<semaphore_mem>>) src(%dma_wait3A_351 : memref<1176x128xf32, #tpu.memory_space<any>>) dst(%dma_wait3A_347 : memref<1176x128xf32, #tpu.memory_space<vmem>>)
      %broadcast_in_dim3A_352 = arith.constant 0.000000e+00 : f32
      %broadcast_in_dim3A_353 = vector.broadcast %broadcast_in_dim3A_352 : f32 to vector<8x128xf32>
      %mul3A_354 = arith.constant 8 : i32
      %mul3A_355 = arith.muli %while3A_56, %mul3A_354 : i32
      %add3A_356 = arith.constant 0 : i32
      %add3A_357 = arith.addi %mul3A_355, %add3A_356 : i32
      %lt3A = arith.cmpi slt, %add3A_357, %get3A_0 : i32
      %convert_element_type3A_358 = arith.extui %lt3A : i1 to i32
      %convert_element_type3A_359 = arith.sitofp %convert_element_type3A_358 : i32 to f32
      %get3A_360 = arith.index_cast %rem3A_58 : i32 to index
      %get3A_361 = arith.constant 0 : index
      %get3A_362 = arith.constant 0 : index
      %get3A_363 = arith.constant 0 : index
      %get3A_364 = vector.load %arg6[%get3A_360, %get3A_361, %get3A_362, %get3A_363] : memref<2x8x1176x128xf32, #tpu.memory_space<vmem>>, vector<1x1x1176x128xf32>
      %get3A_365 = vector.shape_cast %get3A_364 : vector<1x1x1176x128xf32> to vector<1176x128xf32>
      %get3A_366 = arith.index_cast %rem3A_58 : i32 to index
      %get3A_367 = arith.constant 0 : index
      %get3A_368 = arith.constant 0 : index
      %get3A_369 = arith.constant 0 : index
      %get3A_370 = vector.load %arg7[%get3A_366, %get3A_367, %get3A_368, %get3A_369] : memref<2x8x1176x128xf32, #tpu.memory_space<vmem>>, vector<1x1x1176x128xf32>
      %get3A_371 = vector.shape_cast %get3A_370 : vector<1x1x1176x128xf32> to vector<1176x128xf32>
      %sub3A_372 = arith.subf %get3A_365, %get3A_371 : vector<1176x128xf32>
      %abs3A = math.absf %sub3A_372 : vector<1176x128xf32>
      %reshape3A = vector.shape_cast %abs3A : vector<1176x128xf32> to vector<147x8x128xf32>
      %reduce_sum3A_373 = arith.constant dense<0.000000e+00> : vector<8x128xf32>
      %reduce_sum3A_374 = vector.multi_reduction <add>, %reshape3A, %reduce_sum3A_373 [0] : vector<147x8x128xf32> to vector<8x128xf32>
      %mul3A_375 = vector.broadcast %convert_element_type3A_359 : f32 to vector<8x128xf32>
      %mul3A_376 = arith.mulf %mul3A_375, %reduce_sum3A_374 : vector<8x128xf32>
      %add3A_377 = arith.addf %broadcast_in_dim3A_353, %mul3A_376 : vector<8x128xf32>
      %mul3A_378 = arith.constant 8 : i32
      %mul3A_379 = arith.muli %while3A_56, %mul3A_378 : i32
      %add3A_380 = arith.constant 1 : i32
      %add3A_381 = arith.addi %mul3A_379, %add3A_380 : i32
      %lt3A_382 = arith.cmpi slt, %add3A_381, %get3A_0 : i32
      %convert_element_type3A_383 = arith.extui %lt3A_382 : i1 to i32
      %convert_element_type3A_384 = arith.sitofp %convert_element_type3A_383 : i32 to f32
      %get3A_385 = arith.index_cast %rem3A_58 : i32 to index
      %get3A_386 = arith.constant 1 : index
      %get3A_387 = arith.constant 0 : index
      %get3A_388 = arith.constant 0 : index
      %get3A_389 = vector.load %arg6[%get3A_385, %get3A_386, %get3A_387, %get3A_388] : memref<2x8x1176x128xf32, #tpu.memory_space<vmem>>, vector<1x1x1176x128xf32>
      %get3A_390 = vector.shape_cast %get3A_389 : vector<1x1x1176x128xf32> to vector<1176x128xf32>
      %get3A_391 = arith.index_cast %rem3A_58 : i32 to index
      %get3A_392 = arith.constant 1 : index
      %get3A_393 = arith.constant 0 : index
      %get3A_394 = arith.constant 0 : index
      %get3A_395 = vector.load %arg7[%get3A_391, %get3A_392, %get3A_393, %get3A_394] : memref<2x8x1176x128xf32, #tpu.memory_space<vmem>>, vector<1x1x1176x128xf32>
      %get3A_396 = vector.shape_cast %get3A_395 : vector<1x1x1176x128xf32> to vector<1176x128xf32>
      %sub3A_397 = arith.subf %get3A_390, %get3A_396 : vector<1176x128xf32>
      %abs3A_398 = math.absf %sub3A_397 : vector<1176x128xf32>
      %reshape3A_399 = vector.shape_cast %abs3A_398 : vector<1176x128xf32> to vector<147x8x128xf32>
      %reduce_sum3A_400 = arith.constant dense<0.000000e+00> : vector<8x128xf32>
      %reduce_sum3A_401 = vector.multi_reduction <add>, %reshape3A_399, %reduce_sum3A_400 [0] : vector<147x8x128xf32> to vector<8x128xf32>
      %mul3A_402 = vector.broadcast %convert_element_type3A_384 : f32 to vector<8x128xf32>
      %mul3A_403 = arith.mulf %mul3A_402, %reduce_sum3A_401 : vector<8x128xf32>
      %add3A_404 = arith.addf %add3A_377, %mul3A_403 : vector<8x128xf32>
      %mul3A_405 = arith.constant 8 : i32
      %mul3A_406 = arith.muli %while3A_56, %mul3A_405 : i32
      %add3A_407 = arith.constant 2 : i32
      %add3A_408 = arith.addi %mul3A_406, %add3A_407 : i32
      %lt3A_409 = arith.cmpi slt, %add3A_408, %get3A_0 : i32
      %convert_element_type3A_410 = arith.extui %lt3A_409 : i1 to i32
      %convert_element_type3A_411 = arith.sitofp %convert_element_type3A_410 : i32 to f32
      %get3A_412 = arith.index_cast %rem3A_58 : i32 to index
      %get3A_413 = arith.constant 2 : index
      %get3A_414 = arith.constant 0 : index
      %get3A_415 = arith.constant 0 : index
      %get3A_416 = vector.load %arg6[%get3A_412, %get3A_413, %get3A_414, %get3A_415] : memref<2x8x1176x128xf32, #tpu.memory_space<vmem>>, vector<1x1x1176x128xf32>
      %get3A_417 = vector.shape_cast %get3A_416 : vector<1x1x1176x128xf32> to vector<1176x128xf32>
      %get3A_418 = arith.index_cast %rem3A_58 : i32 to index
      %get3A_419 = arith.constant 2 : index
      %get3A_420 = arith.constant 0 : index
      %get3A_421 = arith.constant 0 : index
      %get3A_422 = vector.load %arg7[%get3A_418, %get3A_419, %get3A_420, %get3A_421] : memref<2x8x1176x128xf32, #tpu.memory_space<vmem>>, vector<1x1x1176x128xf32>
      %get3A_423 = vector.shape_cast %get3A_422 : vector<1x1x1176x128xf32> to vector<1176x128xf32>
      %sub3A_424 = arith.subf %get3A_417, %get3A_423 : vector<1176x128xf32>
      %abs3A_425 = math.absf %sub3A_424 : vector<1176x128xf32>
      %reshape3A_426 = vector.shape_cast %abs3A_425 : vector<1176x128xf32> to vector<147x8x128xf32>
      %reduce_sum3A_427 = arith.constant dense<0.000000e+00> : vector<8x128xf32>
      %reduce_sum3A_428 = vector.multi_reduction <add>, %reshape3A_426, %reduce_sum3A_427 [0] : vector<147x8x128xf32> to vector<8x128xf32>
      %mul3A_429 = vector.broadcast %convert_element_type3A_411 : f32 to vector<8x128xf32>
      %mul3A_430 = arith.mulf %mul3A_429, %reduce_sum3A_428 : vector<8x128xf32>
      %add3A_431 = arith.addf %add3A_404, %mul3A_430 : vector<8x128xf32>
      %mul3A_432 = arith.constant 8 : i32
      %mul3A_433 = arith.muli %while3A_56, %mul3A_432 : i32
      %add3A_434 = arith.constant 3 : i32
      %add3A_435 = arith.addi %mul3A_433, %add3A_434 : i32
      %lt3A_436 = arith.cmpi slt, %add3A_435, %get3A_0 : i32
      %convert_element_type3A_437 = arith.extui %lt3A_436 : i1 to i32
      %convert_element_type3A_438 = arith.sitofp %convert_element_type3A_437 : i32 to f32
      %get3A_439 = arith.index_cast %rem3A_58 : i32 to index
      %get3A_440 = arith.constant 3 : index
      %get3A_441 = arith.constant 0 : index
      %get3A_442 = arith.constant 0 : index
      %get3A_443 = vector.load %arg6[%get3A_439, %get3A_440, %get3A_441, %get3A_442] : memref<2x8x1176x128xf32, #tpu.memory_space<vmem>>, vector<1x1x1176x128xf32>
      %get3A_444 = vector.shape_cast %get3A_443 : vector<1x1x1176x128xf32> to vector<1176x128xf32>
      %get3A_445 = arith.index_cast %rem3A_58 : i32 to index
      %get3A_446 = arith.constant 3 : index
      %get3A_447 = arith.constant 0 : index
      %get3A_448 = arith.constant 0 : index
      %get3A_449 = vector.load %arg7[%get3A_445, %get3A_446, %get3A_447, %get3A_448] : memref<2x8x1176x128xf32, #tpu.memory_space<vmem>>, vector<1x1x1176x128xf32>
      %get3A_450 = vector.shape_cast %get3A_449 : vector<1x1x1176x128xf32> to vector<1176x128xf32>
      %sub3A_451 = arith.subf %get3A_444, %get3A_450 : vector<1176x128xf32>
      %abs3A_452 = math.absf %sub3A_451 : vector<1176x128xf32>
      %reshape3A_453 = vector.shape_cast %abs3A_452 : vector<1176x128xf32> to vector<147x8x128xf32>
      %reduce_sum3A_454 = arith.constant dense<0.000000e+00> : vector<8x128xf32>
      %reduce_sum3A_455 = vector.multi_reduction <add>, %reshape3A_453, %reduce_sum3A_454 [0] : vector<147x8x128xf32> to vector<8x128xf32>
      %mul3A_456 = vector.broadcast %convert_element_type3A_438 : f32 to vector<8x128xf32>
      %mul3A_457 = arith.mulf %mul3A_456, %reduce_sum3A_455 : vector<8x128xf32>
      %add3A_458 = arith.addf %add3A_431, %mul3A_457 : vector<8x128xf32>
      %mul3A_459 = arith.constant 8 : i32
      %mul3A_460 = arith.muli %while3A_56, %mul3A_459 : i32
      %add3A_461 = arith.constant 4 : i32
      %add3A_462 = arith.addi %mul3A_460, %add3A_461 : i32
      %lt3A_463 = arith.cmpi slt, %add3A_462, %get3A_0 : i32
      %convert_element_type3A_464 = arith.extui %lt3A_463 : i1 to i32
      %convert_element_type3A_465 = arith.sitofp %convert_element_type3A_464 : i32 to f32
      %get3A_466 = arith.index_cast %rem3A_58 : i32 to index
      %get3A_467 = arith.constant 4 : index
      %get3A_468 = arith.constant 0 : index
      %get3A_469 = arith.constant 0 : index
      %get3A_470 = vector.load %arg6[%get3A_466, %get3A_467, %get3A_468, %get3A_469] : memref<2x8x1176x128xf32, #tpu.memory_space<vmem>>, vector<1x1x1176x128xf32>
      %get3A_471 = vector.shape_cast %get3A_470 : vector<1x1x1176x128xf32> to vector<1176x128xf32>
      %get3A_472 = arith.index_cast %rem3A_58 : i32 to index
      %get3A_473 = arith.constant 4 : index
      %get3A_474 = arith.constant 0 : index
      %get3A_475 = arith.constant 0 : index
      %get3A_476 = vector.load %arg7[%get3A_472, %get3A_473, %get3A_474, %get3A_475] : memref<2x8x1176x128xf32, #tpu.memory_space<vmem>>, vector<1x1x1176x128xf32>
      %get3A_477 = vector.shape_cast %get3A_476 : vector<1x1x1176x128xf32> to vector<1176x128xf32>
      %sub3A_478 = arith.subf %get3A_471, %get3A_477 : vector<1176x128xf32>
      %abs3A_479 = math.absf %sub3A_478 : vector<1176x128xf32>
      %reshape3A_480 = vector.shape_cast %abs3A_479 : vector<1176x128xf32> to vector<147x8x128xf32>
      %reduce_sum3A_481 = arith.constant dense<0.000000e+00> : vector<8x128xf32>
      %reduce_sum3A_482 = vector.multi_reduction <add>, %reshape3A_480, %reduce_sum3A_481 [0] : vector<147x8x128xf32> to vector<8x128xf32>
      %mul3A_483 = vector.broadcast %convert_element_type3A_465 : f32 to vector<8x128xf32>
      %mul3A_484 = arith.mulf %mul3A_483, %reduce_sum3A_482 : vector<8x128xf32>
      %add3A_485 = arith.addf %add3A_458, %mul3A_484 : vector<8x128xf32>
      %mul3A_486 = arith.constant 8 : i32
      %mul3A_487 = arith.muli %while3A_56, %mul3A_486 : i32
      %add3A_488 = arith.constant 5 : i32
      %add3A_489 = arith.addi %mul3A_487, %add3A_488 : i32
      %lt3A_490 = arith.cmpi slt, %add3A_489, %get3A_0 : i32
      %convert_element_type3A_491 = arith.extui %lt3A_490 : i1 to i32
      %convert_element_type3A_492 = arith.sitofp %convert_element_type3A_491 : i32 to f32
      %get3A_493 = arith.index_cast %rem3A_58 : i32 to index
      %get3A_494 = arith.constant 5 : index
      %get3A_495 = arith.constant 0 : index
      %get3A_496 = arith.constant 0 : index
      %get3A_497 = vector.load %arg6[%get3A_493, %get3A_494, %get3A_495, %get3A_496] : memref<2x8x1176x128xf32, #tpu.memory_space<vmem>>, vector<1x1x1176x128xf32>
      %get3A_498 = vector.shape_cast %get3A_497 : vector<1x1x1176x128xf32> to vector<1176x128xf32>
      %get3A_499 = arith.index_cast %rem3A_58 : i32 to index
      %get3A_500 = arith.constant 5 : index
      %get3A_501 = arith.constant 0 : index
      %get3A_502 = arith.constant 0 : index
      %get3A_503 = vector.load %arg7[%get3A_499, %get3A_500, %get3A_501, %get3A_502] : memref<2x8x1176x128xf32, #tpu.memory_space<vmem>>, vector<1x1x1176x128xf32>
      %get3A_504 = vector.shape_cast %get3A_503 : vector<1x1x1176x128xf32> to vector<1176x128xf32>
      %sub3A_505 = arith.subf %get3A_498, %get3A_504 : vector<1176x128xf32>
      %abs3A_506 = math.absf %sub3A_505 : vector<1176x128xf32>
      %reshape3A_507 = vector.shape_cast %abs3A_506 : vector<1176x128xf32> to vector<147x8x128xf32>
      %reduce_sum3A_508 = arith.constant dense<0.000000e+00> : vector<8x128xf32>
      %reduce_sum3A_509 = vector.multi_reduction <add>, %reshape3A_507, %reduce_sum3A_508 [0] : vector<147x8x128xf32> to vector<8x128xf32>
      %mul3A_510 = vector.broadcast %convert_element_type3A_492 : f32 to vector<8x128xf32>
      %mul3A_511 = arith.mulf %mul3A_510, %reduce_sum3A_509 : vector<8x128xf32>
      %add3A_512 = arith.addf %add3A_485, %mul3A_511 : vector<8x128xf32>
      %mul3A_513 = arith.constant 8 : i32
      %mul3A_514 = arith.muli %while3A_56, %mul3A_513 : i32
      %add3A_515 = arith.constant 6 : i32
      %add3A_516 = arith.addi %mul3A_514, %add3A_515 : i32
      %lt3A_517 = arith.cmpi slt, %add3A_516, %get3A_0 : i32
      %convert_element_type3A_518 = arith.extui %lt3A_517 : i1 to i32
      %convert_element_type3A_519 = arith.sitofp %convert_element_type3A_518 : i32 to f32
      %get3A_520 = arith.index_cast %rem3A_58 : i32 to index
      %get3A_521 = arith.constant 6 : index
      %get3A_522 = arith.constant 0 : index
      %get3A_523 = arith.constant 0 : index
      %get3A_524 = vector.load %arg6[%get3A_520, %get3A_521, %get3A_522, %get3A_523] : memref<2x8x1176x128xf32, #tpu.memory_space<vmem>>, vector<1x1x1176x128xf32>
      %get3A_525 = vector.shape_cast %get3A_524 : vector<1x1x1176x128xf32> to vector<1176x128xf32>
      %get3A_526 = arith.index_cast %rem3A_58 : i32 to index
      %get3A_527 = arith.constant 6 : index
      %get3A_528 = arith.constant 0 : index
      %get3A_529 = arith.constant 0 : index
      %get3A_530 = vector.load %arg7[%get3A_526, %get3A_527, %get3A_528, %get3A_529] : memref<2x8x1176x128xf32, #tpu.memory_space<vmem>>, vector<1x1x1176x128xf32>
      %get3A_531 = vector.shape_cast %get3A_530 : vector<1x1x1176x128xf32> to vector<1176x128xf32>
      %sub3A_532 = arith.subf %get3A_525, %get3A_531 : vector<1176x128xf32>
      %abs3A_533 = math.absf %sub3A_532 : vector<1176x128xf32>
      %reshape3A_534 = vector.shape_cast %abs3A_533 : vector<1176x128xf32> to vector<147x8x128xf32>
      %reduce_sum3A_535 = arith.constant dense<0.000000e+00> : vector<8x128xf32>
      %reduce_sum3A_536 = vector.multi_reduction <add>, %reshape3A_534, %reduce_sum3A_535 [0] : vector<147x8x128xf32> to vector<8x128xf32>
      %mul3A_537 = vector.broadcast %convert_element_type3A_519 : f32 to vector<8x128xf32>
      %mul3A_538 = arith.mulf %mul3A_537, %reduce_sum3A_536 : vector<8x128xf32>
      %add3A_539 = arith.addf %add3A_512, %mul3A_538 : vector<8x128xf32>
      %mul3A_540 = arith.constant 8 : i32
      %mul3A_541 = arith.muli %while3A_56, %mul3A_540 : i32
      %add3A_542 = arith.constant 7 : i32
      %add3A_543 = arith.addi %mul3A_541, %add3A_542 : i32
      %lt3A_544 = arith.cmpi slt, %add3A_543, %get3A_0 : i32
      %convert_element_type3A_545 = arith.extui %lt3A_544 : i1 to i32
      %convert_element_type3A_546 = arith.sitofp %convert_element_type3A_545 : i32 to f32
      %get3A_547 = arith.index_cast %rem3A_58 : i32 to index
      %get3A_548 = arith.constant 7 : index
      %get3A_549 = arith.constant 0 : index
      %get3A_550 = arith.constant 0 : index
      %get3A_551 = vector.load %arg6[%get3A_547, %get3A_548, %get3A_549, %get3A_550] : memref<2x8x1176x128xf32, #tpu.memory_space<vmem>>, vector<1x1x1176x128xf32>
      %get3A_552 = vector.shape_cast %get3A_551 : vector<1x1x1176x128xf32> to vector<1176x128xf32>
      %get3A_553 = arith.index_cast %rem3A_58 : i32 to index
      %get3A_554 = arith.constant 7 : index
      %get3A_555 = arith.constant 0 : index
      %get3A_556 = arith.constant 0 : index
      %get3A_557 = vector.load %arg7[%get3A_553, %get3A_554, %get3A_555, %get3A_556] : memref<2x8x1176x128xf32, #tpu.memory_space<vmem>>, vector<1x1x1176x128xf32>
      %get3A_558 = vector.shape_cast %get3A_557 : vector<1x1x1176x128xf32> to vector<1176x128xf32>
      %sub3A_559 = arith.subf %get3A_552, %get3A_558 : vector<1176x128xf32>
      %abs3A_560 = math.absf %sub3A_559 : vector<1176x128xf32>
      %reshape3A_561 = vector.shape_cast %abs3A_560 : vector<1176x128xf32> to vector<147x8x128xf32>
      %reduce_sum3A_562 = arith.constant dense<0.000000e+00> : vector<8x128xf32>
      %reduce_sum3A_563 = vector.multi_reduction <add>, %reshape3A_561, %reduce_sum3A_562 [0] : vector<147x8x128xf32> to vector<8x128xf32>
      %mul3A_564 = vector.broadcast %convert_element_type3A_546 : f32 to vector<8x128xf32>
      %mul3A_565 = arith.mulf %mul3A_564, %reduce_sum3A_563 : vector<8x128xf32>
      %add3A_566 = arith.addf %add3A_539, %mul3A_565 : vector<8x128xf32>
      %get3A_567 = arith.constant 0 : index
      %get3A_568 = arith.constant 0 : index
      %get3A_569 = vector.load %arg8[%get3A_567, %get3A_568] : memref<8x128xf32, #tpu.memory_space<vmem>>, vector<8x128xf32>
      %add3A_570 = arith.addf %get3A_569, %add3A_566 : vector<8x128xf32>
      %swap3A_571 = arith.constant 0 : index
      %swap3A_572 = arith.constant 0 : index
      %swap3A_573 = vector.load %arg8[%swap3A_571, %swap3A_572] : memref<8x128xf32, #tpu.memory_space<vmem>>, vector<8x128xf32>
      tpu.vector_store %arg8[%swap3A_571, %swap3A_572], %add3A_570 {strides = array<i32>} : memref<8x128xf32, #tpu.memory_space<vmem>>, vector<8x128xf32>,
      %add3A_574 = arith.constant 2 : i32
      %add3A_575 = arith.addi %while3A_56, %add3A_574 : i32
      %lt3A_576 = arith.cmpi slt, %add3A_575, %select_n3A : i32
      %convert_element_type3A_577 = arith.extui %lt3A_576 : i1 to i32
      %cond3A_578 = arith.constant 0 : i32
      %cond3A_579 = arith.cmpi ne, %convert_element_type3A_577, %cond3A_578 : i32
      scf.if %cond3A_579 {
        %add3A_580 = arith.constant 2 : i32
        %add3A_581 = arith.addi %while3A_56, %add3A_580 : i32
        %rem3A_582 = arith.constant 2 : i32
        %rem3A_583 = arith.remsi %add3A_581, %rem3A_582 : i32
        %mul3A_584 = arith.constant 8 : i32
        %mul3A_585 = arith.muli %add3A_581, %mul3A_584 : i32
        %add3A_586 = arith.constant 0 : i32
        %add3A_587 = arith.addi %mul3A_585, %add3A_586 : i32
        %sub3A_588 = arith.constant 1 : i32
        %sub3A_589 = arith.subi %get3A_0, %sub3A_588 : i32
        %max3A_590 = arith.constant 0 : i32
        %max3A_591 = arith.maxsi %sub3A_589, %max3A_590 : i32
        %min3A_592 = arith.minsi %add3A_587, %max3A_591 : i32
        %get3A_593 = arith.index_cast %min3A_592 : i32 to index
        %get3A_594 = memref.load %arg1[%get3A_593] : memref<256xi32, #tpu.memory_space<smem>>
        %dma_start3A = arith.constant 0 : i32
        %dma_start3A_595 = arith.constant 0 : i32
        %dma_start3A_596 = arith.constant 0 : i32
        %dma_start3A_597 = tpu.memref_slice %arg9[%dma_start3A_595, %rem3A_583, %dma_start3A_596] : memref<2x2x8x!tpu.dma_semaphore, #tpu.memory_space<semaphore_mem>> -> memref<1x1x1x!tpu.dma_semaphore, #tpu.memory_space<semaphore_mem>>
        %dma_start3A_598 = tpu.memref_squeeze %dma_start3A_597 : memref<1x1x1x!tpu.dma_semaphore, #tpu.memory_space<semaphore_mem>> -> memref<!tpu.dma_semaphore, #tpu.memory_space<semaphore_mem>>
        %dma_start3A_599 = arith.constant 0 : i32
        %dma_start3A_600 = arith.constant 0 : i32
        %dma_start3A_601 = tpu.memref_slice %arg6[%rem3A_583, %dma_start3A, %dma_start3A_599, %dma_start3A_600] : memref<2x8x1176x128xf32, #tpu.memory_space<vmem>> -> memref<1x1x1176x128xf32, #tpu.memory_space<vmem>>
        %dma_start3A_602 = tpu.memref_squeeze %dma_start3A_601 : memref<1x1x1176x128xf32, #tpu.memory_space<vmem>> -> memref<1176x128xf32, #tpu.memory_space<vmem>>
        %dma_start3A_603 = arith.constant 0 : i32
        %dma_start3A_604 = arith.constant 0 : i32
        %dma_start3A_605 = tpu.memref_slice %arg3[%get3A_594, %dma_start3A_603, %dma_start3A_604] : memref<256x1176x128xf32, #tpu.memory_space<any>> -> memref<1x1176x128xf32, #tpu.memory_space<any>>
        %dma_start3A_606 = tpu.memref_squeeze %dma_start3A_605 : memref<1x1176x128xf32, #tpu.memory_space<any>> -> memref<1176x128xf32, #tpu.memory_space<any>>
        tpu.enqueue_dma source(%dma_start3A_606 : memref<1176x128xf32, #tpu.memory_space<any>>) target(%dma_start3A_602 : memref<1176x128xf32, #tpu.memory_space<vmem>>) target_semaphore(%dma_start3A_598 : memref<!tpu.dma_semaphore, #tpu.memory_space<semaphore_mem>>)
        %dma_start3A_607 = arith.constant 0 : i32
        %dma_start3A_608 = arith.constant 1 : i32
        %dma_start3A_609 = arith.constant 0 : i32
        %dma_start3A_610 = tpu.memref_slice %arg9[%dma_start3A_608, %rem3A_583, %dma_start3A_609] : memref<2x2x8x!tpu.dma_semaphore, #tpu.memory_space<semaphore_mem>> -> memref<1x1x1x!tpu.dma_semaphore, #tpu.memory_space<semaphore_mem>>
        %dma_start3A_611 = tpu.memref_squeeze %dma_start3A_610 : memref<1x1x1x!tpu.dma_semaphore, #tpu.memory_space<semaphore_mem>> -> memref<!tpu.dma_semaphore, #tpu.memory_space<semaphore_mem>>
        %dma_start3A_612 = arith.constant 0 : i32
        %dma_start3A_613 = arith.constant 0 : i32
        %dma_start3A_614 = tpu.memref_slice %arg7[%rem3A_583, %dma_start3A_607, %dma_start3A_612, %dma_start3A_613] : memref<2x8x1176x128xf32, #tpu.memory_space<vmem>> -> memref<1x1x1176x128xf32, #tpu.memory_space<vmem>>
        %dma_start3A_615 = tpu.memref_squeeze %dma_start3A_614 : memref<1x1x1176x128xf32, #tpu.memory_space<vmem>> -> memref<1176x128xf32, #tpu.memory_space<vmem>>
        %dma_start3A_616 = arith.constant 0 : i32
        %dma_start3A_617 = arith.constant 0 : i32
        %dma_start3A_618 = tpu.memref_slice %arg4[%get3A_594, %dma_start3A_616, %dma_start3A_617] : memref<256x1176x128xf32, #tpu.memory_space<any>> -> memref<1x1176x128xf32, #tpu.memory_space<any>>
        %dma_start3A_619 = tpu.memref_squeeze %dma_start3A_618 : memref<1x1176x128xf32, #tpu.memory_space<any>> -> memref<1176x128xf32, #tpu.memory_space<any>>
        tpu.enqueue_dma source(%dma_start3A_619 : memref<1176x128xf32, #tpu.memory_space<any>>) target(%dma_start3A_615 : memref<1176x128xf32, #tpu.memory_space<vmem>>) target_semaphore(%dma_start3A_611 : memref<!tpu.dma_semaphore, #tpu.memory_space<semaphore_mem>>)
        %mul3A_620 = arith.constant 8 : i32
        %mul3A_621 = arith.muli %add3A_581, %mul3A_620 : i32
        %add3A_622 = arith.constant 1 : i32
        %add3A_623 = arith.addi %mul3A_621, %add3A_622 : i32
        %sub3A_624 = arith.constant 1 : i32
        %sub3A_625 = arith.subi %get3A_0, %sub3A_624 : i32
        %max3A_626 = arith.constant 0 : i32
        %max3A_627 = arith.maxsi %sub3A_625, %max3A_626 : i32
        %min3A_628 = arith.minsi %add3A_623, %max3A_627 : i32
        %get3A_629 = arith.index_cast %min3A_628 : i32 to index
        %get3A_630 = memref.load %arg1[%get3A_629] : memref<256xi32, #tpu.memory_space<smem>>
        %dma_start3A_631 = arith.constant 1 : i32
        %dma_start3A_632 = arith.constant 0 : i32
        %dma_start3A_633 = arith.constant 1 : i32
        %dma_start3A_634 = tpu.memref_slice %arg9[%dma_start3A_632, %rem3A_583, %dma_start3A_633] : memref<2x2x8x!tpu.dma_semaphore, #tpu.memory_space<semaphore_mem>> -> memref<1x1x1x!tpu.dma_semaphore, #tpu.memory_space<semaphore_mem>>
        %dma_start3A_635 = tpu.memref_squeeze %dma_start3A_634 : memref<1x1x1x!tpu.dma_semaphore, #tpu.memory_space<semaphore_mem>> -> memref<!tpu.dma_semaphore, #tpu.memory_space<semaphore_mem>>
        %dma_start3A_636 = arith.constant 0 : i32
        %dma_start3A_637 = arith.constant 0 : i32
        %dma_start3A_638 = tpu.memref_slice %arg6[%rem3A_583, %dma_start3A_631, %dma_start3A_636, %dma_start3A_637] : memref<2x8x1176x128xf32, #tpu.memory_space<vmem>> -> memref<1x1x1176x128xf32, #tpu.memory_space<vmem>>
        %dma_start3A_639 = tpu.memref_squeeze %dma_start3A_638 : memref<1x1x1176x128xf32, #tpu.memory_space<vmem>> -> memref<1176x128xf32, #tpu.memory_space<vmem>>
        %dma_start3A_640 = arith.constant 0 : i32
        %dma_start3A_641 = arith.constant 0 : i32
        %dma_start3A_642 = tpu.memref_slice %arg3[%get3A_630, %dma_start3A_640, %dma_start3A_641] : memref<256x1176x128xf32, #tpu.memory_space<any>> -> memref<1x1176x128xf32, #tpu.memory_space<any>>
        %dma_start3A_643 = tpu.memref_squeeze %dma_start3A_642 : memref<1x1176x128xf32, #tpu.memory_space<any>> -> memref<1176x128xf32, #tpu.memory_space<any>>
        tpu.enqueue_dma source(%dma_start3A_643 : memref<1176x128xf32, #tpu.memory_space<any>>) target(%dma_start3A_639 : memref<1176x128xf32, #tpu.memory_space<vmem>>) target_semaphore(%dma_start3A_635 : memref<!tpu.dma_semaphore, #tpu.memory_space<semaphore_mem>>)
        %dma_start3A_644 = arith.constant 1 : i32
        %dma_start3A_645 = arith.constant 1 : i32
        %dma_start3A_646 = arith.constant 1 : i32
        %dma_start3A_647 = tpu.memref_slice %arg9[%dma_start3A_645, %rem3A_583, %dma_start3A_646] : memref<2x2x8x!tpu.dma_semaphore, #tpu.memory_space<semaphore_mem>> -> memref<1x1x1x!tpu.dma_semaphore, #tpu.memory_space<semaphore_mem>>
        %dma_start3A_648 = tpu.memref_squeeze %dma_start3A_647 : memref<1x1x1x!tpu.dma_semaphore, #tpu.memory_space<semaphore_mem>> -> memref<!tpu.dma_semaphore, #tpu.memory_space<semaphore_mem>>
        %dma_start3A_649 = arith.constant 0 : i32
        %dma_start3A_650 = arith.constant 0 : i32
        %dma_start3A_651 = tpu.memref_slice %arg7[%rem3A_583, %dma_start3A_644, %dma_start3A_649, %dma_start3A_650] : memref<2x8x1176x128xf32, #tpu.memory_space<vmem>> -> memref<1x1x1176x128xf32, #tpu.memory_space<vmem>>
        %dma_start3A_652 = tpu.memref_squeeze %dma_start3A_651 : memref<1x1x1176x128xf32, #tpu.memory_space<vmem>> -> memref<1176x128xf32, #tpu.memory_space<vmem>>
        %dma_start3A_653 = arith.constant 0 : i32
        %dma_start3A_654 = arith.constant 0 : i32
        %dma_start3A_655 = tpu.memref_slice %arg4[%get3A_630, %dma_start3A_653, %dma_start3A_654] : memref<256x1176x128xf32, #tpu.memory_space<any>> -> memref<1x1176x128xf32, #tpu.memory_space<any>>
        %dma_start3A_656 = tpu.memref_squeeze %dma_start3A_655 : memref<1x1176x128xf32, #tpu.memory_space<any>> -> memref<1176x128xf32, #tpu.memory_space<any>>
        tpu.enqueue_dma source(%dma_start3A_656 : memref<1176x128xf32, #tpu.memory_space<any>>) target(%dma_start3A_652 : memref<1176x128xf32, #tpu.memory_space<vmem>>) target_semaphore(%dma_start3A_648 : memref<!tpu.dma_semaphore, #tpu.memory_space<semaphore_mem>>)
        %mul3A_657 = arith.constant 8 : i32
        %mul3A_658 = arith.muli %add3A_581, %mul3A_657 : i32
        %add3A_659 = arith.constant 2 : i32
        %add3A_660 = arith.addi %mul3A_658, %add3A_659 : i32
        %sub3A_661 = arith.constant 1 : i32
        %sub3A_662 = arith.subi %get3A_0, %sub3A_661 : i32
        %max3A_663 = arith.constant 0 : i32
        %max3A_664 = arith.maxsi %sub3A_662, %max3A_663 : i32
        %min3A_665 = arith.minsi %add3A_660, %max3A_664 : i32
        %get3A_666 = arith.index_cast %min3A_665 : i32 to index
        %get3A_667 = memref.load %arg1[%get3A_666] : memref<256xi32, #tpu.memory_space<smem>>
        %dma_start3A_668 = arith.constant 2 : i32
        %dma_start3A_669 = arith.constant 0 : i32
        %dma_start3A_670 = arith.constant 2 : i32
        %dma_start3A_671 = tpu.memref_slice %arg9[%dma_start3A_669, %rem3A_583, %dma_start3A_670] : memref<2x2x8x!tpu.dma_semaphore, #tpu.memory_space<semaphore_mem>> -> memref<1x1x1x!tpu.dma_semaphore, #tpu.memory_space<semaphore_mem>>
        %dma_start3A_672 = tpu.memref_squeeze %dma_start3A_671 : memref<1x1x1x!tpu.dma_semaphore, #tpu.memory_space<semaphore_mem>> -> memref<!tpu.dma_semaphore, #tpu.memory_space<semaphore_mem>>
        %dma_start3A_673 = arith.constant 0 : i32
        %dma_start3A_674 = arith.constant 0 : i32
        %dma_start3A_675 = tpu.memref_slice %arg6[%rem3A_583, %dma_start3A_668, %dma_start3A_673, %dma_start3A_674] : memref<2x8x1176x128xf32, #tpu.memory_space<vmem>> -> memref<1x1x1176x128xf32, #tpu.memory_space<vmem>>
        %dma_start3A_676 = tpu.memref_squeeze %dma_start3A_675 : memref<1x1x1176x128xf32, #tpu.memory_space<vmem>> -> memref<1176x128xf32, #tpu.memory_space<vmem>>
        %dma_start3A_677 = arith.constant 0 : i32
        %dma_start3A_678 = arith.constant 0 : i32
        %dma_start3A_679 = tpu.memref_slice %arg3[%get3A_667, %dma_start3A_677, %dma_start3A_678] : memref<256x1176x128xf32, #tpu.memory_space<any>> -> memref<1x1176x128xf32, #tpu.memory_space<any>>
        %dma_start3A_680 = tpu.memref_squeeze %dma_start3A_679 : memref<1x1176x128xf32, #tpu.memory_space<any>> -> memref<1176x128xf32, #tpu.memory_space<any>>
        tpu.enqueue_dma source(%dma_start3A_680 : memref<1176x128xf32, #tpu.memory_space<any>>) target(%dma_start3A_676 : memref<1176x128xf32, #tpu.memory_space<vmem>>) target_semaphore(%dma_start3A_672 : memref<!tpu.dma_semaphore, #tpu.memory_space<semaphore_mem>>)
        %dma_start3A_681 = arith.constant 2 : i32
        %dma_start3A_682 = arith.constant 1 : i32
        %dma_start3A_683 = arith.constant 2 : i32
        %dma_start3A_684 = tpu.memref_slice %arg9[%dma_start3A_682, %rem3A_583, %dma_start3A_683] : memref<2x2x8x!tpu.dma_semaphore, #tpu.memory_space<semaphore_mem>> -> memref<1x1x1x!tpu.dma_semaphore, #tpu.memory_space<semaphore_mem>>
        %dma_start3A_685 = tpu.memref_squeeze %dma_start3A_684 : memref<1x1x1x!tpu.dma_semaphore, #tpu.memory_space<semaphore_mem>> -> memref<!tpu.dma_semaphore, #tpu.memory_space<semaphore_mem>>
        %dma_start3A_686 = arith.constant 0 : i32
        %dma_start3A_687 = arith.constant 0 : i32
        %dma_start3A_688 = tpu.memref_slice %arg7[%rem3A_583, %dma_start3A_681, %dma_start3A_686, %dma_start3A_687] : memref<2x8x1176x128xf32, #tpu.memory_space<vmem>> -> memref<1x1x1176x128xf32, #tpu.memory_space<vmem>>
        %dma_start3A_689 = tpu.memref_squeeze %dma_start3A_688 : memref<1x1x1176x128xf32, #tpu.memory_space<vmem>> -> memref<1176x128xf32, #tpu.memory_space<vmem>>
        %dma_start3A_690 = arith.constant 0 : i32
        %dma_start3A_691 = arith.constant 0 : i32
        %dma_start3A_692 = tpu.memref_slice %arg4[%get3A_667, %dma_start3A_690, %dma_start3A_691] : memref<256x1176x128xf32, #tpu.memory_space<any>> -> memref<1x1176x128xf32, #tpu.memory_space<any>>
        %dma_start3A_693 = tpu.memref_squeeze %dma_start3A_692 : memref<1x1176x128xf32, #tpu.memory_space<any>> -> memref<1176x128xf32, #tpu.memory_space<any>>
        tpu.enqueue_dma source(%dma_start3A_693 : memref<1176x128xf32, #tpu.memory_space<any>>) target(%dma_start3A_689 : memref<1176x128xf32, #tpu.memory_space<vmem>>) target_semaphore(%dma_start3A_685 : memref<!tpu.dma_semaphore, #tpu.memory_space<semaphore_mem>>)
        %mul3A_694 = arith.constant 8 : i32
        %mul3A_695 = arith.muli %add3A_581, %mul3A_694 : i32
        %add3A_696 = arith.constant 3 : i32
        %add3A_697 = arith.addi %mul3A_695, %add3A_696 : i32
        %sub3A_698 = arith.constant 1 : i32
        %sub3A_699 = arith.subi %get3A_0, %sub3A_698 : i32
        %max3A_700 = arith.constant 0 : i32
        %max3A_701 = arith.maxsi %sub3A_699, %max3A_700 : i32
        %min3A_702 = arith.minsi %add3A_697, %max3A_701 : i32
        %get3A_703 = arith.index_cast %min3A_702 : i32 to index
        %get3A_704 = memref.load %arg1[%get3A_703] : memref<256xi32, #tpu.memory_space<smem>>
        %dma_start3A_705 = arith.constant 3 : i32
        %dma_start3A_706 = arith.constant 0 : i32
        %dma_start3A_707 = arith.constant 3 : i32
        %dma_start3A_708 = tpu.memref_slice %arg9[%dma_start3A_706, %rem3A_583, %dma_start3A_707] : memref<2x2x8x!tpu.dma_semaphore, #tpu.memory_space<semaphore_mem>> -> memref<1x1x1x!tpu.dma_semaphore, #tpu.memory_space<semaphore_mem>>
        %dma_start3A_709 = tpu.memref_squeeze %dma_start3A_708 : memref<1x1x1x!tpu.dma_semaphore, #tpu.memory_space<semaphore_mem>> -> memref<!tpu.dma_semaphore, #tpu.memory_space<semaphore_mem>>
        %dma_start3A_710 = arith.constant 0 : i32
        %dma_start3A_711 = arith.constant 0 : i32
        %dma_start3A_712 = tpu.memref_slice %arg6[%rem3A_583, %dma_start3A_705, %dma_start3A_710, %dma_start3A_711] : memref<2x8x1176x128xf32, #tpu.memory_space<vmem>> -> memref<1x1x1176x128xf32, #tpu.memory_space<vmem>>
        %dma_start3A_713 = tpu.memref_squeeze %dma_start3A_712 : memref<1x1x1176x128xf32, #tpu.memory_space<vmem>> -> memref<1176x128xf32, #tpu.memory_space<vmem>>
        %dma_start3A_714 = arith.constant 0 : i32
        %dma_start3A_715 = arith.constant 0 : i32
        %dma_start3A_716 = tpu.memref_slice %arg3[%get3A_704, %dma_start3A_714, %dma_start3A_715] : memref<256x1176x128xf32, #tpu.memory_space<any>> -> memref<1x1176x128xf32, #tpu.memory_space<any>>
        %dma_start3A_717 = tpu.memref_squeeze %dma_start3A_716 : memref<1x1176x128xf32, #tpu.memory_space<any>> -> memref<1176x128xf32, #tpu.memory_space<any>>
        tpu.enqueue_dma source(%dma_start3A_717 : memref<1176x128xf32, #tpu.memory_space<any>>) target(%dma_start3A_713 : memref<1176x128xf32, #tpu.memory_space<vmem>>) target_semaphore(%dma_start3A_709 : memref<!tpu.dma_semaphore, #tpu.memory_space<semaphore_mem>>)
        %dma_start3A_718 = arith.constant 3 : i32
        %dma_start3A_719 = arith.constant 1 : i32
        %dma_start3A_720 = arith.constant 3 : i32
        %dma_start3A_721 = tpu.memref_slice %arg9[%dma_start3A_719, %rem3A_583, %dma_start3A_720] : memref<2x2x8x!tpu.dma_semaphore, #tpu.memory_space<semaphore_mem>> -> memref<1x1x1x!tpu.dma_semaphore, #tpu.memory_space<semaphore_mem>>
        %dma_start3A_722 = tpu.memref_squeeze %dma_start3A_721 : memref<1x1x1x!tpu.dma_semaphore, #tpu.memory_space<semaphore_mem>> -> memref<!tpu.dma_semaphore, #tpu.memory_space<semaphore_mem>>
        %dma_start3A_723 = arith.constant 0 : i32
        %dma_start3A_724 = arith.constant 0 : i32
        %dma_start3A_725 = tpu.memref_slice %arg7[%rem3A_583, %dma_start3A_718, %dma_start3A_723, %dma_start3A_724] : memref<2x8x1176x128xf32, #tpu.memory_space<vmem>> -> memref<1x1x1176x128xf32, #tpu.memory_space<vmem>>
        %dma_start3A_726 = tpu.memref_squeeze %dma_start3A_725 : memref<1x1x1176x128xf32, #tpu.memory_space<vmem>> -> memref<1176x128xf32, #tpu.memory_space<vmem>>
        %dma_start3A_727 = arith.constant 0 : i32
        %dma_start3A_728 = arith.constant 0 : i32
        %dma_start3A_729 = tpu.memref_slice %arg4[%get3A_704, %dma_start3A_727, %dma_start3A_728] : memref<256x1176x128xf32, #tpu.memory_space<any>> -> memref<1x1176x128xf32, #tpu.memory_space<any>>
        %dma_start3A_730 = tpu.memref_squeeze %dma_start3A_729 : memref<1x1176x128xf32, #tpu.memory_space<any>> -> memref<1176x128xf32, #tpu.memory_space<any>>
        tpu.enqueue_dma source(%dma_start3A_730 : memref<1176x128xf32, #tpu.memory_space<any>>) target(%dma_start3A_726 : memref<1176x128xf32, #tpu.memory_space<vmem>>) target_semaphore(%dma_start3A_722 : memref<!tpu.dma_semaphore, #tpu.memory_space<semaphore_mem>>)
        %mul3A_731 = arith.constant 8 : i32
        %mul3A_732 = arith.muli %add3A_581, %mul3A_731 : i32
        %add3A_733 = arith.constant 4 : i32
        %add3A_734 = arith.addi %mul3A_732, %add3A_733 : i32
        %sub3A_735 = arith.constant 1 : i32
        %sub3A_736 = arith.subi %get3A_0, %sub3A_735 : i32
        %max3A_737 = arith.constant 0 : i32
        %max3A_738 = arith.maxsi %sub3A_736, %max3A_737 : i32
        %min3A_739 = arith.minsi %add3A_734, %max3A_738 : i32
        %get3A_740 = arith.index_cast %min3A_739 : i32 to index
        %get3A_741 = memref.load %arg1[%get3A_740] : memref<256xi32, #tpu.memory_space<smem>>
        %dma_start3A_742 = arith.constant 4 : i32
        %dma_start3A_743 = arith.constant 0 : i32
        %dma_start3A_744 = arith.constant 4 : i32
        %dma_start3A_745 = tpu.memref_slice %arg9[%dma_start3A_743, %rem3A_583, %dma_start3A_744] : memref<2x2x8x!tpu.dma_semaphore, #tpu.memory_space<semaphore_mem>> -> memref<1x1x1x!tpu.dma_semaphore, #tpu.memory_space<semaphore_mem>>
        %dma_start3A_746 = tpu.memref_squeeze %dma_start3A_745 : memref<1x1x1x!tpu.dma_semaphore, #tpu.memory_space<semaphore_mem>> -> memref<!tpu.dma_semaphore, #tpu.memory_space<semaphore_mem>>
        %dma_start3A_747 = arith.constant 0 : i32
        %dma_start3A_748 = arith.constant 0 : i32
        %dma_start3A_749 = tpu.memref_slice %arg6[%rem3A_583, %dma_start3A_742, %dma_start3A_747, %dma_start3A_748] : memref<2x8x1176x128xf32, #tpu.memory_space<vmem>> -> memref<1x1x1176x128xf32, #tpu.memory_space<vmem>>
        %dma_start3A_750 = tpu.memref_squeeze %dma_start3A_749 : memref<1x1x1176x128xf32, #tpu.memory_space<vmem>> -> memref<1176x128xf32, #tpu.memory_space<vmem>>
        %dma_start3A_751 = arith.constant 0 : i32
        %dma_start3A_752 = arith.constant 0 : i32
        %dma_start3A_753 = tpu.memref_slice %arg3[%get3A_741, %dma_start3A_751, %dma_start3A_752] : memref<256x1176x128xf32, #tpu.memory_space<any>> -> memref<1x1176x128xf32, #tpu.memory_space<any>>
        %dma_start3A_754 = tpu.memref_squeeze %dma_start3A_753 : memref<1x1176x128xf32, #tpu.memory_space<any>> -> memref<1176x128xf32, #tpu.memory_space<any>>
        tpu.enqueue_dma source(%dma_start3A_754 : memref<1176x128xf32, #tpu.memory_space<any>>) target(%dma_start3A_750 : memref<1176x128xf32, #tpu.memory_space<vmem>>) target_semaphore(%dma_start3A_746 : memref<!tpu.dma_semaphore, #tpu.memory_space<semaphore_mem>>)
        %dma_start3A_755 = arith.constant 4 : i32
        %dma_start3A_756 = arith.constant 1 : i32
        %dma_start3A_757 = arith.constant 4 : i32
        %dma_start3A_758 = tpu.memref_slice %arg9[%dma_start3A_756, %rem3A_583, %dma_start3A_757] : memref<2x2x8x!tpu.dma_semaphore, #tpu.memory_space<semaphore_mem>> -> memref<1x1x1x!tpu.dma_semaphore, #tpu.memory_space<semaphore_mem>>
        %dma_start3A_759 = tpu.memref_squeeze %dma_start3A_758 : memref<1x1x1x!tpu.dma_semaphore, #tpu.memory_space<semaphore_mem>> -> memref<!tpu.dma_semaphore, #tpu.memory_space<semaphore_mem>>
        %dma_start3A_760 = arith.constant 0 : i32
        %dma_start3A_761 = arith.constant 0 : i32
        %dma_start3A_762 = tpu.memref_slice %arg7[%rem3A_583, %dma_start3A_755, %dma_start3A_760, %dma_start3A_761] : memref<2x8x1176x128xf32, #tpu.memory_space<vmem>> -> memref<1x1x1176x128xf32, #tpu.memory_space<vmem>>
        %dma_start3A_763 = tpu.memref_squeeze %dma_start3A_762 : memref<1x1x1176x128xf32, #tpu.memory_space<vmem>> -> memref<1176x128xf32, #tpu.memory_space<vmem>>
        %dma_start3A_764 = arith.constant 0 : i32
        %dma_start3A_765 = arith.constant 0 : i32
        %dma_start3A_766 = tpu.memref_slice %arg4[%get3A_741, %dma_start3A_764, %dma_start3A_765] : memref<256x1176x128xf32, #tpu.memory_space<any>> -> memref<1x1176x128xf32, #tpu.memory_space<any>>
        %dma_start3A_767 = tpu.memref_squeeze %dma_start3A_766 : memref<1x1176x128xf32, #tpu.memory_space<any>> -> memref<1176x128xf32, #tpu.memory_space<any>>
        tpu.enqueue_dma source(%dma_start3A_767 : memref<1176x128xf32, #tpu.memory_space<any>>) target(%dma_start3A_763 : memref<1176x128xf32, #tpu.memory_space<vmem>>) target_semaphore(%dma_start3A_759 : memref<!tpu.dma_semaphore, #tpu.memory_space<semaphore_mem>>)
        %mul3A_768 = arith.constant 8 : i32
        %mul3A_769 = arith.muli %add3A_581, %mul3A_768 : i32
        %add3A_770 = arith.constant 5 : i32
        %add3A_771 = arith.addi %mul3A_769, %add3A_770 : i32
        %sub3A_772 = arith.constant 1 : i32
        %sub3A_773 = arith.subi %get3A_0, %sub3A_772 : i32
        %max3A_774 = arith.constant 0 : i32
        %max3A_775 = arith.maxsi %sub3A_773, %max3A_774 : i32
        %min3A_776 = arith.minsi %add3A_771, %max3A_775 : i32
        %get3A_777 = arith.index_cast %min3A_776 : i32 to index
        %get3A_778 = memref.load %arg1[%get3A_777] : memref<256xi32, #tpu.memory_space<smem>>
        %dma_start3A_779 = arith.constant 5 : i32
        %dma_start3A_780 = arith.constant 0 : i32
        %dma_start3A_781 = arith.constant 5 : i32
        %dma_start3A_782 = tpu.memref_slice %arg9[%dma_start3A_780, %rem3A_583, %dma_start3A_781] : memref<2x2x8x!tpu.dma_semaphore, #tpu.memory_space<semaphore_mem>> -> memref<1x1x1x!tpu.dma_semaphore, #tpu.memory_space<semaphore_mem>>
        %dma_start3A_783 = tpu.memref_squeeze %dma_start3A_782 : memref<1x1x1x!tpu.dma_semaphore, #tpu.memory_space<semaphore_mem>> -> memref<!tpu.dma_semaphore, #tpu.memory_space<semaphore_mem>>
        %dma_start3A_784 = arith.constant 0 : i32
        %dma_start3A_785 = arith.constant 0 : i32
        %dma_start3A_786 = tpu.memref_slice %arg6[%rem3A_583, %dma_start3A_779, %dma_start3A_784, %dma_start3A_785] : memref<2x8x1176x128xf32, #tpu.memory_space<vmem>> -> memref<1x1x1176x128xf32, #tpu.memory_space<vmem>>
        %dma_start3A_787 = tpu.memref_squeeze %dma_start3A_786 : memref<1x1x1176x128xf32, #tpu.memory_space<vmem>> -> memref<1176x128xf32, #tpu.memory_space<vmem>>
        %dma_start3A_788 = arith.constant 0 : i32
        %dma_start3A_789 = arith.constant 0 : i32
        %dma_start3A_790 = tpu.memref_slice %arg3[%get3A_778, %dma_start3A_788, %dma_start3A_789] : memref<256x1176x128xf32, #tpu.memory_space<any>> -> memref<1x1176x128xf32, #tpu.memory_space<any>>
        %dma_start3A_791 = tpu.memref_squeeze %dma_start3A_790 : memref<1x1176x128xf32, #tpu.memory_space<any>> -> memref<1176x128xf32, #tpu.memory_space<any>>
        tpu.enqueue_dma source(%dma_start3A_791 : memref<1176x128xf32, #tpu.memory_space<any>>) target(%dma_start3A_787 : memref<1176x128xf32, #tpu.memory_space<vmem>>) target_semaphore(%dma_start3A_783 : memref<!tpu.dma_semaphore, #tpu.memory_space<semaphore_mem>>)
        %dma_start3A_792 = arith.constant 5 : i32
        %dma_start3A_793 = arith.constant 1 : i32
        %dma_start3A_794 = arith.constant 5 : i32
        %dma_start3A_795 = tpu.memref_slice %arg9[%dma_start3A_793, %rem3A_583, %dma_start3A_794] : memref<2x2x8x!tpu.dma_semaphore, #tpu.memory_space<semaphore_mem>> -> memref<1x1x1x!tpu.dma_semaphore, #tpu.memory_space<semaphore_mem>>
        %dma_start3A_796 = tpu.memref_squeeze %dma_start3A_795 : memref<1x1x1x!tpu.dma_semaphore, #tpu.memory_space<semaphore_mem>> -> memref<!tpu.dma_semaphore, #tpu.memory_space<semaphore_mem>>
        %dma_start3A_797 = arith.constant 0 : i32
        %dma_start3A_798 = arith.constant 0 : i32
        %dma_start3A_799 = tpu.memref_slice %arg7[%rem3A_583, %dma_start3A_792, %dma_start3A_797, %dma_start3A_798] : memref<2x8x1176x128xf32, #tpu.memory_space<vmem>> -> memref<1x1x1176x128xf32, #tpu.memory_space<vmem>>
        %dma_start3A_800 = tpu.memref_squeeze %dma_start3A_799 : memref<1x1x1176x128xf32, #tpu.memory_space<vmem>> -> memref<1176x128xf32, #tpu.memory_space<vmem>>
        %dma_start3A_801 = arith.constant 0 : i32
        %dma_start3A_802 = arith.constant 0 : i32
        %dma_start3A_803 = tpu.memref_slice %arg4[%get3A_778, %dma_start3A_801, %dma_start3A_802] : memref<256x1176x128xf32, #tpu.memory_space<any>> -> memref<1x1176x128xf32, #tpu.memory_space<any>>
        %dma_start3A_804 = tpu.memref_squeeze %dma_start3A_803 : memref<1x1176x128xf32, #tpu.memory_space<any>> -> memref<1176x128xf32, #tpu.memory_space<any>>
        tpu.enqueue_dma source(%dma_start3A_804 : memref<1176x128xf32, #tpu.memory_space<any>>) target(%dma_start3A_800 : memref<1176x128xf32, #tpu.memory_space<vmem>>) target_semaphore(%dma_start3A_796 : memref<!tpu.dma_semaphore, #tpu.memory_space<semaphore_mem>>)
        %mul3A_805 = arith.constant 8 : i32
        %mul3A_806 = arith.muli %add3A_581, %mul3A_805 : i32
        %add3A_807 = arith.constant 6 : i32
        %add3A_808 = arith.addi %mul3A_806, %add3A_807 : i32
        %sub3A_809 = arith.constant 1 : i32
        %sub3A_810 = arith.subi %get3A_0, %sub3A_809 : i32
        %max3A_811 = arith.constant 0 : i32
        %max3A_812 = arith.maxsi %sub3A_810, %max3A_811 : i32
        %min3A_813 = arith.minsi %add3A_808, %max3A_812 : i32
        %get3A_814 = arith.index_cast %min3A_813 : i32 to index
        %get3A_815 = memref.load %arg1[%get3A_814] : memref<256xi32, #tpu.memory_space<smem>>
        %dma_start3A_816 = arith.constant 6 : i32
        %dma_start3A_817 = arith.constant 0 : i32
        %dma_start3A_818 = arith.constant 6 : i32
        %dma_start3A_819 = tpu.memref_slice %arg9[%dma_start3A_817, %rem3A_583, %dma_start3A_818] : memref<2x2x8x!tpu.dma_semaphore, #tpu.memory_space<semaphore_mem>> -> memref<1x1x1x!tpu.dma_semaphore, #tpu.memory_space<semaphore_mem>>
        %dma_start3A_820 = tpu.memref_squeeze %dma_start3A_819 : memref<1x1x1x!tpu.dma_semaphore, #tpu.memory_space<semaphore_mem>> -> memref<!tpu.dma_semaphore, #tpu.memory_space<semaphore_mem>>
        %dma_start3A_821 = arith.constant 0 : i32
        %dma_start3A_822 = arith.constant 0 : i32
        %dma_start3A_823 = tpu.memref_slice %arg6[%rem3A_583, %dma_start3A_816, %dma_start3A_821, %dma_start3A_822] : memref<2x8x1176x128xf32, #tpu.memory_space<vmem>> -> memref<1x1x1176x128xf32, #tpu.memory_space<vmem>>
        %dma_start3A_824 = tpu.memref_squeeze %dma_start3A_823 : memref<1x1x1176x128xf32, #tpu.memory_space<vmem>> -> memref<1176x128xf32, #tpu.memory_space<vmem>>
        %dma_start3A_825 = arith.constant 0 : i32
        %dma_start3A_826 = arith.constant 0 : i32
        %dma_start3A_827 = tpu.memref_slice %arg3[%get3A_815, %dma_start3A_825, %dma_start3A_826] : memref<256x1176x128xf32, #tpu.memory_space<any>> -> memref<1x1176x128xf32, #tpu.memory_space<any>>
        %dma_start3A_828 = tpu.memref_squeeze %dma_start3A_827 : memref<1x1176x128xf32, #tpu.memory_space<any>> -> memref<1176x128xf32, #tpu.memory_space<any>>
        tpu.enqueue_dma source(%dma_start3A_828 : memref<1176x128xf32, #tpu.memory_space<any>>) target(%dma_start3A_824 : memref<1176x128xf32, #tpu.memory_space<vmem>>) target_semaphore(%dma_start3A_820 : memref<!tpu.dma_semaphore, #tpu.memory_space<semaphore_mem>>)
        %dma_start3A_829 = arith.constant 6 : i32
        %dma_start3A_830 = arith.constant 1 : i32
        %dma_start3A_831 = arith.constant 6 : i32
        %dma_start3A_832 = tpu.memref_slice %arg9[%dma_start3A_830, %rem3A_583, %dma_start3A_831] : memref<2x2x8x!tpu.dma_semaphore, #tpu.memory_space<semaphore_mem>> -> memref<1x1x1x!tpu.dma_semaphore, #tpu.memory_space<semaphore_mem>>
        %dma_start3A_833 = tpu.memref_squeeze %dma_start3A_832 : memref<1x1x1x!tpu.dma_semaphore, #tpu.memory_space<semaphore_mem>> -> memref<!tpu.dma_semaphore, #tpu.memory_space<semaphore_mem>>
        %dma_start3A_834 = arith.constant 0 : i32
        %dma_start3A_835 = arith.constant 0 : i32
        %dma_start3A_836 = tpu.memref_slice %arg7[%rem3A_583, %dma_start3A_829, %dma_start3A_834, %dma_start3A_835] : memref<2x8x1176x128xf32, #tpu.memory_space<vmem>> -> memref<1x1x1176x128xf32, #tpu.memory_space<vmem>>
        %dma_start3A_837 = tpu.memref_squeeze %dma_start3A_836 : memref<1x1x1176x128xf32, #tpu.memory_space<vmem>> -> memref<1176x128xf32, #tpu.memory_space<vmem>>
        %dma_start3A_838 = arith.constant 0 : i32
        %dma_start3A_839 = arith.constant 0 : i32
        %dma_start3A_840 = tpu.memref_slice %arg4[%get3A_815, %dma_start3A_838, %dma_start3A_839] : memref<256x1176x128xf32, #tpu.memory_space<any>> -> memref<1x1176x128xf32, #tpu.memory_space<any>>
        %dma_start3A_841 = tpu.memref_squeeze %dma_start3A_840 : memref<1x1176x128xf32, #tpu.memory_space<any>> -> memref<1176x128xf32, #tpu.memory_space<any>>
        tpu.enqueue_dma source(%dma_start3A_841 : memref<1176x128xf32, #tpu.memory_space<any>>) target(%dma_start3A_837 : memref<1176x128xf32, #tpu.memory_space<vmem>>) target_semaphore(%dma_start3A_833 : memref<!tpu.dma_semaphore, #tpu.memory_space<semaphore_mem>>)
        %mul3A_842 = arith.constant 8 : i32
        %mul3A_843 = arith.muli %add3A_581, %mul3A_842 : i32
        %add3A_844 = arith.constant 7 : i32
        %add3A_845 = arith.addi %mul3A_843, %add3A_844 : i32
        %sub3A_846 = arith.constant 1 : i32
        %sub3A_847 = arith.subi %get3A_0, %sub3A_846 : i32
        %max3A_848 = arith.constant 0 : i32
        %max3A_849 = arith.maxsi %sub3A_847, %max3A_848 : i32
        %min3A_850 = arith.minsi %add3A_845, %max3A_849 : i32
        %get3A_851 = arith.index_cast %min3A_850 : i32 to index
        %get3A_852 = memref.load %arg1[%get3A_851] : memref<256xi32, #tpu.memory_space<smem>>
        %dma_start3A_853 = arith.constant 7 : i32
        %dma_start3A_854 = arith.constant 0 : i32
        %dma_start3A_855 = arith.constant 7 : i32
        %dma_start3A_856 = tpu.memref_slice %arg9[%dma_start3A_854, %rem3A_583, %dma_start3A_855] : memref<2x2x8x!tpu.dma_semaphore, #tpu.memory_space<semaphore_mem>> -> memref<1x1x1x!tpu.dma_semaphore, #tpu.memory_space<semaphore_mem>>
        %dma_start3A_857 = tpu.memref_squeeze %dma_start3A_856 : memref<1x1x1x!tpu.dma_semaphore, #tpu.memory_space<semaphore_mem>> -> memref<!tpu.dma_semaphore, #tpu.memory_space<semaphore_mem>>
        %dma_start3A_858 = arith.constant 0 : i32
        %dma_start3A_859 = arith.constant 0 : i32
        %dma_start3A_860 = tpu.memref_slice %arg6[%rem3A_583, %dma_start3A_853, %dma_start3A_858, %dma_start3A_859] : memref<2x8x1176x128xf32, #tpu.memory_space<vmem>> -> memref<1x1x1176x128xf32, #tpu.memory_space<vmem>>
        %dma_start3A_861 = tpu.memref_squeeze %dma_start3A_860 : memref<1x1x1176x128xf32, #tpu.memory_space<vmem>> -> memref<1176x128xf32, #tpu.memory_space<vmem>>
        %dma_start3A_862 = arith.constant 0 : i32
        %dma_start3A_863 = arith.constant 0 : i32
        %dma_start3A_864 = tpu.memref_slice %arg3[%get3A_852, %dma_start3A_862, %dma_start3A_863] : memref<256x1176x128xf32, #tpu.memory_space<any>> -> memref<1x1176x128xf32, #tpu.memory_space<any>>
        %dma_start3A_865 = tpu.memref_squeeze %dma_start3A_864 : memref<1x1176x128xf32, #tpu.memory_space<any>> -> memref<1176x128xf32, #tpu.memory_space<any>>
        tpu.enqueue_dma source(%dma_start3A_865 : memref<1176x128xf32, #tpu.memory_space<any>>) target(%dma_start3A_861 : memref<1176x128xf32, #tpu.memory_space<vmem>>) target_semaphore(%dma_start3A_857 : memref<!tpu.dma_semaphore, #tpu.memory_space<semaphore_mem>>)
        %dma_start3A_866 = arith.constant 7 : i32
        %dma_start3A_867 = arith.constant 1 : i32
        %dma_start3A_868 = arith.constant 7 : i32
        %dma_start3A_869 = tpu.memref_slice %arg9[%dma_start3A_867, %rem3A_583, %dma_start3A_868] : memref<2x2x8x!tpu.dma_semaphore, #tpu.memory_space<semaphore_mem>> -> memref<1x1x1x!tpu.dma_semaphore, #tpu.memory_space<semaphore_mem>>
        %dma_start3A_870 = tpu.memref_squeeze %dma_start3A_869 : memref<1x1x1x!tpu.dma_semaphore, #tpu.memory_space<semaphore_mem>> -> memref<!tpu.dma_semaphore, #tpu.memory_space<semaphore_mem>>
        %dma_start3A_871 = arith.constant 0 : i32
        %dma_start3A_872 = arith.constant 0 : i32
        %dma_start3A_873 = tpu.memref_slice %arg7[%rem3A_583, %dma_start3A_866, %dma_start3A_871, %dma_start3A_872] : memref<2x8x1176x128xf32, #tpu.memory_space<vmem>> -> memref<1x1x1176x128xf32, #tpu.memory_space<vmem>>
        %dma_start3A_874 = tpu.memref_squeeze %dma_start3A_873 : memref<1x1x1176x128xf32, #tpu.memory_space<vmem>> -> memref<1176x128xf32, #tpu.memory_space<vmem>>
        %dma_start3A_875 = arith.constant 0 : i32
        %dma_start3A_876 = arith.constant 0 : i32
        %dma_start3A_877 = tpu.memref_slice %arg4[%get3A_852, %dma_start3A_875, %dma_start3A_876] : memref<256x1176x128xf32, #tpu.memory_space<any>> -> memref<1x1176x128xf32, #tpu.memory_space<any>>
        %dma_start3A_878 = tpu.memref_squeeze %dma_start3A_877 : memref<1x1176x128xf32, #tpu.memory_space<any>> -> memref<1176x128xf32, #tpu.memory_space<any>>
        tpu.enqueue_dma source(%dma_start3A_878 : memref<1176x128xf32, #tpu.memory_space<any>>) target(%dma_start3A_874 : memref<1176x128xf32, #tpu.memory_space<vmem>>) target_semaphore(%dma_start3A_870 : memref<!tpu.dma_semaphore, #tpu.memory_space<semaphore_mem>>)
      } else {
      }
    }
    %get3A_39 = arith.constant 0 : index
    %get3A_40 = arith.constant 0 : index
    %get3A_41 = vector.load %arg8[%get3A_39, %get3A_40] : memref<8x128xf32, #tpu.memory_space<vmem>>, vector<8x128xf32>
    %reduce_sum3A = vector.shape_cast %get3A_41 : vector<8x128xf32> to vector<1x8x128xf32>
    %reduce_sum3A_42 = arith.constant dense<0.000000e+00> : vector<1xf32>
    %reduce_sum3A_43 = vector.multi_reduction <add>, %reduce_sum3A, %reduce_sum3A_42 [1, 2] : vector<1x8x128xf32> to vector<1xf32>
    %reduce_sum3A_44 = vector.shape_cast %reduce_sum3A_43 : vector<1xf32> to vector<1x1x1xf32>
    %reduce_sum3A_45 = vector.extract %reduce_sum3A_44[0, 0, 0] : f32 from vector<1x1x1xf32>
    %convert_element_type3A_46 = arith.sitofp %get3A_0 : i32 to f32
    %mul3A = arith.constant 1.505280e+05 : f32
    %mul3A_47 = arith.mulf %convert_element_type3A_46, %mul3A : f32
    %gt3A_48 = arith.constant 0 : i32
    %gt3A_49 = arith.cmpi sgt, %get3A_0, %gt3A_48 : i32
    %div3A_50 = arith.divf %reduce_sum3A_45, %mul3A_47 : f32
    %jit3A_51 = arith.constant 0.000000e+00 : f32
    %select_n3A_52 = arith.select %gt3A_49, %div3A_50, %jit3A_51 : f32
    %swap3A_53 = arith.constant 0 : index
    %swap3A_54 = arith.constant 0 : index
    %swap3A_55 = memref.load %arg5[%swap3A_53, %swap3A_54] : memref<1x1xf32, #tpu.memory_space<smem>>
    memref.store %select_n3A_52, %arg5[%swap3A_53, %swap3A_54] : memref<1x1xf32, #tpu.memory_space<smem>>
    return
  }
  func.func @transform_2(%arg0: i32, %arg1: memref<256xi32, #tpu.memory_space<smem>>, %arg2: memref<16xi32, #tpu.memory_space<smem>>) -> (i32, i32) {
    %c0_i32 = arith.constant 0 : i32
    %c0_i32_0 = arith.constant 0 : i32
    %c0_i32_1 = arith.constant 0 : i32
    return %c0_i32, %c0_i32_0 : i32, i32
  }
}

</mosaic_0001>

<sc_bundles>
// kernel: kernel.4.cloned.1.call-start
scs
__scs_entry_jumppad:
0x0: {  	(pc) =	sbr.rel $0x88, $3  }
0x1: {  	(tag) =	ssettag $0x0;
	lr =	simm.s32 $0x1  }
0x2: {  	[smem:$0x3F9E] =	sst lr;
	_ =	strace $0xD0000000  }
0x3: {  	_ = 	snop  }
0x4: {  	_ = 	snop  }
0x5: {  	_ = 	snop  }
0x6: {  	_ = 	snop  }
0x7: {  	_ = 	snop  }
__scs_overlays_trampoline_lowered:
0x8: {  	[smem:$0x3FAD] =	sst s0  }
0x9: {  	[smem:$0x3FAE] =	sst s1  }
0xa: {  	[smem:$0x3FAF] =	sst s2  }
0xb: {  	[smem:$0x3FB0] =	sst s3  }
0xc: {  	[smem:$0x3FB1] =	sst s4  }
0xd: {  	[smem:$0x3FB2] =	sst s5  }
0xe: {  	[smem:$0x3FB3] =	sst s6  }
0xf: {  	[smem:$0x3FB4] =	sst s7  }
0x10: {  	[smem:$0x3FB5] =	sst s8  }
0x11: {  	[smem:$0x3FB6] =	sst s9;
	s0 =	simm.s32 @!p0 $0x0  }
0x12: {  	s1 =	sld [smem:$0x3F9C];
	s0 =	simm.s32 @p0 $0x1  }
0x13: {  	[smem:$0x3FB7] =	sst s0;
	s0 =	simm.s32 @!p1 $0x0  }
0x14: {  	s2 =	sld [smem:$0x3F9B];
	s0 =	simm.s32 @p1 $0x1  }
0x15: {  	[smem:$0x3FB8] =	sst s0;
	s0 =	simm.s32 @!p2 $0x0  }
0x16: {  	s3 =	sld [smem:$0x3FDB];
	s0 =	simm.s32 @p2 $0x1  }
0x17: {  	s4 =	simm.s32 $0x1BF5;
	[smem:$0x3FBA] =	sst s0  }
0x18: {  	s0 =	sld [smem:$0x3F9D];
	_ =	swait.ge [sflag:s4], $0x0  }
0x19: {  	s7 =	sld [smem:$0x3F9E]  }
0x1a: {  	s8 =	sadd.s32 $0xFFFFE003, lr  }
0x1b: {  	s9 =	sadd.s32 $0xFFFFFEF7, lr;
	s5 =	simm.s32 $0xFFFFFFFF;
	p2 =	slt.u32 s8, $0xFFFFF086  }
0x1c: {  	p1 =	slt.u32 s9, $0xF7A;
	s5 =	simm.s32 @!p2 $0x0  }
0x1d: {  	s5 =	simm.s32 @p1 $0x1;
	p0 =	seq.s32 s7, s2  }
0x1e: {  	s7 =	smul.u32 @!p0 $0xF7A, s2;
	p2 =	seq.s32 @!p0 s5, $0x0  }
0x1f: {  	s9 =	smul.u32 $0xF7A, s1;
	s8 =	simm.s32 @!p0 $0x1BF5;
	p2 =	por !p2, p0  }
0x20: {  	[sflag:s8] =	ssyncset.s32 @!p0 $0xFFFFF086;
	s6 =	sadd.s32 @!p0 s3, s7;
	s7 =	simm.s32 @!p0 $0x108  }
0x21: {  	s3 =	sadd.s32 s3, s9;
	s6 =	sadd.s32 @!p0 $0x88, s6;
	s7 =	simm.s32 @p2 $0x1082  }
0x22: {  	[simem:s7], [sflag:s8] =	dma.local @!p0 [hbm:s6], $0xF7A  }
0x23: {  	s9 =	sor.u32 $0xD0000000, s2;
	s6 =	simm.s32 $0x108;
	_ =	swait.ge @!p0 [sflag:s8], $0x0  }
0x24: {  	s3 =	sadd.s32 $0x88, s3;
	s6 =	simm.s32 @!p1 $0x1082;
	[sflag:s4] =	ssyncset.s32 $0xFFFFF086  }
0x25: {  	[simem:s6], [sflag:s4] =	dma.local [hbm:s3], $0xF7A  }
0x26: {  	[smem:$0x3F9E] =	sst s1;
	(tag) =	ssettag s2;
	_ =	strace s9  }
0x27: {  	s1 =	sld [smem:$0x3FAE]  }
0x28: {  	s2 =	sld [smem:$0x3FAF]  }
0x29: {  	s4 =	sld [smem:$0x3FB1]  }
0x2a: {  	p0 =	seq.s32 s5, $0x0;
	s5 =	sld [smem:$0x3FB2]  }
0x2b: {  	s6 =	sld [smem:$0x3FB3]  }
0x2c: {  	s7 =	sld [smem:$0x3FB4]  }
0x2d: {  	s3 =	simm.s32 $0x108;
	s8 =	sld [smem:$0x3FB5]  }
0x2e: {  	s3 =	simm.s32 @!p0 $0x1082;
	s9 =	sld [smem:$0x3FB6]  }
0x2f: {  	lr =	sadd.s32 s0, s3;
	s0 =	sld [smem:$0x3FAD]  }
0x30: {  	s3 =	sld [smem:$0x3FB0]  }
0x31: {  	[smem:$0x3FB9] =	sst s10  }
0x32: {  	s10 =	sld [smem:$0x3FB7];
	_ =	sdelay $0x3  }
0x33: {  	p0 =	seq.s32 s10, $0x1;
	s10 =	sld [smem:$0x3FB9];
	_ =	sdelay $0x3  }
0x34: {  	[smem:$0x3FB9] =	sst s10  }
0x35: {  	s10 =	sld [smem:$0x3FB8];
	_ =	sdelay $0x3  }
0x36: {  	p1 =	seq.s32 s10, $0x1;
	s10 =	sld [smem:$0x3FB9];
	_ =	sdelay $0x3  }
0x37: {  	[smem:$0x3FB9] =	sst s10  }
0x38: {  	s10 =	sld [smem:$0x3FBA]  }
0x39: {  	_ = 	snop;
	(pc) =	sbr.ind lr, $3  }
0x3a: {  	_ = 	snop  }
0x3b: {  	_ = 	snop  }
0x3c: {  	p2 =	seq.s32 s10, $0x1;
	s10 =	sld [smem:$0x3FB9]  }
0x3d: {  	_ =	shalt  }
0x3e: {  	_ =	shalt  }
0x3f: {  	_ =	shalt  }
0x40: {  	_ =	shalt  }
0x41: {  	_ =	shalt  }
0x42: {  	_ =	shalt  }
0x43: {  	_ =	shalt  }
0x44: {  	_ =	shalt  }
0x45: {  	_ =	shalt  }
0x46: {  	_ =	shalt  }
0x47: {  	_ =	shalt  }
0x48: {  	_ =	shalt  }
0x49: {  	_ =	shalt  }
0x4a: {  	_ =	shalt  }
0x4b: {  	_ =	shalt  }
0x4c: {  	_ =	shalt  }
0x4d: {  	_ =	shalt  }
0x4e: {  	_ =	shalt  }
0x4f: {  	_ =	shalt  }
0x50: {  	_ =	shalt  }
0x51: {  	_ =	shalt  }
0x52: {  	_ =	shalt  }
0x53: {  	_ =	shalt  }
0x54: {  	_ =	shalt  }
0x55: {  	_ =	shalt  }
0x56: {  	_ =	shalt  }
0x57: {  	_ =	shalt  }
0x58: {  	_ =	shalt  }
0x59: {  	_ =	shalt  }
0x5a: {  	_ =	shalt  }
0x5b: {  	_ =	shalt  }
0x5c: {  	_ =	shalt  }
0x5d: {  	_ =	shalt  }
0x5e: {  	_ =	shalt  }
0x5f: {  	_ =	shalt  }
0x60: {  	_ =	shalt  }
0x61: {  	_ =	shalt  }
0x62: {  	_ =	shalt  }
0x63: {  	_ =	shalt  }
0x64: {  	_ =	shalt  }
0x65: {  	_ =	shalt  }
0x66: {  	_ =	shalt  }
0x67: {  	_ =	shalt  }
0x68: {  	_ =	shalt  }
0x69: {  	_ =	shalt  }
0x6a: {  	_ =	shalt  }
0x6b: {  	_ =	shalt  }
0x6c: {  	_ =	shalt  }
0x6d: {  	_ =	shalt  }
0x6e: {  	_ =	shalt  }
0x6f: {  	_ =	shalt  }
0x70: {  	_ =	shalt  }
0x71: {  	_ =	shalt  }
0x72: {  	_ =	shalt  }
0x73: {  	_ =	shalt  }
0x74: {  	_ =	shalt  }
0x75: {  	_ =	shalt  }
0x76: {  	_ =	shalt  }
0x77: {  	_ =	shalt  }
0x78: {  	_ =	shalt  }
0x79: {  	_ =	shalt  }
0x7a: {  	_ =	shalt  }
0x7b: {  	_ =	shalt  }
0x7c: {  	_ =	shalt  }
0x7d: {  	_ =	shalt  }
0x7e: {  	_ =	shalt  }
0x7f: {  	_ =	shalt  }
0x80: {  	_ =	shalt  }
0x81: {  	_ =	shalt  }
0x82: {  	_ =	shalt  }
0x83: {  	_ =	shalt  }
0x84: {  	_ =	shalt  }
0x85: {  	_ =	shalt  }
0x86: {  	_ =	shalt  }
0x87: {  	_ =	shalt  }
.Lfunc_end0:
.L_simem_size_0:
called_computation_lowered:
.L_overlay_start_0:
0x88: {  	s2 =	sld [smem:$0x3FD9]  }
0x89: {  	s3 =	sld [smem:$0x3FFE];
	_ =	sdelay $0x1  }
0x8a: {  	s1 =	srdreg.scid  }
0x8b: {  	s0 =	sand.u32 $0x1, s1  }
0x8c: {  	s17 =	sshll.u32 s0, $0xA;
	s2 =	sadd.s32 s3, s2  }
0x8d: {  	s2 =	sadd.s32 s2, s17  }
0x8e: {  	[smem:$0x3FC5] =	sst s2  }
0x8f: {  	_ = 	snop  }
0x90: {  	s2 =	sld [smem:$0x3FC7]  }
0x91: {  	s18 =	sld [smem:$0x3FD0];
	(tm) =	ssettm $0x1  }
0x92: {  	s4 =	sld [smem:$0x3FFB];
	_ =	sdelay $0x3  }
0x93: {  	_ =	strace s4  }
0x94: {  	s4 =	sld [smem:$0x3FFC];
	_ =	sdelay $0x3  }
0x95: {  	_ =	strace s4  }
0x96: {  	s4 =	sld [smem:$0x3FFD];
	_ =	sdelay $0x3  }
0x97: {  	_ =	strace s4  }
0x98: {  	_ =	strace $0x8FFFFFFF  }
0x99: {  	s19 =	sld [smem:$0x3FDB];
	_ =	sdelay $0x1  }
0x9a: {  	s5 =	simm.s32 $_scs_section_size  }
0x9b: {  	s6 =	simm.s32 $_size__tile_overlayer_lowered;
	s7 =	simm.s32 $_tile_overlayer_lowered  }
0x9c: {  	s22 =	simm.s32 $0x1BFF;
	s21 =	sshll.u32 s7, $0x1;
	s4 =	sadd.s32 s5, s19  }
0x9d: {  	s8 =	simm.s32 $0x0;
	s20 =	sshll.u32 s6, $0x1;
	s6 =	sadd.s32 s21, s4  }
0x9e: {  	[timem:s8], [sflag:s22] =	dma.local [hbm:s6], s20  }
0x9f: {  	_ =	swait.ge [sflag:s22], s20  }
0xa0: {  	s5 =	ssub.s32 $0x0, s20;
	[sflag:s22] =	ssyncset.done $0x0  }
0xa1: {  	[sflag:s22] =	ssyncadd.s32 s5;
	_ =	sdelay $0x1  }
0xa2: {  	s23 =	simm.s32 $0x1B8B  }
0xa3: {  	_ =	swait.ge [sflag:s23], $0x1  }
0xa4: {  	[sflag:s23] =	ssyncset.done $0x0  }
0xa5: {  	s25 =	simm.s32 $0x1B8E;
	s24 =	sld [smem:$0x3FFE];
	[sflag:s23] =	ssyncadd.s32 $0xFFFFFFFF  }
0xa6: {  	s26 =	simm.s32 $execute0_lowered;
	[smem:$0x3FD2] =	sst s25  }
0xa7: {  	s6 =	sshll.u32 s26, $0x1;
	_ =	strace $0x80000046;
	[dreg:$0x1] =	wrdreg $0xFFFFFFFF  }
0xa8: {  	s28 =	simm.s32 $_size_execute0_lowered;
	s4 =	sadd.s32 s4, s6;
	[dreg:$0x0] =	wrdreg $0x0  }
0xa9: {  	s6 =	sshll.u32 s28, $0x1;
	[dreg:$0x2] =	wrdreg s4  }
0xaa: {  	[dreg:$0x3] =	wrdreg s6  }
0xab: {  	[dreg:$0x4] =	wrdreg $0xC0  }
0xac: {  	_ =	task [dreg:s8], $0x5FFFF  }
0xad: {  	[dreg:$0x1] =	wrdreg $0xFFFFFFFF  }
0xae: {  	[dreg:$0x0] =	wrdreg $0x60  }
0xaf: {  	[dreg:$0x2] =	wrdreg s2  }
0xb0: {  	[dreg:$0x3] =	wrdreg s24  }
0xb1: {  	[dreg:$0x4] =	wrdreg s18  }
0xb2: {  	[dreg:$0x5] =	wrdreg $0x9  }
0xb3: {  	_ =	task.clear_ibuf [dreg:s8], $0x6FFFF;
	_ =	strace $0x90000046  }
0xb4: {  	s29 =	simm.s32 $0x9;
	_ =	strace $0x80000048  }
0xb5: {  	_ =	swait.ge [sflag:s29], $0x1  }
0xb6: {  	[sflag:s29] =	ssyncadd.s32 $0xFFFFFFFF  }
0xb7: {  	_ =	strace $0x90000048  }
0xb8: {  	_ =	sfence  }
0xb9: {  	s30 =	sld [smem:$0x0];
	_ =	sdelay $0x2  }
0xba: {  	s31 =	sshll.u32 s1, $0xD;
	s1 =	sshrl.u32 s1, $0x2  }
0xbb: {  	s3 =	sand.u32 $0x4000, s31;
	s1 =	sadd.s32 s1, s30  }
0xbc: {  	s0 =	sor.u32 s3, s0;
	s1 =	sshll.u32 s1, $0x11  }
0xbd: {  	s0 =	sor.u32 s1, s0  }
0xbe: {  	s0 =	sadd.s32 $0x8F2B, s0  }
0xbf: {  	[sflag:s0] =	ssyncadd.remote.s32 $0x1  }
0xc0: {  	_ =	sfence.sel $0xFFFF  }
0xc1: {  	[dreg:$0x0] =	wrdreg $0xFFFFFFFF;
	(pc) =	sbr.abs _section_cstart, $3  }
0xc2: {  	[dreg:$0x1] =	wrdreg $0xFFFFFFFF  }
0xc3: {  	_ =	task.clear_ibuf [dreg:s8], $0x2FFFF;
	_ =	strace $0x9FFFFFFF  }
0xc4: {  	(tm) =	ssettm $0x7FFFFFFF  }
0xc5: {  	_ =	shalt  }
tec
execute0_lowered:
.L_overlay_start_1:
0x0: {  	(tag) =	ssettag $0x1  }
0x1: {  	s0 =	srdreg.scid  }
0x2: {  	s5 =	sand.u32 $0x1, s0;
	s0 =	stileid.u32  }
0x3: {  	s6 =	sor.u32 s0, s5  }
0x4: {  	p0 =	sne.s32 s6, $0x0  }
.Ltmp0:
0x5: {  	_ = 	snop;
	(pc) =	sbr.rel @p0 .LBB2_3-.Ltmp0, $4  }
0x6: {  	s1 =	rddreg [dreg:$0x0]  }
0x7: {  	s4 =	rddreg [dreg:$0x1]  }
0x8: {  	s3 =	rddreg [dreg:$0x2]  }
0x9: {  	s2 =	rddreg [dreg:$0x3];
	_ =	strace $0x80000047  }
0xa: {  	v0 =	vimm.s32 $0x0;
	v1 =	vlaneseq.u32;
	v2 =	vimm.s32 $0xF  }
0xb: {  	v3 =	vor.u32 $0x10, v1;
	v4 =	vor.u32 $0x20, v1;
	v5 =	vor.u32 $0x30, v1  }
0xc: {  	v6 =	vor.u32 $0x40, v1;
	v7 =	vor.u32 $0x50, v1;
	v8 =	vor.u32 $0x60, v1  }
0xd: {  	s5 =	ssub.s32 $0x2, s5;
	s4 =	sadd.s32 $0xC00, s4;
	v9 =	vor.u32 $0x70, v1;
	v10 =	vor.u32 $0x80, v1;
	v11 =	vor.u32 $0x90, v1  }
0xe: {  	s7 =	simm.s32 $0x1;
	s8 =	simm.s32 $0x100;
	s6 =	sshrl.u32 s5, $0x1;
	v12 =	vor.u32 $0xA0, v1;
	v13 =	vor.u32 $0xB0, v1;
	v14 =	vor.u32 $0xC0, v1  }
0xf: {  	s9 =	simm.s32 $0x200;
	v15 =	vor.u32 $0xD0, v1;
	v16 =	vor.u32 $0xE0, v1;
	v17 =	vor.u32 $0xF0, v1;
	s5 =	ssub.s32 s5, s6;
	s6 =	simm.s32 $0x0  }
.LBB2_2:
0x10: {  	[tilespmem:s6], [sflag:$0x1] =	stream.linear.gather [hbm4b:s1+s6], $0x100, $0x38;
	[tilespmem:$0x280] =	vst v63  }
0x11: {  	_ =	swait.ge [sflag:s7], $0x100  }
0x12: {  	[sflag:s7] =	ssyncset.done $0x0  }
0x13: {  	[sflag:s7] =	ssyncadd.s32 $0xFFFFFF00  }
0x14: {  	v18 =	vld [tilespmem:$0x0];
	_ =	sdelay $0x2  }
0x15: {  	[tilespmem:$0x100] =	vst v0  }
0x16: {  	[tilespmem:$0x110] =	vst v0  }
0x17: {  	[tilespmem:$0x120] =	vst v0;
	vm0 =	veq.s32 v18, $0x1  }
0x18: {  	[tilespmem:$0x130] =	vst v0;
	v18 =	vsel vm0, $0x1, v0  }
0x19: {  	[tilespmem:$0x140] =	vst v0;
	(xrf0) =	vadd.scan.msk.s32 $0xffff, v18  }
0x1a: {  	[tilespmem:$0x150] =	vst v0  }
0x1b: {  	[tilespmem:$0x160] =	vst v0  }
0x1c: {  	[tilespmem:$0x170] =	vst v0  }
0x1d: {  	[tilespmem:$0x180] =	vst v0  }
0x1e: {  	[tilespmem:$0x190] =	vst v0  }
0x1f: {  	[tilespmem:$0x1A0] =	vst v0;
	v19, _, _ =	vpop (xrf0)  }
0x20: {  	[tilespmem:$0x1B0] =	vst v0;
	v18 =	vsub.s32 v19, v18  }
0x21: {  	[tilespmem:$0x1C0] =	vst v0  }
0x22: {  	[tilespmem:$0x1D0] =	vst v0  }
0x23: {  	[tilespmem:$0x1E0] =	vst v0  }
0x24: {  	[tilespmem:$0x1F0] =	vst v0  }
0x25: {  	[tilespmem:v18+s8+$0x0] =	vst.idx.msk vm0, v1  }
0x26: {  	v18 =	vld [tilespmem:$0x10];
	_ =	sdelay $0x4  }
0x27: {  	vm13 =	veq.s32 v18, $0x1  }
0x28: {  	v18 =	vsel vm13, $0x1, v0  }
0x29: {  	(xrf0) =	vadd.scan.msk.s32 $0xffff, v18;
	_ =	sdelay $0x3  }
0x2a: {  	v18 =	vperm.xlane v19, v2  }
0x2b: {  	v19 =	vsel vm13, $0xFFFFFFFF, v0  }
0x2c: {  	v19 =	vadd.s32 v19, v18;
	v20, _, _ =	vpop (xrf0)  }
0x2d: {  	v19 =	vadd.s32 v20, v19;
	_ =	sdelay $0x4  }
0x2e: {  	[tilespmem:v19+s8+$0x0] =	vst.idx.msk vm13, v3  }
0x2f: {  	v19 =	vld [tilespmem:$0x20];
	_ =	sdelay $0x4  }
0x30: {  	vm14 =	veq.s32 v19, $0x1  }
0x31: {  	v19 =	vsel vm14, $0x1, v0  }
0x32: {  	(xrf0) =	vadd.scan.msk.s32 $0xffff, v19;
	_ =	sdelay $0x2  }
0x33: {  	v19 =	vperm.xlane v20, v2;
	_ =	sdelay $0x1  }
0x34: {  	v18 =	vadd.s32 v18, v19;
	v19 =	vsel vm14, $0xFFFFFFFF, v0  }
0x35: {  	v19 =	vadd.s32 v19, v18;
	v50, _, _ =	vpop (xrf0)  }
0x36: {  	v19 =	vadd.s32 v50, v19;
	_ =	sdelay $0x4  }
0x37: {  	[tilespmem:v19+s8+$0x0] =	vst.idx.msk vm14, v4  }
0x38: {  	v19 =	vld [tilespmem:$0x30];
	_ =	sdelay $0x4  }
0x39: {  	vm15 =	veq.s32 v19, $0x1  }
0x3a: {  	v19 =	vsel vm15, $0x1, v0  }
0x3b: {  	(xrf0) =	vadd.scan.msk.s32 $0xffff, v19;
	_ =	sdelay $0x2  }
0x3c: {  	v19 =	vperm.xlane v50, v2;
	_ =	sdelay $0x1  }
0x3d: {  	v18 =	vadd.s32 v18, v19;
	v19 =	vsel vm15, $0xFFFFFFFF, v0  }
0x3e: {  	v19 =	vadd.s32 v19, v18;
	v51, _, _ =	vpop (xrf0)  }
0x3f: {  	v19 =	vadd.s32 v51, v19;
	_ =	sdelay $0x4  }
0x40: {  	[tilespmem:v19+s8+$0x0] =	vst.idx.msk vm15, v5  }
0x41: {  	v19 =	vld [tilespmem:$0x40];
	_ =	sdelay $0x4  }
0x42: {  	vm4 =	veq.s32 v19, $0x1  }
0x43: {  	v19 =	vsel vm4, $0x1, v0  }
0x44: {  	(xrf0) =	vadd.scan.msk.s32 $0xffff, v19;
	_ =	sdelay $0x2  }
0x45: {  	v19 =	vperm.xlane v51, v2;
	_ =	sdelay $0x1  }
0x46: {  	v18 =	vadd.s32 v18, v19;
	v19 =	vsel vm4, $0xFFFFFFFF, v0  }
0x47: {  	v19 =	vadd.s32 v19, v18;
	v52, _, _ =	vpop (xrf0)  }
0x48: {  	v19 =	vadd.s32 v52, v19;
	_ =	sdelay $0x4  }
0x49: {  	[tilespmem:v19+s8+$0x0] =	vst.idx.msk vm4, v6  }
0x4a: {  	v19 =	vld [tilespmem:$0x50];
	_ =	sdelay $0x4  }
0x4b: {  	vm5 =	veq.s32 v19, $0x1  }
0x4c: {  	v19 =	vsel vm5, $0x1, v0  }
0x4d: {  	(xrf0) =	vadd.scan.msk.s32 $0xffff, v19;
	_ =	sdelay $0x2  }
0x4e: {  	v19 =	vperm.xlane v52, v2;
	_ =	sdelay $0x1  }
0x4f: {  	v18 =	vadd.s32 v18, v19;
	v19 =	vsel vm5, $0xFFFFFFFF, v0  }
0x50: {  	v19 =	vadd.s32 v19, v18;
	v53, _, _ =	vpop (xrf0)  }
0x51: {  	v19 =	vadd.s32 v53, v19;
	_ =	sdelay $0x4  }
0x52: {  	[tilespmem:v19+s8+$0x0] =	vst.idx.msk vm5, v7  }
0x53: {  	v19 =	vld [tilespmem:$0x60];
	_ =	sdelay $0x4  }
0x54: {  	vm6 =	veq.s32 v19, $0x1  }
0x55: {  	v19 =	vsel vm6, $0x1, v0  }
0x56: {  	(xrf0) =	vadd.scan.msk.s32 $0xffff, v19;
	_ =	sdelay $0x2  }
0x57: {  	v19 =	vperm.xlane v53, v2;
	_ =	sdelay $0x1  }
0x58: {  	v18 =	vadd.s32 v18, v19;
	v19 =	vsel vm6, $0xFFFFFFFF, v0  }
0x59: {  	v19 =	vadd.s32 v19, v18;
	v54, _, _ =	vpop (xrf0)  }
0x5a: {  	v19 =	vadd.s32 v54, v19;
	_ =	sdelay $0x4  }
0x5b: {  	[tilespmem:v19+s8+$0x0] =	vst.idx.msk vm6, v8  }
0x5c: {  	v19 =	vld [tilespmem:$0x70];
	_ =	sdelay $0x4  }
0x5d: {  	vm7 =	veq.s32 v19, $0x1  }
0x5e: {  	v19 =	vsel vm7, $0x1, v0  }
0x5f: {  	(xrf0) =	vadd.scan.msk.s32 $0xffff, v19;
	_ =	sdelay $0x2  }
0x60: {  	v19 =	vperm.xlane v54, v2;
	_ =	sdelay $0x1  }
0x61: {  	v18 =	vadd.s32 v18, v19;
	v19 =	vsel vm7, $0xFFFFFFFF, v0  }
0x62: {  	v19 =	vadd.s32 v19, v18;
	v55, _, _ =	vpop (xrf0)  }
0x63: {  	v19 =	vadd.s32 v55, v19;
	_ =	sdelay $0x4  }
0x64: {  	[tilespmem:v19+s8+$0x0] =	vst.idx.msk vm7, v9  }
0x65: {  	v19 =	vld [tilespmem:$0x80];
	_ =	sdelay $0x4  }
0x66: {  	vm8 =	veq.s32 v19, $0x1  }
0x67: {  	v19 =	vsel vm8, $0x1, v0  }
0x68: {  	(xrf0) =	vadd.scan.msk.s32 $0xffff, v19;
	_ =	sdelay $0x2  }
0x69: {  	v19 =	vperm.xlane v55, v2;
	_ =	sdelay $0x1  }
0x6a: {  	v18 =	vadd.s32 v18, v19;
	v19 =	vsel vm8, $0xFFFFFFFF, v0  }
0x6b: {  	v19 =	vadd.s32 v19, v18;
	v56, _, _ =	vpop (xrf0)  }
0x6c: {  	v19 =	vadd.s32 v56, v19;
	_ =	sdelay $0x4  }
0x6d: {  	[tilespmem:v19+s8+$0x0] =	vst.idx.msk vm8, v10  }
0x6e: {  	v19 =	vld [tilespmem:$0x90];
	_ =	sdelay $0x4  }
0x6f: {  	vm9 =	veq.s32 v19, $0x1  }
0x70: {  	v19 =	vsel vm9, $0x1, v0  }
0x71: {  	(xrf0) =	vadd.scan.msk.s32 $0xffff, v19;
	_ =	sdelay $0x2  }
0x72: {  	v19 =	vperm.xlane v56, v2;
	_ =	sdelay $0x1  }
0x73: {  	v18 =	vadd.s32 v18, v19;
	v19 =	vsel vm9, $0xFFFFFFFF, v0  }
0x74: {  	v19 =	vadd.s32 v19, v18;
	v57, _, _ =	vpop (xrf0)  }
0x75: {  	v19 =	vadd.s32 v57, v19;
	_ =	sdelay $0x4  }
0x76: {  	[tilespmem:v19+s8+$0x0] =	vst.idx.msk vm9, v11  }
0x77: {  	v19 =	vld [tilespmem:$0xA0];
	_ =	sdelay $0x4  }
0x78: {  	vm10 =	veq.s32 v19, $0x1  }
0x79: {  	v19 =	vsel vm10, $0x1, v0  }
0x7a: {  	(xrf0) =	vadd.scan.msk.s32 $0xffff, v19;
	_ =	sdelay $0x2  }
0x7b: {  	v19 =	vperm.xlane v57, v2;
	_ =	sdelay $0x1  }
0x7c: {  	v18 =	vadd.s32 v18, v19;
	v19 =	vsel vm10, $0xFFFFFFFF, v0  }
0x7d: {  	v19 =	vadd.s32 v19, v18;
	v58, _, _ =	vpop (xrf0)  }
0x7e: {  	v19 =	vadd.s32 v58, v19;
	_ =	sdelay $0x4  }
0x7f: {  	[tilespmem:v19+s8+$0x0] =	vst.idx.msk vm10, v12  }
0x80: {  	v19 =	vld [tilespmem:$0xB0];
	_ =	sdelay $0x4  }
0x81: {  	vm11 =	veq.s32 v19, $0x1  }
0x82: {  	v19 =	vsel vm11, $0x1, v0  }
0x83: {  	(xrf0) =	vadd.scan.msk.s32 $0xffff, v19;
	_ =	sdelay $0x2  }
0x84: {  	v19 =	vperm.xlane v58, v2;
	_ =	sdelay $0x1  }
0x85: {  	v18 =	vadd.s32 v18, v19;
	v19 =	vsel vm11, $0xFFFFFFFF, v0  }
0x86: {  	v19 =	vadd.s32 v19, v18;
	v59, _, _ =	vpop (xrf0)  }
0x87: {  	v19 =	vadd.s32 v59, v19;
	_ =	sdelay $0x4  }
0x88: {  	[tilespmem:v19+s8+$0x0] =	vst.idx.msk vm11, v13  }
0x89: {  	v19 =	vld [tilespmem:$0xC0];
	_ =	sdelay $0x4  }
0x8a: {  	vm12 =	veq.s32 v19, $0x1  }
0x8b: {  	v19 =	vsel vm12, $0x1, v0  }
0x8c: {  	(xrf0) =	vadd.scan.msk.s32 $0xffff, v19;
	_ =	sdelay $0x2  }
0x8d: {  	v19 =	vperm.xlane v59, v2;
	_ =	sdelay $0x1  }
0x8e: {  	v18 =	vadd.s32 v18, v19;
	v19 =	vsel vm12, $0xFFFFFFFF, v0  }
0x8f: {  	v19 =	vadd.s32 v19, v18;
	v60, _, _ =	vpop (xrf0)  }
0x90: {  	v19 =	vadd.s32 v60, v19;
	_ =	sdelay $0x4  }
0x91: {  	[tilespmem:v19+s8+$0x0] =	vst.idx.msk vm12, v14  }
0x92: {  	v19 =	vld [tilespmem:$0xD0];
	_ =	sdelay $0x4  }
0x93: {  	vm13 =	veq.s32 v19, $0x1  }
0x94: {  	v19 =	vsel vm13, $0x1, v0  }
0x95: {  	(xrf0) =	vadd.scan.msk.s32 $0xffff, v19;
	_ =	sdelay $0x2  }
0x96: {  	v19 =	vperm.xlane v60, v2;
	_ =	sdelay $0x1  }
0x97: {  	v18 =	vadd.s32 v18, v19;
	v19 =	vsel vm13, $0xFFFFFFFF, v0  }
0x98: {  	v19 =	vadd.s32 v19, v18;
	v61, _, _ =	vpop (xrf0)  }
0x99: {  	v19 =	vadd.s32 v61, v19;
	_ =	sdelay $0x4  }
0x9a: {  	[tilespmem:v19+s8+$0x0] =	vst.idx.msk vm13, v15  }
0x9b: {  	v19 =	vld [tilespmem:$0xE0];
	_ =	sdelay $0x4  }
0x9c: {  	vm14 =	veq.s32 v19, $0x1  }
0x9d: {  	v19 =	vsel vm14, $0x1, v0  }
0x9e: {  	(xrf0) =	vadd.scan.msk.s32 $0xffff, v19;
	_ =	sdelay $0x2  }
0x9f: {  	v19 =	vperm.xlane v61, v2;
	_ =	sdelay $0x1  }
0xa0: {  	v18 =	vadd.s32 v18, v19;
	v19 =	vsel vm14, $0xFFFFFFFF, v0  }
0xa1: {  	v19 =	vadd.s32 v19, v18;
	v62, _, _ =	vpop (xrf0)  }
0xa2: {  	v19 =	vadd.s32 v62, v19;
	_ =	sdelay $0x4  }
0xa3: {  	[tilespmem:v19+s8+$0x0] =	vst.idx.msk vm14, v16  }
0xa4: {  	v19 =	vld [tilespmem:$0xF0];
	_ =	sdelay $0x4  }
0xa5: {  	vm15 =	veq.s32 v19, $0x1  }
0xa6: {  	v19 =	vsel vm15, $0x1, v0  }
0xa7: {  	(xrf0) =	vadd.scan.msk.s32 $0xffff, v19;
	_ =	sdelay $0x2  }
0xa8: {  	v19 =	vperm.xlane v62, v2;
	_ =	sdelay $0x1  }
0xa9: {  	v18 =	vadd.s32 v18, v19;
	v19 =	vsel vm15, $0xFFFFFFFF, v0  }
0xaa: {  	v19 =	vadd.s32 v19, v18;
	v63, _, _ =	vpop (xrf0)  }
0xab: {  	v19 =	vadd.s32 v63, v19;
	_ =	sdelay $0x2  }
0xac: {  	v20 =	vperm.xlane v63, v2;
	_ =	sdelay $0x1  }
0xad: {  	v18 =	vadd.s32 v18, v20;
	[tilespmem:v19+s8+$0x0] =	vst.idx.msk vm15, v17  }
0xae: {  	[tilespmem:$0x200] =	vst v18  }
0xaf: {  	[hbm4b:s4+s6] =	stream.linear.scatter [tilespmem:s8], [sflag:$0x1], $0x100, $0x38;
	[tilespmem:$0x280] =	vst v63  }
0xb0: {  	_ =	swait.ge [sflag:s7], $0x100  }
0xb1: {  	p0 =	sne.s32 s5, $0x1;
	[sflag:s7] =	ssyncset.done $0x0  }
.Ltmp1:
0xb2: {  	[sflag:s7] =	ssyncadd.s32 $0xFFFFFF00;
	(pc) =	sbr.rel @p0 .LBB2_2-.Ltmp1, $4  }
0xb3: {  	[hbm4b:s3+s6] =	stream.linear.scatter [tilespmem:s9], [sflag:$0x1], $0x80, $0x38;
	[tilespmem:$0x280] =	vst v63  }
0xb4: {  	_ =	swait.ge [sflag:s7], $0x80  }
0xb5: {  	[sflag:s7] =	ssyncset.done $0x0  }
0xb6: {  	s5 =	sadd.s32 $0xFFFFFFFF, s5;
	[sflag:s7] =	ssyncadd.s32 $0xFFFFFF80  }
.LBB2_3:
0xb7: {  	_ =	sfence.sel $0x180000  }
0xb8: {  	[bflag:$0x0] =	sbarrier.arrive $0xFFFF  }
0xb9: {  	p0 =	sne.s32 s0, $0x0;
	_ =	strace $0x90000047  }
0xba: {  	s0 =	sadd.s32 @!p0 $0x100000, s2;
	[bflag:$0x2] =	sbarrier.arrive $0xFFFF  }
0xbb: {  	[sflag:s0] =	ssyncadd.tile.s32 @!p0 $0x1;
	_ =	shalt  }
.Lfunc_end2:
_tile_overlayer_lowered:
.L_overlay_start_2:
0xbc: {  	(tag) =	ssettag $0x2  }
0xbd: {  	s0 =	rddreg [dreg:$0x0];
	s2 =	stileid.u32  }
0xbe: {  	s1 =	rddreg [dreg:$0x1];
	p0 =	sne.s32 s2, $0x0  }
0xbf: {  	s3 =	rddreg [dreg:$0x2];
	[bflag:$0x3] =	sbarrier.arrive $0xFFFF;
	s2 =	simm.s32 @!p0 $0x1C01  }
0xc0: {  	[timem:s3], [sflag:s2] =	dma.local @!p0 [hbm:s0], s1  }
0xc1: {  	s0 =	simm.s32 @!p0 $0x1  }
0xc2: {  	_ =	swait.ge @!p0 [sflag:s0], s1  }
0xc3: {  	s1 =	ssub.s32 @!p0 $0x0, s1;
	[sflag:s0] =	ssyncset.done @!p0 $0x0  }
0xc4: {  	[sflag:s0] =	ssyncadd.s32 @!p0 s1  }
0xc5: {  	[bflag:$0x3] =	sbarrier.arrive $0xFFFF  }
0xc6: {  	_ =	shalt  }

</sc_bundles>
